<compile_context>
chip_gen: v7x
topology: tpu7x:2x2x1
jax: 0.10.2.dev20260603
libtpu: 0.0.44.dev20260713+nightly
codegen_flags: <defaults>
</compile_context>

<pallas_src>
import jax
import jax.numpy as jnp
from jax import lax
from jax.experimental import pallas as pl
from jax.experimental.pallas import tpu as pltpu
from jax.experimental.pallas import tpu_sc as plsc

VOCAB = 1000000
EMBED_DIM = 64
MAX_LEN = 200
BATCH = 1024
SEQ_LEN = 200

NUM_CORES = 2
NUM_SUBCORES = 16
NUM_WORKERS = NUM_CORES * NUM_SUBCORES

TOTAL_ROWS = BATCH * SEQ_LEN
ROWS_PER_WORKER = TOTAL_ROWS // NUM_WORKERS
CHUNK = 128
CHUNKS_PER_WORKER = ROWS_PER_WORKER // CHUNK
OUT_CHUNK = CHUNK // 2
NBUF = 3


def _body(x_hbm, wt2_hbm, pos_hbm, out_hbm, idx_v, pidx_v, pos_v, bufg_v, bufo_v, gsem, ssem):
    cid = lax.axis_index("c")
    sid = lax.axis_index("s")
    wid = sid * NUM_CORES + cid
    obase = wid * (ROWS_PER_WORKER // 2)

    pltpu.sync_copy(x_hbm.at[wid], idx_v)
    pltpu.sync_copy(pos_hbm, pos_v)

    def mk_pairs(i, c2):
        for u in range(CHUNK // 16):
            sl = pl.ds(u * 16, 16)
            pidx_v[i, sl] = idx_v[i, sl] >> 1
        return c2

    lax.fori_loop(0, CHUNKS_PER_WORKER, mk_pairs, 0)

    NSUB = CHUNK // 16

    def start_gather(j, b):
        for t in range(NSUB):
            sl = pl.ds(t * 16, 16)
            pltpu.async_copy(
                wt2_hbm.at[pidx_v[j, sl]], bufg_v.at[b, sl], gsem.at[b]
            )

    def wait_gather(j, b):
        for t in range(NSUB):
            sl = pl.ds(t * 16, 16)
            pltpu.make_async_copy(
                wt2_hbm.at[pidx_v[j, sl]], bufg_v.at[b, sl], gsem.at[b]
            ).wait()

    for b in range(NBUF):
        start_gather(b, b)

    def chunk_step(j, carry):
        b = j % NBUF
        wait_gather(j, b)

        @pl.when(j >= NBUF)
        def _():
            pltpu.make_async_copy(
                bufo_v.at[b], out_hbm.at[pl.ds(obase + (j - NBUF) * OUT_CHUNK, OUT_CHUNK)], ssem.at[b]
            ).wait()

        pbase = lax.rem(j * CHUNK, MAX_LEN)

        def grp_step(g, c2):
            base_fr = g * 16
            hv = (idx_v[j, pl.ds(base_fr, 16)] & 1) * EMBED_DIM
            for u in range(16):
                fr = base_fr + u
                h = hv[u]
                k = (base_fr >> 1) + (u // 2)
                half = u % 2
                pr = pbase + fr
                pr = jnp.where(pr >= MAX_LEN, pr - MAX_LEN, pr)
                for c in range(EMBED_DIM // 16):
                    sl = pl.ds(c * 16, 16)
                    bufo_v[b, k, pl.ds(half * EMBED_DIM + c * 16, 16)] = (
                        bufg_v[b, fr, pl.ds(h + c * 16, 16)] + pos_v[pr, sl]
                    )
            return c2

        lax.fori_loop(0, CHUNK // 16, grp_step, 0)

        pltpu.async_copy(
            bufo_v.at[b], out_hbm.at[pl.ds(obase + j * OUT_CHUNK, OUT_CHUNK)], ssem.at[b]
        )

        @pl.when(j + NBUF < CHUNKS_PER_WORKER)
        def _():
            start_gather(j + NBUF, b)

        return carry

    lax.fori_loop(0, CHUNKS_PER_WORKER, chunk_step, 0)

    for t in range(NBUF):
        j = CHUNKS_PER_WORKER - NBUF + t
        pltpu.make_async_copy(
            bufo_v.at[j % NBUF], out_hbm.at[pl.ds(obase + j * OUT_CHUNK, OUT_CHUNK)], ssem.at[j % NBUF]
        ).wait()


@jax.jit
def _lookup(x3, wt2, pos_embedding):
    mesh = plsc.VectorSubcoreMesh(core_axis_name="c", subcore_axis_name="s")
    f = pl.kernel(
        _body,
        out_type=jax.ShapeDtypeStruct((TOTAL_ROWS // 2, 2 * EMBED_DIM), jnp.float32),
        mesh=mesh,
        scratch_types=[
            pltpu.VMEM((CHUNKS_PER_WORKER, CHUNK), jnp.int32),
            pltpu.VMEM((CHUNKS_PER_WORKER, CHUNK), jnp.int32),
            pltpu.VMEM((MAX_LEN, EMBED_DIM), jnp.float32),
            pltpu.VMEM((NBUF, CHUNK, 2 * EMBED_DIM), jnp.float32),
            pltpu.VMEM((NBUF, OUT_CHUNK, 2 * EMBED_DIM), jnp.float32),
            pltpu.SemaphoreType.DMA((NBUF,)),
            pltpu.SemaphoreType.DMA((NBUF,)),
        ],
    )
    return f(x3, wt2, pos_embedding)


def kernel(x, word_embedding, pos_embedding):
    x3 = x.astype(jnp.int32).reshape(NUM_WORKERS, CHUNKS_PER_WORKER, CHUNK)
    wt2 = word_embedding.reshape(VOCAB // 2, 2 * EMBED_DIM)
    out = _lookup(x3, wt2, pos_embedding)
    return out.reshape(BATCH, SEQ_LEN, EMBED_DIM)

# --- scband reference (transcript-rebuilt; emitter-appended) ---
"""Pipeline reference for scband-learned-position-embedding-27513560498920 (READ-ONLY COPY).

The authoritative reference and input builder live on the scoring server;
editing this copy changes nothing except your own understanding.
"""

import jax, jax.numpy as jnp
import numpy as np

VOCAB = 1000000
EMBED_DIM = 64
MAX_LEN = 200
BATCH = 1024
SEQ_LEN = 200


def setup_inputs(seed: int = 0) -> dict:
    key = jax.random.key(seed)
    k1, k2, k3 = jax.random.split(key, 3)
    x = jax.random.randint(k1, (BATCH, SEQ_LEN), 0, VOCAB, dtype=jnp.int64 if jax.config.jax_enable_x64 else jnp.int32)
    word_embedding = jax.random.normal(k2, (VOCAB, EMBED_DIM), dtype=jnp.float32)
    pos_embedding = jax.random.normal(k3, (MAX_LEN, EMBED_DIM), dtype=jnp.float32)
    return {"x": x, "word_embedding": word_embedding, "pos_embedding": pos_embedding}


def reference(x, word_embedding, pos_embedding):
    batch_size, seq_len = x.shape
    # position ids: arange(seq_len) broadcast over batch
    pos = jnp.arange(seq_len)
    embedded_word = jnp.take(word_embedding, x, axis=0)  # [B, S, D]
    embedded_pos = jnp.take(pos_embedding, pos, axis=0)  # [S, D]
    # dropout_prob = 0.0 -> identity (eval-mode / p=0 dropout)
    embedded_pos = jnp.broadcast_to(embedded_pos[None, :, :], (batch_size, seq_len, embedded_pos.shape[-1]))
    return embedded_word + embedded_pos

if __name__ == "__main__":
    import jax
    _d = setup_inputs()
    print(jax.jit(kernel)(*tuple(_d.values())))

</pallas_src>

<mosaic_0001>
#map = affine_map<(d0, d1) -> (0, 0, 0)>
#map1 = affine_map<(d0, d1) -> (0, 0)>
module attributes {stable_mosaic.version = 14 : i64} {
  func.func @_body(%arg0: i32, %arg1: i32, %arg2: memref<32x50x128xi32, #tpu.memory_space<hbm>>, %arg3: memref<500000x128xf32, #tpu.memory_space<hbm>>, %arg4: memref<200x64xf32, #tpu.memory_space<hbm>>, %arg5: memref<102400x128xf32, #tpu.memory_space<hbm>>, %arg6: memref<50x128xi32, #tpu.memory_space<vmem>>, %arg7: memref<50x128xi32, #tpu.memory_space<vmem>>, %arg8: memref<200x64xf32, #tpu.memory_space<vmem>>, %arg9: memref<3x128x128xf32, #tpu.memory_space<vmem>>, %arg10: memref<3x64x128xf32, #tpu.memory_space<vmem>>, %arg11: memref<3x!tpu.dma_semaphore, #tpu.memory_space<semaphore_mem>>, %arg12: memref<3x!tpu.dma_semaphore, #tpu.memory_space<semaphore_mem>>) attributes {dimension_semantics = [#tpu.dimension_semantics<core_parallel>, #tpu.dimension_semantics<subcore_parallel>], iteration_bounds = array<i64: 2, 16>, scalar_prefetch = 0 : i64, scratch_operands = 7 : i64, tpu.core_type = #tpu.core_type<sc_vector_subcore>, window_params = [{transform_indices = #map}, {transform_indices = #map1}, {transform_indices = #map1}, {transform_indices = #map1}]} {
    %mul3A = arith.constant 2 : i32
    %mul3A_0 = arith.muli %arg1, %mul3A : i32
    %add3A = arith.addi %mul3A_0, %arg0 : i32
    %mul3A_1 = arith.constant 3200 : i32
    %mul3A_2 = arith.muli %add3A, %mul3A_1 : i32
    "tpu.region"() ({
      %run_scoped3A = tpu.sem_alloc : memref<!tpu.dma_semaphore, #tpu.memory_space<semaphore_mem>>
      %dma_start3A_449 = arith.constant 0 : i32
      %dma_start3A_450 = arith.constant 0 : i32
      %dma_start3A_451 = tpu.memref_slice %arg2[%add3A, %dma_start3A_449, %dma_start3A_450] : memref<32x50x128xi32, #tpu.memory_space<hbm>> -> memref<1x50x128xi32, #tpu.memory_space<hbm>>
      %dma_start3A_452 = tpu.memref_squeeze %dma_start3A_451 : memref<1x50x128xi32, #tpu.memory_space<hbm>> -> memref<50x128xi32, #tpu.memory_space<hbm>>
      %dma_start3A_453 = arith.constant 0 : i32
      %dma_start3A_454 = arith.constant 0 : i32
      %dma_start3A_455 = tpu.memref_slice %arg2[%add3A, %dma_start3A_453, %dma_start3A_454] : memref<32x50x128xi32, #tpu.memory_space<hbm>> -> memref<1x50x128xi32, #tpu.memory_space<hbm>>
      %dma_start3A_456 = tpu.memref_squeeze %dma_start3A_455 : memref<1x50x128xi32, #tpu.memory_space<hbm>> -> memref<50x128xi32, #tpu.memory_space<hbm>>
      tpu.enqueue_dma source(%dma_start3A_456 : memref<50x128xi32, #tpu.memory_space<hbm>>) target(%arg6 : memref<50x128xi32, #tpu.memory_space<vmem>>) target_semaphore(%run_scoped3A : memref<!tpu.dma_semaphore, #tpu.memory_space<semaphore_mem>>)
      %dma_wait3A_457 = arith.constant 0 : i32
      %dma_wait3A_458 = arith.constant 0 : i32
      %dma_wait3A_459 = tpu.memref_slice %arg2[%add3A, %dma_wait3A_457, %dma_wait3A_458] : memref<32x50x128xi32, #tpu.memory_space<hbm>> -> memref<1x50x128xi32, #tpu.memory_space<hbm>>
      %dma_wait3A_460 = tpu.memref_squeeze %dma_wait3A_459 : memref<1x50x128xi32, #tpu.memory_space<hbm>> -> memref<50x128xi32, #tpu.memory_space<hbm>>
      %dma_wait3A_461 = arith.constant 0 : i32
      %dma_wait3A_462 = arith.constant 0 : i32
      %dma_wait3A_463 = tpu.memref_slice %arg2[%add3A, %dma_wait3A_461, %dma_wait3A_462] : memref<32x50x128xi32, #tpu.memory_space<hbm>> -> memref<1x50x128xi32, #tpu.memory_space<hbm>>
      %dma_wait3A_464 = tpu.memref_squeeze %dma_wait3A_463 : memref<1x50x128xi32, #tpu.memory_space<hbm>> -> memref<50x128xi32, #tpu.memory_space<hbm>>
      tpu.wait_dma2 semaphore(%run_scoped3A : memref<!tpu.dma_semaphore, #tpu.memory_space<semaphore_mem>>) src(%dma_wait3A_464 : memref<50x128xi32, #tpu.memory_space<hbm>>) dst(%arg6 : memref<50x128xi32, #tpu.memory_space<vmem>>)
      tpu.yield
    }) : () -> ()
    "tpu.region"() ({
      %run_scoped3A = tpu.sem_alloc : memref<!tpu.dma_semaphore, #tpu.memory_space<semaphore_mem>>
      tpu.enqueue_dma source(%arg4 : memref<200x64xf32, #tpu.memory_space<hbm>>) target(%arg8 : memref<200x64xf32, #tpu.memory_space<vmem>>) target_semaphore(%run_scoped3A : memref<!tpu.dma_semaphore, #tpu.memory_space<semaphore_mem>>)
      tpu.wait_dma2 semaphore(%run_scoped3A : memref<!tpu.dma_semaphore, #tpu.memory_space<semaphore_mem>>) src(%arg4 : memref<200x64xf32, #tpu.memory_space<hbm>>) dst(%arg8 : memref<200x64xf32, #tpu.memory_space<vmem>>)
      tpu.yield
    }) : () -> ()
    %scan3A = arith.constant 0 : i32
    %scan3A_3 = arith.constant 0 : i32
    %scan3A_4 = arith.constant 50 : i32
    %scan3A_5 = arith.addi %scan3A_3, %scan3A_4 : i32
    %scan3A_6 = arith.constant 1 : i32
    scf.for %scan3A_449 = %scan3A_3 to %scan3A_5 step %scan3A_6  : i32 {
      %get3A_450 = arith.index_cast %scan3A_449 : i32 to index
      %get3A_451 = arith.constant 0 : index
      %get3A_452 = tpu.vector_load %arg6[%get3A_450, %get3A_451] {strides = array<i32>} : memref<50x128xi32, #tpu.memory_space<vmem>>, vector<1x16xi32>,
      %get3A_453 = vector.shape_cast %get3A_452 : vector<1x16xi32> to vector<16xi32>
      %shift_right_arithmetic3A = arith.constant 1 : i32
      %shift_right_arithmetic3A_454 = vector.broadcast %shift_right_arithmetic3A : i32 to vector<16xi32>
      %shift_right_arithmetic3A_455 = arith.shrsi %get3A_453, %shift_right_arithmetic3A_454 : vector<16xi32>
      %swap3A = arith.index_cast %scan3A_449 : i32 to index
      %swap3A_456 = arith.constant 0 : index
      %swap3A_457 = tpu.vector_load %arg7[%swap3A, %swap3A_456] {strides = array<i32>} : memref<50x128xi32, #tpu.memory_space<vmem>>, vector<1x16xi32>,
      %swap3A_458 = vector.shape_cast %swap3A_457 : vector<1x16xi32> to vector<16xi32>
      %swap3A_459 = vector.shape_cast %shift_right_arithmetic3A_455 : vector<16xi32> to vector<1x16xi32>
      tpu.vector_store %arg7[%swap3A, %swap3A_456], %swap3A_459 {strides = array<i32>} : memref<50x128xi32, #tpu.memory_space<vmem>>, vector<1x16xi32>,
      %get3A_460 = arith.index_cast %scan3A_449 : i32 to index
      %get3A_461 = arith.constant 16 : index
      %get3A_462 = tpu.vector_load %arg6[%get3A_460, %get3A_461] {strides = array<i32>} : memref<50x128xi32, #tpu.memory_space<vmem>>, vector<1x16xi32>,
      %get3A_463 = vector.shape_cast %get3A_462 : vector<1x16xi32> to vector<16xi32>
      %shift_right_arithmetic3A_464 = arith.constant 1 : i32
      %shift_right_arithmetic3A_465 = vector.broadcast %shift_right_arithmetic3A_464 : i32 to vector<16xi32>
      %shift_right_arithmetic3A_466 = arith.shrsi %get3A_463, %shift_right_arithmetic3A_465 : vector<16xi32>
      %swap3A_467 = arith.index_cast %scan3A_449 : i32 to index
      %swap3A_468 = arith.constant 16 : index
      %swap3A_469 = tpu.vector_load %arg7[%swap3A_467, %swap3A_468] {strides = array<i32>} : memref<50x128xi32, #tpu.memory_space<vmem>>, vector<1x16xi32>,
      %swap3A_470 = vector.shape_cast %swap3A_469 : vector<1x16xi32> to vector<16xi32>
      %swap3A_471 = vector.shape_cast %shift_right_arithmetic3A_466 : vector<16xi32> to vector<1x16xi32>
      tpu.vector_store %arg7[%swap3A_467, %swap3A_468], %swap3A_471 {strides = array<i32>} : memref<50x128xi32, #tpu.memory_space<vmem>>, vector<1x16xi32>,
      %get3A_472 = arith.index_cast %scan3A_449 : i32 to index
      %get3A_473 = arith.constant 32 : index
      %get3A_474 = tpu.vector_load %arg6[%get3A_472, %get3A_473] {strides = array<i32>} : memref<50x128xi32, #tpu.memory_space<vmem>>, vector<1x16xi32>,
      %get3A_475 = vector.shape_cast %get3A_474 : vector<1x16xi32> to vector<16xi32>
      %shift_right_arithmetic3A_476 = arith.constant 1 : i32
      %shift_right_arithmetic3A_477 = vector.broadcast %shift_right_arithmetic3A_476 : i32 to vector<16xi32>
      %shift_right_arithmetic3A_478 = arith.shrsi %get3A_475, %shift_right_arithmetic3A_477 : vector<16xi32>
      %swap3A_479 = arith.index_cast %scan3A_449 : i32 to index
      %swap3A_480 = arith.constant 32 : index
      %swap3A_481 = tpu.vector_load %arg7[%swap3A_479, %swap3A_480] {strides = array<i32>} : memref<50x128xi32, #tpu.memory_space<vmem>>, vector<1x16xi32>,
      %swap3A_482 = vector.shape_cast %swap3A_481 : vector<1x16xi32> to vector<16xi32>
      %swap3A_483 = vector.shape_cast %shift_right_arithmetic3A_478 : vector<16xi32> to vector<1x16xi32>
      tpu.vector_store %arg7[%swap3A_479, %swap3A_480], %swap3A_483 {strides = array<i32>} : memref<50x128xi32, #tpu.memory_space<vmem>>, vector<1x16xi32>,
      %get3A_484 = arith.index_cast %scan3A_449 : i32 to index
      %get3A_485 = arith.constant 48 : index
      %get3A_486 = tpu.vector_load %arg6[%get3A_484, %get3A_485] {strides = array<i32>} : memref<50x128xi32, #tpu.memory_space<vmem>>, vector<1x16xi32>,
      %get3A_487 = vector.shape_cast %get3A_486 : vector<1x16xi32> to vector<16xi32>
      %shift_right_arithmetic3A_488 = arith.constant 1 : i32
      %shift_right_arithmetic3A_489 = vector.broadcast %shift_right_arithmetic3A_488 : i32 to vector<16xi32>
      %shift_right_arithmetic3A_490 = arith.shrsi %get3A_487, %shift_right_arithmetic3A_489 : vector<16xi32>
      %swap3A_491 = arith.index_cast %scan3A_449 : i32 to index
      %swap3A_492 = arith.constant 48 : index
      %swap3A_493 = tpu.vector_load %arg7[%swap3A_491, %swap3A_492] {strides = array<i32>} : memref<50x128xi32, #tpu.memory_space<vmem>>, vector<1x16xi32>,
      %swap3A_494 = vector.shape_cast %swap3A_493 : vector<1x16xi32> to vector<16xi32>
      %swap3A_495 = vector.shape_cast %shift_right_arithmetic3A_490 : vector<16xi32> to vector<1x16xi32>
      tpu.vector_store %arg7[%swap3A_491, %swap3A_492], %swap3A_495 {strides = array<i32>} : memref<50x128xi32, #tpu.memory_space<vmem>>, vector<1x16xi32>,
      %get3A_496 = arith.index_cast %scan3A_449 : i32 to index
      %get3A_497 = arith.constant 64 : index
      %get3A_498 = tpu.vector_load %arg6[%get3A_496, %get3A_497] {strides = array<i32>} : memref<50x128xi32, #tpu.memory_space<vmem>>, vector<1x16xi32>,
      %get3A_499 = vector.shape_cast %get3A_498 : vector<1x16xi32> to vector<16xi32>
      %shift_right_arithmetic3A_500 = arith.constant 1 : i32
      %shift_right_arithmetic3A_501 = vector.broadcast %shift_right_arithmetic3A_500 : i32 to vector<16xi32>
      %shift_right_arithmetic3A_502 = arith.shrsi %get3A_499, %shift_right_arithmetic3A_501 : vector<16xi32>
      %swap3A_503 = arith.index_cast %scan3A_449 : i32 to index
      %swap3A_504 = arith.constant 64 : index
      %swap3A_505 = tpu.vector_load %arg7[%swap3A_503, %swap3A_504] {strides = array<i32>} : memref<50x128xi32, #tpu.memory_space<vmem>>, vector<1x16xi32>,
      %swap3A_506 = vector.shape_cast %swap3A_505 : vector<1x16xi32> to vector<16xi32>
      %swap3A_507 = vector.shape_cast %shift_right_arithmetic3A_502 : vector<16xi32> to vector<1x16xi32>
      tpu.vector_store %arg7[%swap3A_503, %swap3A_504], %swap3A_507 {strides = array<i32>} : memref<50x128xi32, #tpu.memory_space<vmem>>, vector<1x16xi32>,
      %get3A_508 = arith.index_cast %scan3A_449 : i32 to index
      %get3A_509 = arith.constant 80 : index
      %get3A_510 = tpu.vector_load %arg6[%get3A_508, %get3A_509] {strides = array<i32>} : memref<50x128xi32, #tpu.memory_space<vmem>>, vector<1x16xi32>,
      %get3A_511 = vector.shape_cast %get3A_510 : vector<1x16xi32> to vector<16xi32>
      %shift_right_arithmetic3A_512 = arith.constant 1 : i32
      %shift_right_arithmetic3A_513 = vector.broadcast %shift_right_arithmetic3A_512 : i32 to vector<16xi32>
      %shift_right_arithmetic3A_514 = arith.shrsi %get3A_511, %shift_right_arithmetic3A_513 : vector<16xi32>
      %swap3A_515 = arith.index_cast %scan3A_449 : i32 to index
      %swap3A_516 = arith.constant 80 : index
      %swap3A_517 = tpu.vector_load %arg7[%swap3A_515, %swap3A_516] {strides = array<i32>} : memref<50x128xi32, #tpu.memory_space<vmem>>, vector<1x16xi32>,
      %swap3A_518 = vector.shape_cast %swap3A_517 : vector<1x16xi32> to vector<16xi32>
      %swap3A_519 = vector.shape_cast %shift_right_arithmetic3A_514 : vector<16xi32> to vector<1x16xi32>
      tpu.vector_store %arg7[%swap3A_515, %swap3A_516], %swap3A_519 {strides = array<i32>} : memref<50x128xi32, #tpu.memory_space<vmem>>, vector<1x16xi32>,
      %get3A_520 = arith.index_cast %scan3A_449 : i32 to index
      %get3A_521 = arith.constant 96 : index
      %get3A_522 = tpu.vector_load %arg6[%get3A_520, %get3A_521] {strides = array<i32>} : memref<50x128xi32, #tpu.memory_space<vmem>>, vector<1x16xi32>,
      %get3A_523 = vector.shape_cast %get3A_522 : vector<1x16xi32> to vector<16xi32>
      %shift_right_arithmetic3A_524 = arith.constant 1 : i32
      %shift_right_arithmetic3A_525 = vector.broadcast %shift_right_arithmetic3A_524 : i32 to vector<16xi32>
      %shift_right_arithmetic3A_526 = arith.shrsi %get3A_523, %shift_right_arithmetic3A_525 : vector<16xi32>
      %swap3A_527 = arith.index_cast %scan3A_449 : i32 to index
      %swap3A_528 = arith.constant 96 : index
      %swap3A_529 = tpu.vector_load %arg7[%swap3A_527, %swap3A_528] {strides = array<i32>} : memref<50x128xi32, #tpu.memory_space<vmem>>, vector<1x16xi32>,
      %swap3A_530 = vector.shape_cast %swap3A_529 : vector<1x16xi32> to vector<16xi32>
      %swap3A_531 = vector.shape_cast %shift_right_arithmetic3A_526 : vector<16xi32> to vector<1x16xi32>
      tpu.vector_store %arg7[%swap3A_527, %swap3A_528], %swap3A_531 {strides = array<i32>} : memref<50x128xi32, #tpu.memory_space<vmem>>, vector<1x16xi32>,
      %get3A_532 = arith.index_cast %scan3A_449 : i32 to index
      %get3A_533 = arith.constant 112 : index
      %get3A_534 = tpu.vector_load %arg6[%get3A_532, %get3A_533] {strides = array<i32>} : memref<50x128xi32, #tpu.memory_space<vmem>>, vector<1x16xi32>,
      %get3A_535 = vector.shape_cast %get3A_534 : vector<1x16xi32> to vector<16xi32>
      %shift_right_arithmetic3A_536 = arith.constant 1 : i32
      %shift_right_arithmetic3A_537 = vector.broadcast %shift_right_arithmetic3A_536 : i32 to vector<16xi32>
      %shift_right_arithmetic3A_538 = arith.shrsi %get3A_535, %shift_right_arithmetic3A_537 : vector<16xi32>
      %swap3A_539 = arith.index_cast %scan3A_449 : i32 to index
      %swap3A_540 = arith.constant 112 : index
      %swap3A_541 = tpu.vector_load %arg7[%swap3A_539, %swap3A_540] {strides = array<i32>} : memref<50x128xi32, #tpu.memory_space<vmem>>, vector<1x16xi32>,
      %swap3A_542 = vector.shape_cast %swap3A_541 : vector<1x16xi32> to vector<16xi32>
      %swap3A_543 = vector.shape_cast %shift_right_arithmetic3A_538 : vector<16xi32> to vector<1x16xi32>
      tpu.vector_store %arg7[%swap3A_539, %swap3A_540], %swap3A_543 {strides = array<i32>} : memref<50x128xi32, #tpu.memory_space<vmem>>, vector<1x16xi32>,
    }
    %scan3A_7 = arith.constant 50 : i32
    %get3A = arith.constant 0 : i32
    %get3A_8 = arith.index_cast %get3A : i32 to index
    %get3A_9 = arith.constant 0 : index
    %get3A_10 = tpu.vector_load %arg7[%get3A_8, %get3A_9] {strides = array<i32>} : memref<50x128xi32, #tpu.memory_space<vmem>>, vector<1x16xi32>,
    %get3A_11 = vector.shape_cast %get3A_10 : vector<1x16xi32> to vector<16xi32>
    %dma_start3A = arith.constant 0 : i32
    %dma_start3A_12 = arith.constant 0 : i32
    %dma_start3A_13 = arith.constant 0 : i32
    %dma_start3A_14 = arith.constant 0 : i32
    %dma_start3A_15 = tpu.memref_slice %arg9[%dma_start3A, %dma_start3A_13, %dma_start3A_14] : memref<3x128x128xf32, #tpu.memory_space<vmem>> -> memref<1x16x128xf32, #tpu.memory_space<vmem>>
    %dma_start3A_16 = tpu.memref_squeeze %dma_start3A_15 : memref<1x16x128xf32, #tpu.memory_space<vmem>> -> memref<16x128xf32, #tpu.memory_space<vmem>>
    %dma_start3A_17 = arith.constant 0 : i32
    %dma_start3A_18 = arith.constant 0 : i32
    %dma_start3A_19 = tpu.memref_slice %arg3[%dma_start3A_17, %dma_start3A_18] : memref<500000x128xf32, #tpu.memory_space<hbm>> -> memref<500000x128xf32, #tpu.memory_space<hbm>>
    %dma_start3A_20 = tpu.memref_slice %arg11[%dma_start3A_12] : memref<3x!tpu.dma_semaphore, #tpu.memory_space<semaphore_mem>> -> memref<1x!tpu.dma_semaphore, #tpu.memory_space<semaphore_mem>>
    %dma_start3A_21 = tpu.memref_squeeze %dma_start3A_20 : memref<1x!tpu.dma_semaphore, #tpu.memory_space<semaphore_mem>> -> memref<!tpu.dma_semaphore, #tpu.memory_space<semaphore_mem>>
    tpu.enqueue_indirect_dma source(%dma_start3A_19 : memref<500000x128xf32, #tpu.memory_space<hbm>>) target(%dma_start3A_16 : memref<16x128xf32, #tpu.memory_space<vmem>>) offsets(%get3A_11 : vector<16xi32>) semaphore(%dma_start3A_21 : memref<!tpu.dma_semaphore, #tpu.memory_space<semaphore_mem>>)
    %get3A_22 = arith.constant 0 : i32
    %get3A_23 = arith.index_cast %get3A_22 : i32 to index
    %get3A_24 = arith.constant 16 : index
    %get3A_25 = tpu.vector_load %arg7[%get3A_23, %get3A_24] {strides = array<i32>} : memref<50x128xi32, #tpu.memory_space<vmem>>, vector<1x16xi32>,
    %get3A_26 = vector.shape_cast %get3A_25 : vector<1x16xi32> to vector<16xi32>
    %dma_start3A_27 = arith.constant 0 : i32
    %dma_start3A_28 = arith.constant 0 : i32
    %dma_start3A_29 = arith.constant 16 : i32
    %dma_start3A_30 = arith.constant 0 : i32
    %dma_start3A_31 = tpu.memref_slice %arg9[%dma_start3A_27, %dma_start3A_29, %dma_start3A_30] : memref<3x128x128xf32, #tpu.memory_space<vmem>> -> memref<1x16x128xf32, #tpu.memory_space<vmem>>
    %dma_start3A_32 = tpu.memref_squeeze %dma_start3A_31 : memref<1x16x128xf32, #tpu.memory_space<vmem>> -> memref<16x128xf32, #tpu.memory_space<vmem>>
    %dma_start3A_33 = arith.constant 0 : i32
    %dma_start3A_34 = arith.constant 0 : i32
    %dma_start3A_35 = tpu.memref_slice %arg3[%dma_start3A_33, %dma_start3A_34] : memref<500000x128xf32, #tpu.memory_space<hbm>> -> memref<500000x128xf32, #tpu.memory_space<hbm>>
    %dma_start3A_36 = tpu.memref_slice %arg11[%dma_start3A_28] : memref<3x!tpu.dma_semaphore, #tpu.memory_space<semaphore_mem>> -> memref<1x!tpu.dma_semaphore, #tpu.memory_space<semaphore_mem>>
    %dma_start3A_37 = tpu.memref_squeeze %dma_start3A_36 : memref<1x!tpu.dma_semaphore, #tpu.memory_space<semaphore_mem>> -> memref<!tpu.dma_semaphore, #tpu.memory_space<semaphore_mem>>
    tpu.enqueue_indirect_dma source(%dma_start3A_35 : memref<500000x128xf32, #tpu.memory_space<hbm>>) target(%dma_start3A_32 : memref<16x128xf32, #tpu.memory_space<vmem>>) offsets(%get3A_26 : vector<16xi32>) semaphore(%dma_start3A_37 : memref<!tpu.dma_semaphore, #tpu.memory_space<semaphore_mem>>)
    %get3A_38 = arith.constant 0 : i32
    %get3A_39 = arith.index_cast %get3A_38 : i32 to index
    %get3A_40 = arith.constant 32 : index
    %get3A_41 = tpu.vector_load %arg7[%get3A_39, %get3A_40] {strides = array<i32>} : memref<50x128xi32, #tpu.memory_space<vmem>>, vector<1x16xi32>,
    %get3A_42 = vector.shape_cast %get3A_41 : vector<1x16xi32> to vector<16xi32>
    %dma_start3A_43 = arith.constant 0 : i32
    %dma_start3A_44 = arith.constant 0 : i32
    %dma_start3A_45 = arith.constant 32 : i32
    %dma_start3A_46 = arith.constant 0 : i32
    %dma_start3A_47 = tpu.memref_slice %arg9[%dma_start3A_43, %dma_start3A_45, %dma_start3A_46] : memref<3x128x128xf32, #tpu.memory_space<vmem>> -> memref<1x16x128xf32, #tpu.memory_space<vmem>>
    %dma_start3A_48 = tpu.memref_squeeze %dma_start3A_47 : memref<1x16x128xf32, #tpu.memory_space<vmem>> -> memref<16x128xf32, #tpu.memory_space<vmem>>
    %dma_start3A_49 = arith.constant 0 : i32
    %dma_start3A_50 = arith.constant 0 : i32
    %dma_start3A_51 = tpu.memref_slice %arg3[%dma_start3A_49, %dma_start3A_50] : memref<500000x128xf32, #tpu.memory_space<hbm>> -> memref<500000x128xf32, #tpu.memory_space<hbm>>
    %dma_start3A_52 = tpu.memref_slice %arg11[%dma_start3A_44] : memref<3x!tpu.dma_semaphore, #tpu.memory_space<semaphore_mem>> -> memref<1x!tpu.dma_semaphore, #tpu.memory_space<semaphore_mem>>
    %dma_start3A_53 = tpu.memref_squeeze %dma_start3A_52 : memref<1x!tpu.dma_semaphore, #tpu.memory_space<semaphore_mem>> -> memref<!tpu.dma_semaphore, #tpu.memory_space<semaphore_mem>>
    tpu.enqueue_indirect_dma source(%dma_start3A_51 : memref<500000x128xf32, #tpu.memory_space<hbm>>) target(%dma_start3A_48 : memref<16x128xf32, #tpu.memory_space<vmem>>) offsets(%get3A_42 : vector<16xi32>) semaphore(%dma_start3A_53 : memref<!tpu.dma_semaphore, #tpu.memory_space<semaphore_mem>>)
    %get3A_54 = arith.constant 0 : i32
    %get3A_55 = arith.index_cast %get3A_54 : i32 to index
    %get3A_56 = arith.constant 48 : index
    %get3A_57 = tpu.vector_load %arg7[%get3A_55, %get3A_56] {strides = array<i32>} : memref<50x128xi32, #tpu.memory_space<vmem>>, vector<1x16xi32>,
    %get3A_58 = vector.shape_cast %get3A_57 : vector<1x16xi32> to vector<16xi32>
    %dma_start3A_59 = arith.constant 0 : i32
    %dma_start3A_60 = arith.constant 0 : i32
    %dma_start3A_61 = arith.constant 48 : i32
    %dma_start3A_62 = arith.constant 0 : i32
    %dma_start3A_63 = tpu.memref_slice %arg9[%dma_start3A_59, %dma_start3A_61, %dma_start3A_62] : memref<3x128x128xf32, #tpu.memory_space<vmem>> -> memref<1x16x128xf32, #tpu.memory_space<vmem>>
    %dma_start3A_64 = tpu.memref_squeeze %dma_start3A_63 : memref<1x16x128xf32, #tpu.memory_space<vmem>> -> memref<16x128xf32, #tpu.memory_space<vmem>>
    %dma_start3A_65 = arith.constant 0 : i32
    %dma_start3A_66 = arith.constant 0 : i32
    %dma_start3A_67 = tpu.memref_slice %arg3[%dma_start3A_65, %dma_start3A_66] : memref<500000x128xf32, #tpu.memory_space<hbm>> -> memref<500000x128xf32, #tpu.memory_space<hbm>>
    %dma_start3A_68 = tpu.memref_slice %arg11[%dma_start3A_60] : memref<3x!tpu.dma_semaphore, #tpu.memory_space<semaphore_mem>> -> memref<1x!tpu.dma_semaphore, #tpu.memory_space<semaphore_mem>>
    %dma_start3A_69 = tpu.memref_squeeze %dma_start3A_68 : memref<1x!tpu.dma_semaphore, #tpu.memory_space<semaphore_mem>> -> memref<!tpu.dma_semaphore, #tpu.memory_space<semaphore_mem>>
    tpu.enqueue_indirect_dma source(%dma_start3A_67 : memref<500000x128xf32, #tpu.memory_space<hbm>>) target(%dma_start3A_64 : memref<16x128xf32, #tpu.memory_space<vmem>>) offsets(%get3A_58 : vector<16xi32>) semaphore(%dma_start3A_69 : memref<!tpu.dma_semaphore, #tpu.memory_space<semaphore_mem>>)
    %get3A_70 = arith.constant 0 : i32
    %get3A_71 = arith.index_cast %get3A_70 : i32 to index
    %get3A_72 = arith.constant 64 : index
    %get3A_73 = tpu.vector_load %arg7[%get3A_71, %get3A_72] {strides = array<i32>} : memref<50x128xi32, #tpu.memory_space<vmem>>, vector<1x16xi32>,
    %get3A_74 = vector.shape_cast %get3A_73 : vector<1x16xi32> to vector<16xi32>
    %dma_start3A_75 = arith.constant 0 : i32
    %dma_start3A_76 = arith.constant 0 : i32
    %dma_start3A_77 = arith.constant 64 : i32
    %dma_start3A_78 = arith.constant 0 : i32
    %dma_start3A_79 = tpu.memref_slice %arg9[%dma_start3A_75, %dma_start3A_77, %dma_start3A_78] : memref<3x128x128xf32, #tpu.memory_space<vmem>> -> memref<1x16x128xf32, #tpu.memory_space<vmem>>
    %dma_start3A_80 = tpu.memref_squeeze %dma_start3A_79 : memref<1x16x128xf32, #tpu.memory_space<vmem>> -> memref<16x128xf32, #tpu.memory_space<vmem>>
    %dma_start3A_81 = arith.constant 0 : i32
    %dma_start3A_82 = arith.constant 0 : i32
    %dma_start3A_83 = tpu.memref_slice %arg3[%dma_start3A_81, %dma_start3A_82] : memref<500000x128xf32, #tpu.memory_space<hbm>> -> memref<500000x128xf32, #tpu.memory_space<hbm>>
    %dma_start3A_84 = tpu.memref_slice %arg11[%dma_start3A_76] : memref<3x!tpu.dma_semaphore, #tpu.memory_space<semaphore_mem>> -> memref<1x!tpu.dma_semaphore, #tpu.memory_space<semaphore_mem>>
    %dma_start3A_85 = tpu.memref_squeeze %dma_start3A_84 : memref<1x!tpu.dma_semaphore, #tpu.memory_space<semaphore_mem>> -> memref<!tpu.dma_semaphore, #tpu.memory_space<semaphore_mem>>
    tpu.enqueue_indirect_dma source(%dma_start3A_83 : memref<500000x128xf32, #tpu.memory_space<hbm>>) target(%dma_start3A_80 : memref<16x128xf32, #tpu.memory_space<vmem>>) offsets(%get3A_74 : vector<16xi32>) semaphore(%dma_start3A_85 : memref<!tpu.dma_semaphore, #tpu.memory_space<semaphore_mem>>)
    %get3A_86 = arith.constant 0 : i32
    %get3A_87 = arith.index_cast %get3A_86 : i32 to index
    %get3A_88 = arith.constant 80 : index
    %get3A_89 = tpu.vector_load %arg7[%get3A_87, %get3A_88] {strides = array<i32>} : memref<50x128xi32, #tpu.memory_space<vmem>>, vector<1x16xi32>,
    %get3A_90 = vector.shape_cast %get3A_89 : vector<1x16xi32> to vector<16xi32>
    %dma_start3A_91 = arith.constant 0 : i32
    %dma_start3A_92 = arith.constant 0 : i32
    %dma_start3A_93 = arith.constant 80 : i32
    %dma_start3A_94 = arith.constant 0 : i32
    %dma_start3A_95 = tpu.memref_slice %arg9[%dma_start3A_91, %dma_start3A_93, %dma_start3A_94] : memref<3x128x128xf32, #tpu.memory_space<vmem>> -> memref<1x16x128xf32, #tpu.memory_space<vmem>>
    %dma_start3A_96 = tpu.memref_squeeze %dma_start3A_95 : memref<1x16x128xf32, #tpu.memory_space<vmem>> -> memref<16x128xf32, #tpu.memory_space<vmem>>
    %dma_start3A_97 = arith.constant 0 : i32
    %dma_start3A_98 = arith.constant 0 : i32
    %dma_start3A_99 = tpu.memref_slice %arg3[%dma_start3A_97, %dma_start3A_98] : memref<500000x128xf32, #tpu.memory_space<hbm>> -> memref<500000x128xf32, #tpu.memory_space<hbm>>
    %dma_start3A_100 = tpu.memref_slice %arg11[%dma_start3A_92] : memref<3x!tpu.dma_semaphore, #tpu.memory_space<semaphore_mem>> -> memref<1x!tpu.dma_semaphore, #tpu.memory_space<semaphore_mem>>
    %dma_start3A_101 = tpu.memref_squeeze %dma_start3A_100 : memref<1x!tpu.dma_semaphore, #tpu.memory_space<semaphore_mem>> -> memref<!tpu.dma_semaphore, #tpu.memory_space<semaphore_mem>>
    tpu.enqueue_indirect_dma source(%dma_start3A_99 : memref<500000x128xf32, #tpu.memory_space<hbm>>) target(%dma_start3A_96 : memref<16x128xf32, #tpu.memory_space<vmem>>) offsets(%get3A_90 : vector<16xi32>) semaphore(%dma_start3A_101 : memref<!tpu.dma_semaphore, #tpu.memory_space<semaphore_mem>>)
    %get3A_102 = arith.constant 0 : i32
    %get3A_103 = arith.index_cast %get3A_102 : i32 to index
    %get3A_104 = arith.constant 96 : index
    %get3A_105 = tpu.vector_load %arg7[%get3A_103, %get3A_104] {strides = array<i32>} : memref<50x128xi32, #tpu.memory_space<vmem>>, vector<1x16xi32>,
    %get3A_106 = vector.shape_cast %get3A_105 : vector<1x16xi32> to vector<16xi32>
    %dma_start3A_107 = arith.constant 0 : i32
    %dma_start3A_108 = arith.constant 0 : i32
    %dma_start3A_109 = arith.constant 96 : i32
    %dma_start3A_110 = arith.constant 0 : i32
    %dma_start3A_111 = tpu.memref_slice %arg9[%dma_start3A_107, %dma_start3A_109, %dma_start3A_110] : memref<3x128x128xf32, #tpu.memory_space<vmem>> -> memref<1x16x128xf32, #tpu.memory_space<vmem>>
    %dma_start3A_112 = tpu.memref_squeeze %dma_start3A_111 : memref<1x16x128xf32, #tpu.memory_space<vmem>> -> memref<16x128xf32, #tpu.memory_space<vmem>>
    %dma_start3A_113 = arith.constant 0 : i32
    %dma_start3A_114 = arith.constant 0 : i32
    %dma_start3A_115 = tpu.memref_slice %arg3[%dma_start3A_113, %dma_start3A_114] : memref<500000x128xf32, #tpu.memory_space<hbm>> -> memref<500000x128xf32, #tpu.memory_space<hbm>>
    %dma_start3A_116 = tpu.memref_slice %arg11[%dma_start3A_108] : memref<3x!tpu.dma_semaphore, #tpu.memory_space<semaphore_mem>> -> memref<1x!tpu.dma_semaphore, #tpu.memory_space<semaphore_mem>>
    %dma_start3A_117 = tpu.memref_squeeze %dma_start3A_116 : memref<1x!tpu.dma_semaphore, #tpu.memory_space<semaphore_mem>> -> memref<!tpu.dma_semaphore, #tpu.memory_space<semaphore_mem>>
    tpu.enqueue_indirect_dma source(%dma_start3A_115 : memref<500000x128xf32, #tpu.memory_space<hbm>>) target(%dma_start3A_112 : memref<16x128xf32, #tpu.memory_space<vmem>>) offsets(%get3A_106 : vector<16xi32>) semaphore(%dma_start3A_117 : memref<!tpu.dma_semaphore, #tpu.memory_space<semaphore_mem>>)
    %get3A_118 = arith.constant 0 : i32
    %get3A_119 = arith.index_cast %get3A_118 : i32 to index
    %get3A_120 = arith.constant 112 : index
    %get3A_121 = tpu.vector_load %arg7[%get3A_119, %get3A_120] {strides = array<i32>} : memref<50x128xi32, #tpu.memory_space<vmem>>, vector<1x16xi32>,
    %get3A_122 = vector.shape_cast %get3A_121 : vector<1x16xi32> to vector<16xi32>
    %dma_start3A_123 = arith.constant 0 : i32
    %dma_start3A_124 = arith.constant 0 : i32
    %dma_start3A_125 = arith.constant 112 : i32
    %dma_start3A_126 = arith.constant 0 : i32
    %dma_start3A_127 = tpu.memref_slice %arg9[%dma_start3A_123, %dma_start3A_125, %dma_start3A_126] : memref<3x128x128xf32, #tpu.memory_space<vmem>> -> memref<1x16x128xf32, #tpu.memory_space<vmem>>
    %dma_start3A_128 = tpu.memref_squeeze %dma_start3A_127 : memref<1x16x128xf32, #tpu.memory_space<vmem>> -> memref<16x128xf32, #tpu.memory_space<vmem>>
    %dma_start3A_129 = arith.constant 0 : i32
    %dma_start3A_130 = arith.constant 0 : i32
    %dma_start3A_131 = tpu.memref_slice %arg3[%dma_start3A_129, %dma_start3A_130] : memref<500000x128xf32, #tpu.memory_space<hbm>> -> memref<500000x128xf32, #tpu.memory_space<hbm>>
    %dma_start3A_132 = tpu.memref_slice %arg11[%dma_start3A_124] : memref<3x!tpu.dma_semaphore, #tpu.memory_space<semaphore_mem>> -> memref<1x!tpu.dma_semaphore, #tpu.memory_space<semaphore_mem>>
    %dma_start3A_133 = tpu.memref_squeeze %dma_start3A_132 : memref<1x!tpu.dma_semaphore, #tpu.memory_space<semaphore_mem>> -> memref<!tpu.dma_semaphore, #tpu.memory_space<semaphore_mem>>
    tpu.enqueue_indirect_dma source(%dma_start3A_131 : memref<500000x128xf32, #tpu.memory_space<hbm>>) target(%dma_start3A_128 : memref<16x128xf32, #tpu.memory_space<vmem>>) offsets(%get3A_122 : vector<16xi32>) semaphore(%dma_start3A_133 : memref<!tpu.dma_semaphore, #tpu.memory_space<semaphore_mem>>)
    %get3A_134 = arith.constant 1 : i32
    %get3A_135 = arith.index_cast %get3A_134 : i32 to index
    %get3A_136 = arith.constant 0 : index
    %get3A_137 = tpu.vector_load %arg7[%get3A_135, %get3A_136] {strides = array<i32>} : memref<50x128xi32, #tpu.memory_space<vmem>>, vector<1x16xi32>,
    %get3A_138 = vector.shape_cast %get3A_137 : vector<1x16xi32> to vector<16xi32>
    %dma_start3A_139 = arith.constant 1 : i32
    %dma_start3A_140 = arith.constant 1 : i32
    %dma_start3A_141 = arith.constant 0 : i32
    %dma_start3A_142 = arith.constant 0 : i32
    %dma_start3A_143 = tpu.memref_slice %arg9[%dma_start3A_139, %dma_start3A_141, %dma_start3A_142] : memref<3x128x128xf32, #tpu.memory_space<vmem>> -> memref<1x16x128xf32, #tpu.memory_space<vmem>>
    %dma_start3A_144 = tpu.memref_squeeze %dma_start3A_143 : memref<1x16x128xf32, #tpu.memory_space<vmem>> -> memref<16x128xf32, #tpu.memory_space<vmem>>
    %dma_start3A_145 = arith.constant 0 : i32
    %dma_start3A_146 = arith.constant 0 : i32
    %dma_start3A_147 = tpu.memref_slice %arg3[%dma_start3A_145, %dma_start3A_146] : memref<500000x128xf32, #tpu.memory_space<hbm>> -> memref<500000x128xf32, #tpu.memory_space<hbm>>
    %dma_start3A_148 = tpu.memref_slice %arg11[%dma_start3A_140] : memref<3x!tpu.dma_semaphore, #tpu.memory_space<semaphore_mem>> -> memref<1x!tpu.dma_semaphore, #tpu.memory_space<semaphore_mem>>
    %dma_start3A_149 = tpu.memref_squeeze %dma_start3A_148 : memref<1x!tpu.dma_semaphore, #tpu.memory_space<semaphore_mem>> -> memref<!tpu.dma_semaphore, #tpu.memory_space<semaphore_mem>>
    tpu.enqueue_indirect_dma source(%dma_start3A_147 : memref<500000x128xf32, #tpu.memory_space<hbm>>) target(%dma_start3A_144 : memref<16x128xf32, #tpu.memory_space<vmem>>) offsets(%get3A_138 : vector<16xi32>) semaphore(%dma_start3A_149 : memref<!tpu.dma_semaphore, #tpu.memory_space<semaphore_mem>>)
    %get3A_150 = arith.constant 1 : i32
    %get3A_151 = arith.index_cast %get3A_150 : i32 to index
    %get3A_152 = arith.constant 16 : index
    %get3A_153 = tpu.vector_load %arg7[%get3A_151, %get3A_152] {strides = array<i32>} : memref<50x128xi32, #tpu.memory_space<vmem>>, vector<1x16xi32>,
    %get3A_154 = vector.shape_cast %get3A_153 : vector<1x16xi32> to vector<16xi32>
    %dma_start3A_155 = arith.constant 1 : i32
    %dma_start3A_156 = arith.constant 1 : i32
    %dma_start3A_157 = arith.constant 16 : i32
    %dma_start3A_158 = arith.constant 0 : i32
    %dma_start3A_159 = tpu.memref_slice %arg9[%dma_start3A_155, %dma_start3A_157, %dma_start3A_158] : memref<3x128x128xf32, #tpu.memory_space<vmem>> -> memref<1x16x128xf32, #tpu.memory_space<vmem>>
    %dma_start3A_160 = tpu.memref_squeeze %dma_start3A_159 : memref<1x16x128xf32, #tpu.memory_space<vmem>> -> memref<16x128xf32, #tpu.memory_space<vmem>>
    %dma_start3A_161 = arith.constant 0 : i32
    %dma_start3A_162 = arith.constant 0 : i32
    %dma_start3A_163 = tpu.memref_slice %arg3[%dma_start3A_161, %dma_start3A_162] : memref<500000x128xf32, #tpu.memory_space<hbm>> -> memref<500000x128xf32, #tpu.memory_space<hbm>>
    %dma_start3A_164 = tpu.memref_slice %arg11[%dma_start3A_156] : memref<3x!tpu.dma_semaphore, #tpu.memory_space<semaphore_mem>> -> memref<1x!tpu.dma_semaphore, #tpu.memory_space<semaphore_mem>>
    %dma_start3A_165 = tpu.memref_squeeze %dma_start3A_164 : memref<1x!tpu.dma_semaphore, #tpu.memory_space<semaphore_mem>> -> memref<!tpu.dma_semaphore, #tpu.memory_space<semaphore_mem>>
    tpu.enqueue_indirect_dma source(%dma_start3A_163 : memref<500000x128xf32, #tpu.memory_space<hbm>>) target(%dma_start3A_160 : memref<16x128xf32, #tpu.memory_space<vmem>>) offsets(%get3A_154 : vector<16xi32>) semaphore(%dma_start3A_165 : memref<!tpu.dma_semaphore, #tpu.memory_space<semaphore_mem>>)
    %get3A_166 = arith.constant 1 : i32
    %get3A_167 = arith.index_cast %get3A_166 : i32 to index
    %get3A_168 = arith.constant 32 : index
    %get3A_169 = tpu.vector_load %arg7[%get3A_167, %get3A_168] {strides = array<i32>} : memref<50x128xi32, #tpu.memory_space<vmem>>, vector<1x16xi32>,
    %get3A_170 = vector.shape_cast %get3A_169 : vector<1x16xi32> to vector<16xi32>
    %dma_start3A_171 = arith.constant 1 : i32
    %dma_start3A_172 = arith.constant 1 : i32
    %dma_start3A_173 = arith.constant 32 : i32
    %dma_start3A_174 = arith.constant 0 : i32
    %dma_start3A_175 = tpu.memref_slice %arg9[%dma_start3A_171, %dma_start3A_173, %dma_start3A_174] : memref<3x128x128xf32, #tpu.memory_space<vmem>> -> memref<1x16x128xf32, #tpu.memory_space<vmem>>
    %dma_start3A_176 = tpu.memref_squeeze %dma_start3A_175 : memref<1x16x128xf32, #tpu.memory_space<vmem>> -> memref<16x128xf32, #tpu.memory_space<vmem>>
    %dma_start3A_177 = arith.constant 0 : i32
    %dma_start3A_178 = arith.constant 0 : i32
    %dma_start3A_179 = tpu.memref_slice %arg3[%dma_start3A_177, %dma_start3A_178] : memref<500000x128xf32, #tpu.memory_space<hbm>> -> memref<500000x128xf32, #tpu.memory_space<hbm>>
    %dma_start3A_180 = tpu.memref_slice %arg11[%dma_start3A_172] : memref<3x!tpu.dma_semaphore, #tpu.memory_space<semaphore_mem>> -> memref<1x!tpu.dma_semaphore, #tpu.memory_space<semaphore_mem>>
    %dma_start3A_181 = tpu.memref_squeeze %dma_start3A_180 : memref<1x!tpu.dma_semaphore, #tpu.memory_space<semaphore_mem>> -> memref<!tpu.dma_semaphore, #tpu.memory_space<semaphore_mem>>
    tpu.enqueue_indirect_dma source(%dma_start3A_179 : memref<500000x128xf32, #tpu.memory_space<hbm>>) target(%dma_start3A_176 : memref<16x128xf32, #tpu.memory_space<vmem>>) offsets(%get3A_170 : vector<16xi32>) semaphore(%dma_start3A_181 : memref<!tpu.dma_semaphore, #tpu.memory_space<semaphore_mem>>)
    %get3A_182 = arith.constant 1 : i32
    %get3A_183 = arith.index_cast %get3A_182 : i32 to index
    %get3A_184 = arith.constant 48 : index
    %get3A_185 = tpu.vector_load %arg7[%get3A_183, %get3A_184] {strides = array<i32>} : memref<50x128xi32, #tpu.memory_space<vmem>>, vector<1x16xi32>,
    %get3A_186 = vector.shape_cast %get3A_185 : vector<1x16xi32> to vector<16xi32>
    %dma_start3A_187 = arith.constant 1 : i32
    %dma_start3A_188 = arith.constant 1 : i32
    %dma_start3A_189 = arith.constant 48 : i32
    %dma_start3A_190 = arith.constant 0 : i32
    %dma_start3A_191 = tpu.memref_slice %arg9[%dma_start3A_187, %dma_start3A_189, %dma_start3A_190] : memref<3x128x128xf32, #tpu.memory_space<vmem>> -> memref<1x16x128xf32, #tpu.memory_space<vmem>>
    %dma_start3A_192 = tpu.memref_squeeze %dma_start3A_191 : memref<1x16x128xf32, #tpu.memory_space<vmem>> -> memref<16x128xf32, #tpu.memory_space<vmem>>
    %dma_start3A_193 = arith.constant 0 : i32
    %dma_start3A_194 = arith.constant 0 : i32
    %dma_start3A_195 = tpu.memref_slice %arg3[%dma_start3A_193, %dma_start3A_194] : memref<500000x128xf32, #tpu.memory_space<hbm>> -> memref<500000x128xf32, #tpu.memory_space<hbm>>
    %dma_start3A_196 = tpu.memref_slice %arg11[%dma_start3A_188] : memref<3x!tpu.dma_semaphore, #tpu.memory_space<semaphore_mem>> -> memref<1x!tpu.dma_semaphore, #tpu.memory_space<semaphore_mem>>
    %dma_start3A_197 = tpu.memref_squeeze %dma_start3A_196 : memref<1x!tpu.dma_semaphore, #tpu.memory_space<semaphore_mem>> -> memref<!tpu.dma_semaphore, #tpu.memory_space<semaphore_mem>>
    tpu.enqueue_indirect_dma source(%dma_start3A_195 : memref<500000x128xf32, #tpu.memory_space<hbm>>) target(%dma_start3A_192 : memref<16x128xf32, #tpu.memory_space<vmem>>) offsets(%get3A_186 : vector<16xi32>) semaphore(%dma_start3A_197 : memref<!tpu.dma_semaphore, #tpu.memory_space<semaphore_mem>>)
    %get3A_198 = arith.constant 1 : i32
    %get3A_199 = arith.index_cast %get3A_198 : i32 to index
    %get3A_200 = arith.constant 64 : index
    %get3A_201 = tpu.vector_load %arg7[%get3A_199, %get3A_200] {strides = array<i32>} : memref<50x128xi32, #tpu.memory_space<vmem>>, vector<1x16xi32>,
    %get3A_202 = vector.shape_cast %get3A_201 : vector<1x16xi32> to vector<16xi32>
    %dma_start3A_203 = arith.constant 1 : i32
    %dma_start3A_204 = arith.constant 1 : i32
    %dma_start3A_205 = arith.constant 64 : i32
    %dma_start3A_206 = arith.constant 0 : i32
    %dma_start3A_207 = tpu.memref_slice %arg9[%dma_start3A_203, %dma_start3A_205, %dma_start3A_206] : memref<3x128x128xf32, #tpu.memory_space<vmem>> -> memref<1x16x128xf32, #tpu.memory_space<vmem>>
    %dma_start3A_208 = tpu.memref_squeeze %dma_start3A_207 : memref<1x16x128xf32, #tpu.memory_space<vmem>> -> memref<16x128xf32, #tpu.memory_space<vmem>>
    %dma_start3A_209 = arith.constant 0 : i32
    %dma_start3A_210 = arith.constant 0 : i32
    %dma_start3A_211 = tpu.memref_slice %arg3[%dma_start3A_209, %dma_start3A_210] : memref<500000x128xf32, #tpu.memory_space<hbm>> -> memref<500000x128xf32, #tpu.memory_space<hbm>>
    %dma_start3A_212 = tpu.memref_slice %arg11[%dma_start3A_204] : memref<3x!tpu.dma_semaphore, #tpu.memory_space<semaphore_mem>> -> memref<1x!tpu.dma_semaphore, #tpu.memory_space<semaphore_mem>>
    %dma_start3A_213 = tpu.memref_squeeze %dma_start3A_212 : memref<1x!tpu.dma_semaphore, #tpu.memory_space<semaphore_mem>> -> memref<!tpu.dma_semaphore, #tpu.memory_space<semaphore_mem>>
    tpu.enqueue_indirect_dma source(%dma_start3A_211 : memref<500000x128xf32, #tpu.memory_space<hbm>>) target(%dma_start3A_208 : memref<16x128xf32, #tpu.memory_space<vmem>>) offsets(%get3A_202 : vector<16xi32>) semaphore(%dma_start3A_213 : memref<!tpu.dma_semaphore, #tpu.memory_space<semaphore_mem>>)
    %get3A_214 = arith.constant 1 : i32
    %get3A_215 = arith.index_cast %get3A_214 : i32 to index
    %get3A_216 = arith.constant 80 : index
    %get3A_217 = tpu.vector_load %arg7[%get3A_215, %get3A_216] {strides = array<i32>} : memref<50x128xi32, #tpu.memory_space<vmem>>, vector<1x16xi32>,
    %get3A_218 = vector.shape_cast %get3A_217 : vector<1x16xi32> to vector<16xi32>
    %dma_start3A_219 = arith.constant 1 : i32
    %dma_start3A_220 = arith.constant 1 : i32
    %dma_start3A_221 = arith.constant 80 : i32
    %dma_start3A_222 = arith.constant 0 : i32
    %dma_start3A_223 = tpu.memref_slice %arg9[%dma_start3A_219, %dma_start3A_221, %dma_start3A_222] : memref<3x128x128xf32, #tpu.memory_space<vmem>> -> memref<1x16x128xf32, #tpu.memory_space<vmem>>
    %dma_start3A_224 = tpu.memref_squeeze %dma_start3A_223 : memref<1x16x128xf32, #tpu.memory_space<vmem>> -> memref<16x128xf32, #tpu.memory_space<vmem>>
    %dma_start3A_225 = arith.constant 0 : i32
    %dma_start3A_226 = arith.constant 0 : i32
    %dma_start3A_227 = tpu.memref_slice %arg3[%dma_start3A_225, %dma_start3A_226] : memref<500000x128xf32, #tpu.memory_space<hbm>> -> memref<500000x128xf32, #tpu.memory_space<hbm>>
    %dma_start3A_228 = tpu.memref_slice %arg11[%dma_start3A_220] : memref<3x!tpu.dma_semaphore, #tpu.memory_space<semaphore_mem>> -> memref<1x!tpu.dma_semaphore, #tpu.memory_space<semaphore_mem>>
    %dma_start3A_229 = tpu.memref_squeeze %dma_start3A_228 : memref<1x!tpu.dma_semaphore, #tpu.memory_space<semaphore_mem>> -> memref<!tpu.dma_semaphore, #tpu.memory_space<semaphore_mem>>
    tpu.enqueue_indirect_dma source(%dma_start3A_227 : memref<500000x128xf32, #tpu.memory_space<hbm>>) target(%dma_start3A_224 : memref<16x128xf32, #tpu.memory_space<vmem>>) offsets(%get3A_218 : vector<16xi32>) semaphore(%dma_start3A_229 : memref<!tpu.dma_semaphore, #tpu.memory_space<semaphore_mem>>)
    %get3A_230 = arith.constant 1 : i32
    %get3A_231 = arith.index_cast %get3A_230 : i32 to index
    %get3A_232 = arith.constant 96 : index
    %get3A_233 = tpu.vector_load %arg7[%get3A_231, %get3A_232] {strides = array<i32>} : memref<50x128xi32, #tpu.memory_space<vmem>>, vector<1x16xi32>,
    %get3A_234 = vector.shape_cast %get3A_233 : vector<1x16xi32> to vector<16xi32>
    %dma_start3A_235 = arith.constant 1 : i32
    %dma_start3A_236 = arith.constant 1 : i32
    %dma_start3A_237 = arith.constant 96 : i32
    %dma_start3A_238 = arith.constant 0 : i32
    %dma_start3A_239 = tpu.memref_slice %arg9[%dma_start3A_235, %dma_start3A_237, %dma_start3A_238] : memref<3x128x128xf32, #tpu.memory_space<vmem>> -> memref<1x16x128xf32, #tpu.memory_space<vmem>>
    %dma_start3A_240 = tpu.memref_squeeze %dma_start3A_239 : memref<1x16x128xf32, #tpu.memory_space<vmem>> -> memref<16x128xf32, #tpu.memory_space<vmem>>
    %dma_start3A_241 = arith.constant 0 : i32
    %dma_start3A_242 = arith.constant 0 : i32
    %dma_start3A_243 = tpu.memref_slice %arg3[%dma_start3A_241, %dma_start3A_242] : memref<500000x128xf32, #tpu.memory_space<hbm>> -> memref<500000x128xf32, #tpu.memory_space<hbm>>
    %dma_start3A_244 = tpu.memref_slice %arg11[%dma_start3A_236] : memref<3x!tpu.dma_semaphore, #tpu.memory_space<semaphore_mem>> -> memref<1x!tpu.dma_semaphore, #tpu.memory_space<semaphore_mem>>
    %dma_start3A_245 = tpu.memref_squeeze %dma_start3A_244 : memref<1x!tpu.dma_semaphore, #tpu.memory_space<semaphore_mem>> -> memref<!tpu.dma_semaphore, #tpu.memory_space<semaphore_mem>>
    tpu.enqueue_indirect_dma source(%dma_start3A_243 : memref<500000x128xf32, #tpu.memory_space<hbm>>) target(%dma_start3A_240 : memref<16x128xf32, #tpu.memory_space<vmem>>) offsets(%get3A_234 : vector<16xi32>) semaphore(%dma_start3A_245 : memref<!tpu.dma_semaphore, #tpu.memory_space<semaphore_mem>>)
    %get3A_246 = arith.constant 1 : i32
    %get3A_247 = arith.index_cast %get3A_246 : i32 to index
    %get3A_248 = arith.constant 112 : index
    %get3A_249 = tpu.vector_load %arg7[%get3A_247, %get3A_248] {strides = array<i32>} : memref<50x128xi32, #tpu.memory_space<vmem>>, vector<1x16xi32>,
    %get3A_250 = vector.shape_cast %get3A_249 : vector<1x16xi32> to vector<16xi32>
    %dma_start3A_251 = arith.constant 1 : i32
    %dma_start3A_252 = arith.constant 1 : i32
    %dma_start3A_253 = arith.constant 112 : i32
    %dma_start3A_254 = arith.constant 0 : i32
    %dma_start3A_255 = tpu.memref_slice %arg9[%dma_start3A_251, %dma_start3A_253, %dma_start3A_254] : memref<3x128x128xf32, #tpu.memory_space<vmem>> -> memref<1x16x128xf32, #tpu.memory_space<vmem>>
    %dma_start3A_256 = tpu.memref_squeeze %dma_start3A_255 : memref<1x16x128xf32, #tpu.memory_space<vmem>> -> memref<16x128xf32, #tpu.memory_space<vmem>>
    %dma_start3A_257 = arith.constant 0 : i32
    %dma_start3A_258 = arith.constant 0 : i32
    %dma_start3A_259 = tpu.memref_slice %arg3[%dma_start3A_257, %dma_start3A_258] : memref<500000x128xf32, #tpu.memory_space<hbm>> -> memref<500000x128xf32, #tpu.memory_space<hbm>>
    %dma_start3A_260 = tpu.memref_slice %arg11[%dma_start3A_252] : memref<3x!tpu.dma_semaphore, #tpu.memory_space<semaphore_mem>> -> memref<1x!tpu.dma_semaphore, #tpu.memory_space<semaphore_mem>>
    %dma_start3A_261 = tpu.memref_squeeze %dma_start3A_260 : memref<1x!tpu.dma_semaphore, #tpu.memory_space<semaphore_mem>> -> memref<!tpu.dma_semaphore, #tpu.memory_space<semaphore_mem>>
    tpu.enqueue_indirect_dma source(%dma_start3A_259 : memref<500000x128xf32, #tpu.memory_space<hbm>>) target(%dma_start3A_256 : memref<16x128xf32, #tpu.memory_space<vmem>>) offsets(%get3A_250 : vector<16xi32>) semaphore(%dma_start3A_261 : memref<!tpu.dma_semaphore, #tpu.memory_space<semaphore_mem>>)
    %get3A_262 = arith.constant 2 : i32
    %get3A_263 = arith.index_cast %get3A_262 : i32 to index
    %get3A_264 = arith.constant 0 : index
    %get3A_265 = tpu.vector_load %arg7[%get3A_263, %get3A_264] {strides = array<i32>} : memref<50x128xi32, #tpu.memory_space<vmem>>, vector<1x16xi32>,
    %get3A_266 = vector.shape_cast %get3A_265 : vector<1x16xi32> to vector<16xi32>
    %dma_start3A_267 = arith.constant 2 : i32
    %dma_start3A_268 = arith.constant 2 : i32
    %dma_start3A_269 = arith.constant 0 : i32
    %dma_start3A_270 = arith.constant 0 : i32
    %dma_start3A_271 = tpu.memref_slice %arg9[%dma_start3A_267, %dma_start3A_269, %dma_start3A_270] : memref<3x128x128xf32, #tpu.memory_space<vmem>> -> memref<1x16x128xf32, #tpu.memory_space<vmem>>
    %dma_start3A_272 = tpu.memref_squeeze %dma_start3A_271 : memref<1x16x128xf32, #tpu.memory_space<vmem>> -> memref<16x128xf32, #tpu.memory_space<vmem>>
    %dma_start3A_273 = arith.constant 0 : i32
    %dma_start3A_274 = arith.constant 0 : i32
    %dma_start3A_275 = tpu.memref_slice %arg3[%dma_start3A_273, %dma_start3A_274] : memref<500000x128xf32, #tpu.memory_space<hbm>> -> memref<500000x128xf32, #tpu.memory_space<hbm>>
    %dma_start3A_276 = tpu.memref_slice %arg11[%dma_start3A_268] : memref<3x!tpu.dma_semaphore, #tpu.memory_space<semaphore_mem>> -> memref<1x!tpu.dma_semaphore, #tpu.memory_space<semaphore_mem>>
    %dma_start3A_277 = tpu.memref_squeeze %dma_start3A_276 : memref<1x!tpu.dma_semaphore, #tpu.memory_space<semaphore_mem>> -> memref<!tpu.dma_semaphore, #tpu.memory_space<semaphore_mem>>
    tpu.enqueue_indirect_dma source(%dma_start3A_275 : memref<500000x128xf32, #tpu.memory_space<hbm>>) target(%dma_start3A_272 : memref<16x128xf32, #tpu.memory_space<vmem>>) offsets(%get3A_266 : vector<16xi32>) semaphore(%dma_start3A_277 : memref<!tpu.dma_semaphore, #tpu.memory_space<semaphore_mem>>)
    %get3A_278 = arith.constant 2 : i32
    %get3A_279 = arith.index_cast %get3A_278 : i32 to index
    %get3A_280 = arith.constant 16 : index
    %get3A_281 = tpu.vector_load %arg7[%get3A_279, %get3A_280] {strides = array<i32>} : memref<50x128xi32, #tpu.memory_space<vmem>>, vector<1x16xi32>,
    %get3A_282 = vector.shape_cast %get3A_281 : vector<1x16xi32> to vector<16xi32>
    %dma_start3A_283 = arith.constant 2 : i32
    %dma_start3A_284 = arith.constant 2 : i32
    %dma_start3A_285 = arith.constant 16 : i32
    %dma_start3A_286 = arith.constant 0 : i32
    %dma_start3A_287 = tpu.memref_slice %arg9[%dma_start3A_283, %dma_start3A_285, %dma_start3A_286] : memref<3x128x128xf32, #tpu.memory_space<vmem>> -> memref<1x16x128xf32, #tpu.memory_space<vmem>>
    %dma_start3A_288 = tpu.memref_squeeze %dma_start3A_287 : memref<1x16x128xf32, #tpu.memory_space<vmem>> -> memref<16x128xf32, #tpu.memory_space<vmem>>
    %dma_start3A_289 = arith.constant 0 : i32
    %dma_start3A_290 = arith.constant 0 : i32
    %dma_start3A_291 = tpu.memref_slice %arg3[%dma_start3A_289, %dma_start3A_290] : memref<500000x128xf32, #tpu.memory_space<hbm>> -> memref<500000x128xf32, #tpu.memory_space<hbm>>
    %dma_start3A_292 = tpu.memref_slice %arg11[%dma_start3A_284] : memref<3x!tpu.dma_semaphore, #tpu.memory_space<semaphore_mem>> -> memref<1x!tpu.dma_semaphore, #tpu.memory_space<semaphore_mem>>
    %dma_start3A_293 = tpu.memref_squeeze %dma_start3A_292 : memref<1x!tpu.dma_semaphore, #tpu.memory_space<semaphore_mem>> -> memref<!tpu.dma_semaphore, #tpu.memory_space<semaphore_mem>>
    tpu.enqueue_indirect_dma source(%dma_start3A_291 : memref<500000x128xf32, #tpu.memory_space<hbm>>) target(%dma_start3A_288 : memref<16x128xf32, #tpu.memory_space<vmem>>) offsets(%get3A_282 : vector<16xi32>) semaphore(%dma_start3A_293 : memref<!tpu.dma_semaphore, #tpu.memory_space<semaphore_mem>>)
    %get3A_294 = arith.constant 2 : i32
    %get3A_295 = arith.index_cast %get3A_294 : i32 to index
    %get3A_296 = arith.constant 32 : index
    %get3A_297 = tpu.vector_load %arg7[%get3A_295, %get3A_296] {strides = array<i32>} : memref<50x128xi32, #tpu.memory_space<vmem>>, vector<1x16xi32>,
    %get3A_298 = vector.shape_cast %get3A_297 : vector<1x16xi32> to vector<16xi32>
    %dma_start3A_299 = arith.constant 2 : i32
    %dma_start3A_300 = arith.constant 2 : i32
    %dma_start3A_301 = arith.constant 32 : i32
    %dma_start3A_302 = arith.constant 0 : i32
    %dma_start3A_303 = tpu.memref_slice %arg9[%dma_start3A_299, %dma_start3A_301, %dma_start3A_302] : memref<3x128x128xf32, #tpu.memory_space<vmem>> -> memref<1x16x128xf32, #tpu.memory_space<vmem>>
    %dma_start3A_304 = tpu.memref_squeeze %dma_start3A_303 : memref<1x16x128xf32, #tpu.memory_space<vmem>> -> memref<16x128xf32, #tpu.memory_space<vmem>>
    %dma_start3A_305 = arith.constant 0 : i32
    %dma_start3A_306 = arith.constant 0 : i32
    %dma_start3A_307 = tpu.memref_slice %arg3[%dma_start3A_305, %dma_start3A_306] : memref<500000x128xf32, #tpu.memory_space<hbm>> -> memref<500000x128xf32, #tpu.memory_space<hbm>>
    %dma_start3A_308 = tpu.memref_slice %arg11[%dma_start3A_300] : memref<3x!tpu.dma_semaphore, #tpu.memory_space<semaphore_mem>> -> memref<1x!tpu.dma_semaphore, #tpu.memory_space<semaphore_mem>>
    %dma_start3A_309 = tpu.memref_squeeze %dma_start3A_308 : memref<1x!tpu.dma_semaphore, #tpu.memory_space<semaphore_mem>> -> memref<!tpu.dma_semaphore, #tpu.memory_space<semaphore_mem>>
    tpu.enqueue_indirect_dma source(%dma_start3A_307 : memref<500000x128xf32, #tpu.memory_space<hbm>>) target(%dma_start3A_304 : memref<16x128xf32, #tpu.memory_space<vmem>>) offsets(%get3A_298 : vector<16xi32>) semaphore(%dma_start3A_309 : memref<!tpu.dma_semaphore, #tpu.memory_space<semaphore_mem>>)
    %get3A_310 = arith.constant 2 : i32
    %get3A_311 = arith.index_cast %get3A_310 : i32 to index
    %get3A_312 = arith.constant 48 : index
    %get3A_313 = tpu.vector_load %arg7[%get3A_311, %get3A_312] {strides = array<i32>} : memref<50x128xi32, #tpu.memory_space<vmem>>, vector<1x16xi32>,
    %get3A_314 = vector.shape_cast %get3A_313 : vector<1x16xi32> to vector<16xi32>
    %dma_start3A_315 = arith.constant 2 : i32
    %dma_start3A_316 = arith.constant 2 : i32
    %dma_start3A_317 = arith.constant 48 : i32
    %dma_start3A_318 = arith.constant 0 : i32
    %dma_start3A_319 = tpu.memref_slice %arg9[%dma_start3A_315, %dma_start3A_317, %dma_start3A_318] : memref<3x128x128xf32, #tpu.memory_space<vmem>> -> memref<1x16x128xf32, #tpu.memory_space<vmem>>
    %dma_start3A_320 = tpu.memref_squeeze %dma_start3A_319 : memref<1x16x128xf32, #tpu.memory_space<vmem>> -> memref<16x128xf32, #tpu.memory_space<vmem>>
    %dma_start3A_321 = arith.constant 0 : i32
    %dma_start3A_322 = arith.constant 0 : i32
    %dma_start3A_323 = tpu.memref_slice %arg3[%dma_start3A_321, %dma_start3A_322] : memref<500000x128xf32, #tpu.memory_space<hbm>> -> memref<500000x128xf32, #tpu.memory_space<hbm>>
    %dma_start3A_324 = tpu.memref_slice %arg11[%dma_start3A_316] : memref<3x!tpu.dma_semaphore, #tpu.memory_space<semaphore_mem>> -> memref<1x!tpu.dma_semaphore, #tpu.memory_space<semaphore_mem>>
    %dma_start3A_325 = tpu.memref_squeeze %dma_start3A_324 : memref<1x!tpu.dma_semaphore, #tpu.memory_space<semaphore_mem>> -> memref<!tpu.dma_semaphore, #tpu.memory_space<semaphore_mem>>
    tpu.enqueue_indirect_dma source(%dma_start3A_323 : memref<500000x128xf32, #tpu.memory_space<hbm>>) target(%dma_start3A_320 : memref<16x128xf32, #tpu.memory_space<vmem>>) offsets(%get3A_314 : vector<16xi32>) semaphore(%dma_start3A_325 : memref<!tpu.dma_semaphore, #tpu.memory_space<semaphore_mem>>)
    %get3A_326 = arith.constant 2 : i32
    %get3A_327 = arith.index_cast %get3A_326 : i32 to index
    %get3A_328 = arith.constant 64 : index
    %get3A_329 = tpu.vector_load %arg7[%get3A_327, %get3A_328] {strides = array<i32>} : memref<50x128xi32, #tpu.memory_space<vmem>>, vector<1x16xi32>,
    %get3A_330 = vector.shape_cast %get3A_329 : vector<1x16xi32> to vector<16xi32>
    %dma_start3A_331 = arith.constant 2 : i32
    %dma_start3A_332 = arith.constant 2 : i32
    %dma_start3A_333 = arith.constant 64 : i32
    %dma_start3A_334 = arith.constant 0 : i32
    %dma_start3A_335 = tpu.memref_slice %arg9[%dma_start3A_331, %dma_start3A_333, %dma_start3A_334] : memref<3x128x128xf32, #tpu.memory_space<vmem>> -> memref<1x16x128xf32, #tpu.memory_space<vmem>>
    %dma_start3A_336 = tpu.memref_squeeze %dma_start3A_335 : memref<1x16x128xf32, #tpu.memory_space<vmem>> -> memref<16x128xf32, #tpu.memory_space<vmem>>
    %dma_start3A_337 = arith.constant 0 : i32
    %dma_start3A_338 = arith.constant 0 : i32
    %dma_start3A_339 = tpu.memref_slice %arg3[%dma_start3A_337, %dma_start3A_338] : memref<500000x128xf32, #tpu.memory_space<hbm>> -> memref<500000x128xf32, #tpu.memory_space<hbm>>
    %dma_start3A_340 = tpu.memref_slice %arg11[%dma_start3A_332] : memref<3x!tpu.dma_semaphore, #tpu.memory_space<semaphore_mem>> -> memref<1x!tpu.dma_semaphore, #tpu.memory_space<semaphore_mem>>
    %dma_start3A_341 = tpu.memref_squeeze %dma_start3A_340 : memref<1x!tpu.dma_semaphore, #tpu.memory_space<semaphore_mem>> -> memref<!tpu.dma_semaphore, #tpu.memory_space<semaphore_mem>>
    tpu.enqueue_indirect_dma source(%dma_start3A_339 : memref<500000x128xf32, #tpu.memory_space<hbm>>) target(%dma_start3A_336 : memref<16x128xf32, #tpu.memory_space<vmem>>) offsets(%get3A_330 : vector<16xi32>) semaphore(%dma_start3A_341 : memref<!tpu.dma_semaphore, #tpu.memory_space<semaphore_mem>>)
    %get3A_342 = arith.constant 2 : i32
    %get3A_343 = arith.index_cast %get3A_342 : i32 to index
    %get3A_344 = arith.constant 80 : index
    %get3A_345 = tpu.vector_load %arg7[%get3A_343, %get3A_344] {strides = array<i32>} : memref<50x128xi32, #tpu.memory_space<vmem>>, vector<1x16xi32>,
    %get3A_346 = vector.shape_cast %get3A_345 : vector<1x16xi32> to vector<16xi32>
    %dma_start3A_347 = arith.constant 2 : i32
    %dma_start3A_348 = arith.constant 2 : i32
    %dma_start3A_349 = arith.constant 80 : i32
    %dma_start3A_350 = arith.constant 0 : i32
    %dma_start3A_351 = tpu.memref_slice %arg9[%dma_start3A_347, %dma_start3A_349, %dma_start3A_350] : memref<3x128x128xf32, #tpu.memory_space<vmem>> -> memref<1x16x128xf32, #tpu.memory_space<vmem>>
    %dma_start3A_352 = tpu.memref_squeeze %dma_start3A_351 : memref<1x16x128xf32, #tpu.memory_space<vmem>> -> memref<16x128xf32, #tpu.memory_space<vmem>>
    %dma_start3A_353 = arith.constant 0 : i32
    %dma_start3A_354 = arith.constant 0 : i32
    %dma_start3A_355 = tpu.memref_slice %arg3[%dma_start3A_353, %dma_start3A_354] : memref<500000x128xf32, #tpu.memory_space<hbm>> -> memref<500000x128xf32, #tpu.memory_space<hbm>>
    %dma_start3A_356 = tpu.memref_slice %arg11[%dma_start3A_348] : memref<3x!tpu.dma_semaphore, #tpu.memory_space<semaphore_mem>> -> memref<1x!tpu.dma_semaphore, #tpu.memory_space<semaphore_mem>>
    %dma_start3A_357 = tpu.memref_squeeze %dma_start3A_356 : memref<1x!tpu.dma_semaphore, #tpu.memory_space<semaphore_mem>> -> memref<!tpu.dma_semaphore, #tpu.memory_space<semaphore_mem>>
    tpu.enqueue_indirect_dma source(%dma_start3A_355 : memref<500000x128xf32, #tpu.memory_space<hbm>>) target(%dma_start3A_352 : memref<16x128xf32, #tpu.memory_space<vmem>>) offsets(%get3A_346 : vector<16xi32>) semaphore(%dma_start3A_357 : memref<!tpu.dma_semaphore, #tpu.memory_space<semaphore_mem>>)
    %get3A_358 = arith.constant 2 : i32
    %get3A_359 = arith.index_cast %get3A_358 : i32 to index
    %get3A_360 = arith.constant 96 : index
    %get3A_361 = tpu.vector_load %arg7[%get3A_359, %get3A_360] {strides = array<i32>} : memref<50x128xi32, #tpu.memory_space<vmem>>, vector<1x16xi32>,
    %get3A_362 = vector.shape_cast %get3A_361 : vector<1x16xi32> to vector<16xi32>
    %dma_start3A_363 = arith.constant 2 : i32
    %dma_start3A_364 = arith.constant 2 : i32
    %dma_start3A_365 = arith.constant 96 : i32
    %dma_start3A_366 = arith.constant 0 : i32
    %dma_start3A_367 = tpu.memref_slice %arg9[%dma_start3A_363, %dma_start3A_365, %dma_start3A_366] : memref<3x128x128xf32, #tpu.memory_space<vmem>> -> memref<1x16x128xf32, #tpu.memory_space<vmem>>
    %dma_start3A_368 = tpu.memref_squeeze %dma_start3A_367 : memref<1x16x128xf32, #tpu.memory_space<vmem>> -> memref<16x128xf32, #tpu.memory_space<vmem>>
    %dma_start3A_369 = arith.constant 0 : i32
    %dma_start3A_370 = arith.constant 0 : i32
    %dma_start3A_371 = tpu.memref_slice %arg3[%dma_start3A_369, %dma_start3A_370] : memref<500000x128xf32, #tpu.memory_space<hbm>> -> memref<500000x128xf32, #tpu.memory_space<hbm>>
    %dma_start3A_372 = tpu.memref_slice %arg11[%dma_start3A_364] : memref<3x!tpu.dma_semaphore, #tpu.memory_space<semaphore_mem>> -> memref<1x!tpu.dma_semaphore, #tpu.memory_space<semaphore_mem>>
    %dma_start3A_373 = tpu.memref_squeeze %dma_start3A_372 : memref<1x!tpu.dma_semaphore, #tpu.memory_space<semaphore_mem>> -> memref<!tpu.dma_semaphore, #tpu.memory_space<semaphore_mem>>
    tpu.enqueue_indirect_dma source(%dma_start3A_371 : memref<500000x128xf32, #tpu.memory_space<hbm>>) target(%dma_start3A_368 : memref<16x128xf32, #tpu.memory_space<vmem>>) offsets(%get3A_362 : vector<16xi32>) semaphore(%dma_start3A_373 : memref<!tpu.dma_semaphore, #tpu.memory_space<semaphore_mem>>)
    %get3A_374 = arith.constant 2 : i32
    %get3A_375 = arith.index_cast %get3A_374 : i32 to index
    %get3A_376 = arith.constant 112 : index
    %get3A_377 = tpu.vector_load %arg7[%get3A_375, %get3A_376] {strides = array<i32>} : memref<50x128xi32, #tpu.memory_space<vmem>>, vector<1x16xi32>,
    %get3A_378 = vector.shape_cast %get3A_377 : vector<1x16xi32> to vector<16xi32>
    %dma_start3A_379 = arith.constant 2 : i32
    %dma_start3A_380 = arith.constant 2 : i32
    %dma_start3A_381 = arith.constant 112 : i32
    %dma_start3A_382 = arith.constant 0 : i32
    %dma_start3A_383 = tpu.memref_slice %arg9[%dma_start3A_379, %dma_start3A_381, %dma_start3A_382] : memref<3x128x128xf32, #tpu.memory_space<vmem>> -> memref<1x16x128xf32, #tpu.memory_space<vmem>>
    %dma_start3A_384 = tpu.memref_squeeze %dma_start3A_383 : memref<1x16x128xf32, #tpu.memory_space<vmem>> -> memref<16x128xf32, #tpu.memory_space<vmem>>
    %dma_start3A_385 = arith.constant 0 : i32
    %dma_start3A_386 = arith.constant 0 : i32
    %dma_start3A_387 = tpu.memref_slice %arg3[%dma_start3A_385, %dma_start3A_386] : memref<500000x128xf32, #tpu.memory_space<hbm>> -> memref<500000x128xf32, #tpu.memory_space<hbm>>
    %dma_start3A_388 = tpu.memref_slice %arg11[%dma_start3A_380] : memref<3x!tpu.dma_semaphore, #tpu.memory_space<semaphore_mem>> -> memref<1x!tpu.dma_semaphore, #tpu.memory_space<semaphore_mem>>
    %dma_start3A_389 = tpu.memref_squeeze %dma_start3A_388 : memref<1x!tpu.dma_semaphore, #tpu.memory_space<semaphore_mem>> -> memref<!tpu.dma_semaphore, #tpu.memory_space<semaphore_mem>>
    tpu.enqueue_indirect_dma source(%dma_start3A_387 : memref<500000x128xf32, #tpu.memory_space<hbm>>) target(%dma_start3A_384 : memref<16x128xf32, #tpu.memory_space<vmem>>) offsets(%get3A_378 : vector<16xi32>) semaphore(%dma_start3A_389 : memref<!tpu.dma_semaphore, #tpu.memory_space<semaphore_mem>>)
    %scan3A_390 = arith.constant 0 : i32
    %scan3A_391 = arith.constant 0 : i32
    %scan3A_392 = arith.constant 50 : i32
    %scan3A_393 = arith.addi %scan3A_391, %scan3A_392 : i32
    %scan3A_394 = arith.constant 1 : i32
    scf.for %scan3A_449 = %scan3A_391 to %scan3A_393 step %scan3A_394  : i32 {
      %jit3A = arith.constant 3 : i32
      %eq3A = arith.constant 0 : i32
      %eq3A_450 = arith.cmpi eq, %jit3A, %eq3A : i32
      %jit3A_451 = arith.constant 1 : i32
      %select_n3A = arith.select %eq3A_450, %jit3A_451, %jit3A : i32
      %rem3A = arith.remsi %scan3A_449, %select_n3A : i32
      %ne3A = arith.constant 0 : i32
      %ne3A_452 = arith.cmpi ne, %rem3A, %ne3A : i32
      %lt3A = arith.constant 0 : i32
      %lt3A_453 = arith.cmpi slt, %rem3A, %lt3A : i32
      %lt3A_454 = arith.constant 0 : i32
      %lt3A_455 = arith.cmpi slt, %select_n3A, %lt3A_454 : i32
      %ne3A_456 = arith.xori %lt3A_453, %lt3A_455 : i1
      %and3A = arith.andi %ne3A_456, %ne3A_452 : i1
      %add3A_457 = arith.addi %rem3A, %select_n3A : i32
      %select_n3A_458 = arith.select %and3A, %add3A_457, %rem3A : i32
      %get3A_459 = arith.index_cast %scan3A_449 : i32 to index
      %get3A_460 = arith.constant 0 : index
      %get3A_461 = tpu.vector_load %arg7[%get3A_459, %get3A_460] {strides = array<i32>} : memref<50x128xi32, #tpu.memory_space<vmem>>, vector<1x16xi32>,
      %get3A_462 = vector.shape_cast %get3A_461 : vector<1x16xi32> to vector<16xi32>
      %dma_wait3A_463 = arith.constant 0 : i32
      %dma_wait3A_464 = arith.constant 0 : i32
      %dma_wait3A_465 = tpu.memref_slice %arg9[%select_n3A_458, %dma_wait3A_463, %dma_wait3A_464] : memref<3x128x128xf32, #tpu.memory_space<vmem>> -> memref<1x16x128xf32, #tpu.memory_space<vmem>>
      %dma_wait3A_466 = tpu.memref_squeeze %dma_wait3A_465 : memref<1x16x128xf32, #tpu.memory_space<vmem>> -> memref<16x128xf32, #tpu.memory_space<vmem>>
      %dma_wait3A_467 = arith.constant 0 : i32
      %dma_wait3A_468 = arith.constant 0 : i32
      %dma_wait3A_469 = tpu.memref_slice %arg3[%dma_wait3A_467, %dma_wait3A_468] : memref<500000x128xf32, #tpu.memory_space<hbm>> -> memref<500000x128xf32, #tpu.memory_space<hbm>>
      %dma_wait3A_470 = tpu.memref_slice %arg11[%select_n3A_458] : memref<3x!tpu.dma_semaphore, #tpu.memory_space<semaphore_mem>> -> memref<1x!tpu.dma_semaphore, #tpu.memory_space<semaphore_mem>>
      %dma_wait3A_471 = tpu.memref_squeeze %dma_wait3A_470 : memref<1x!tpu.dma_semaphore, #tpu.memory_space<semaphore_mem>> -> memref<!tpu.dma_semaphore, #tpu.memory_space<semaphore_mem>>
      tpu.wait_indirect_dma semaphore(%dma_wait3A_471 : memref<!tpu.dma_semaphore, #tpu.memory_space<semaphore_mem>>) src(%dma_wait3A_469 : memref<500000x128xf32, #tpu.memory_space<hbm>>) dst(%dma_wait3A_466 : memref<16x128xf32, #tpu.memory_space<vmem>>)
      %get3A_472 = arith.index_cast %scan3A_449 : i32 to index
      %get3A_473 = arith.constant 16 : index
      %get3A_474 = tpu.vector_load %arg7[%get3A_472, %get3A_473] {strides = array<i32>} : memref<50x128xi32, #tpu.memory_space<vmem>>, vector<1x16xi32>,
      %get3A_475 = vector.shape_cast %get3A_474 : vector<1x16xi32> to vector<16xi32>
      %dma_wait3A_476 = arith.constant 16 : i32
      %dma_wait3A_477 = arith.constant 0 : i32
      %dma_wait3A_478 = tpu.memref_slice %arg9[%select_n3A_458, %dma_wait3A_476, %dma_wait3A_477] : memref<3x128x128xf32, #tpu.memory_space<vmem>> -> memref<1x16x128xf32, #tpu.memory_space<vmem>>
      %dma_wait3A_479 = tpu.memref_squeeze %dma_wait3A_478 : memref<1x16x128xf32, #tpu.memory_space<vmem>> -> memref<16x128xf32, #tpu.memory_space<vmem>>
      %dma_wait3A_480 = arith.constant 0 : i32
      %dma_wait3A_481 = arith.constant 0 : i32
      %dma_wait3A_482 = tpu.memref_slice %arg3[%dma_wait3A_480, %dma_wait3A_481] : memref<500000x128xf32, #tpu.memory_space<hbm>> -> memref<500000x128xf32, #tpu.memory_space<hbm>>
      %dma_wait3A_483 = tpu.memref_slice %arg11[%select_n3A_458] : memref<3x!tpu.dma_semaphore, #tpu.memory_space<semaphore_mem>> -> memref<1x!tpu.dma_semaphore, #tpu.memory_space<semaphore_mem>>
      %dma_wait3A_484 = tpu.memref_squeeze %dma_wait3A_483 : memref<1x!tpu.dma_semaphore, #tpu.memory_space<semaphore_mem>> -> memref<!tpu.dma_semaphore, #tpu.memory_space<semaphore_mem>>
      tpu.wait_indirect_dma semaphore(%dma_wait3A_484 : memref<!tpu.dma_semaphore, #tpu.memory_space<semaphore_mem>>) src(%dma_wait3A_482 : memref<500000x128xf32, #tpu.memory_space<hbm>>) dst(%dma_wait3A_479 : memref<16x128xf32, #tpu.memory_space<vmem>>)
      %get3A_485 = arith.index_cast %scan3A_449 : i32 to index
      %get3A_486 = arith.constant 32 : index
      %get3A_487 = tpu.vector_load %arg7[%get3A_485, %get3A_486] {strides = array<i32>} : memref<50x128xi32, #tpu.memory_space<vmem>>, vector<1x16xi32>,
      %get3A_488 = vector.shape_cast %get3A_487 : vector<1x16xi32> to vector<16xi32>
      %dma_wait3A_489 = arith.constant 32 : i32
      %dma_wait3A_490 = arith.constant 0 : i32
      %dma_wait3A_491 = tpu.memref_slice %arg9[%select_n3A_458, %dma_wait3A_489, %dma_wait3A_490] : memref<3x128x128xf32, #tpu.memory_space<vmem>> -> memref<1x16x128xf32, #tpu.memory_space<vmem>>
      %dma_wait3A_492 = tpu.memref_squeeze %dma_wait3A_491 : memref<1x16x128xf32, #tpu.memory_space<vmem>> -> memref<16x128xf32, #tpu.memory_space<vmem>>
      %dma_wait3A_493 = arith.constant 0 : i32
      %dma_wait3A_494 = arith.constant 0 : i32
      %dma_wait3A_495 = tpu.memref_slice %arg3[%dma_wait3A_493, %dma_wait3A_494] : memref<500000x128xf32, #tpu.memory_space<hbm>> -> memref<500000x128xf32, #tpu.memory_space<hbm>>
      %dma_wait3A_496 = tpu.memref_slice %arg11[%select_n3A_458] : memref<3x!tpu.dma_semaphore, #tpu.memory_space<semaphore_mem>> -> memref<1x!tpu.dma_semaphore, #tpu.memory_space<semaphore_mem>>
      %dma_wait3A_497 = tpu.memref_squeeze %dma_wait3A_496 : memref<1x!tpu.dma_semaphore, #tpu.memory_space<semaphore_mem>> -> memref<!tpu.dma_semaphore, #tpu.memory_space<semaphore_mem>>
      tpu.wait_indirect_dma semaphore(%dma_wait3A_497 : memref<!tpu.dma_semaphore, #tpu.memory_space<semaphore_mem>>) src(%dma_wait3A_495 : memref<500000x128xf32, #tpu.memory_space<hbm>>) dst(%dma_wait3A_492 : memref<16x128xf32, #tpu.memory_space<vmem>>)
      %get3A_498 = arith.index_cast %scan3A_449 : i32 to index
      %get3A_499 = arith.constant 48 : index
      %get3A_500 = tpu.vector_load %arg7[%get3A_498, %get3A_499] {strides = array<i32>} : memref<50x128xi32, #tpu.memory_space<vmem>>, vector<1x16xi32>,
      %get3A_501 = vector.shape_cast %get3A_500 : vector<1x16xi32> to vector<16xi32>
      %dma_wait3A_502 = arith.constant 48 : i32
      %dma_wait3A_503 = arith.constant 0 : i32
      %dma_wait3A_504 = tpu.memref_slice %arg9[%select_n3A_458, %dma_wait3A_502, %dma_wait3A_503] : memref<3x128x128xf32, #tpu.memory_space<vmem>> -> memref<1x16x128xf32, #tpu.memory_space<vmem>>
      %dma_wait3A_505 = tpu.memref_squeeze %dma_wait3A_504 : memref<1x16x128xf32, #tpu.memory_space<vmem>> -> memref<16x128xf32, #tpu.memory_space<vmem>>
      %dma_wait3A_506 = arith.constant 0 : i32
      %dma_wait3A_507 = arith.constant 0 : i32
      %dma_wait3A_508 = tpu.memref_slice %arg3[%dma_wait3A_506, %dma_wait3A_507] : memref<500000x128xf32, #tpu.memory_space<hbm>> -> memref<500000x128xf32, #tpu.memory_space<hbm>>
      %dma_wait3A_509 = tpu.memref_slice %arg11[%select_n3A_458] : memref<3x!tpu.dma_semaphore, #tpu.memory_space<semaphore_mem>> -> memref<1x!tpu.dma_semaphore, #tpu.memory_space<semaphore_mem>>
      %dma_wait3A_510 = tpu.memref_squeeze %dma_wait3A_509 : memref<1x!tpu.dma_semaphore, #tpu.memory_space<semaphore_mem>> -> memref<!tpu.dma_semaphore, #tpu.memory_space<semaphore_mem>>
      tpu.wait_indirect_dma semaphore(%dma_wait3A_510 : memref<!tpu.dma_semaphore, #tpu.memory_space<semaphore_mem>>) src(%dma_wait3A_508 : memref<500000x128xf32, #tpu.memory_space<hbm>>) dst(%dma_wait3A_505 : memref<16x128xf32, #tpu.memory_space<vmem>>)
      %get3A_511 = arith.index_cast %scan3A_449 : i32 to index
      %get3A_512 = arith.constant 64 : index
      %get3A_513 = tpu.vector_load %arg7[%get3A_511, %get3A_512] {strides = array<i32>} : memref<50x128xi32, #tpu.memory_space<vmem>>, vector<1x16xi32>,
      %get3A_514 = vector.shape_cast %get3A_513 : vector<1x16xi32> to vector<16xi32>
      %dma_wait3A_515 = arith.constant 64 : i32
      %dma_wait3A_516 = arith.constant 0 : i32
      %dma_wait3A_517 = tpu.memref_slice %arg9[%select_n3A_458, %dma_wait3A_515, %dma_wait3A_516] : memref<3x128x128xf32, #tpu.memory_space<vmem>> -> memref<1x16x128xf32, #tpu.memory_space<vmem>>
      %dma_wait3A_518 = tpu.memref_squeeze %dma_wait3A_517 : memref<1x16x128xf32, #tpu.memory_space<vmem>> -> memref<16x128xf32, #tpu.memory_space<vmem>>
      %dma_wait3A_519 = arith.constant 0 : i32
      %dma_wait3A_520 = arith.constant 0 : i32
      %dma_wait3A_521 = tpu.memref_slice %arg3[%dma_wait3A_519, %dma_wait3A_520] : memref<500000x128xf32, #tpu.memory_space<hbm>> -> memref<500000x128xf32, #tpu.memory_space<hbm>>
      %dma_wait3A_522 = tpu.memref_slice %arg11[%select_n3A_458] : memref<3x!tpu.dma_semaphore, #tpu.memory_space<semaphore_mem>> -> memref<1x!tpu.dma_semaphore, #tpu.memory_space<semaphore_mem>>
      %dma_wait3A_523 = tpu.memref_squeeze %dma_wait3A_522 : memref<1x!tpu.dma_semaphore, #tpu.memory_space<semaphore_mem>> -> memref<!tpu.dma_semaphore, #tpu.memory_space<semaphore_mem>>
      tpu.wait_indirect_dma semaphore(%dma_wait3A_523 : memref<!tpu.dma_semaphore, #tpu.memory_space<semaphore_mem>>) src(%dma_wait3A_521 : memref<500000x128xf32, #tpu.memory_space<hbm>>) dst(%dma_wait3A_518 : memref<16x128xf32, #tpu.memory_space<vmem>>)
      %get3A_524 = arith.index_cast %scan3A_449 : i32 to index
      %get3A_525 = arith.constant 80 : index
      %get3A_526 = tpu.vector_load %arg7[%get3A_524, %get3A_525] {strides = array<i32>} : memref<50x128xi32, #tpu.memory_space<vmem>>, vector<1x16xi32>,
      %get3A_527 = vector.shape_cast %get3A_526 : vector<1x16xi32> to vector<16xi32>
      %dma_wait3A_528 = arith.constant 80 : i32
      %dma_wait3A_529 = arith.constant 0 : i32
      %dma_wait3A_530 = tpu.memref_slice %arg9[%select_n3A_458, %dma_wait3A_528, %dma_wait3A_529] : memref<3x128x128xf32, #tpu.memory_space<vmem>> -> memref<1x16x128xf32, #tpu.memory_space<vmem>>
      %dma_wait3A_531 = tpu.memref_squeeze %dma_wait3A_530 : memref<1x16x128xf32, #tpu.memory_space<vmem>> -> memref<16x128xf32, #tpu.memory_space<vmem>>
      %dma_wait3A_532 = arith.constant 0 : i32
      %dma_wait3A_533 = arith.constant 0 : i32
      %dma_wait3A_534 = tpu.memref_slice %arg3[%dma_wait3A_532, %dma_wait3A_533] : memref<500000x128xf32, #tpu.memory_space<hbm>> -> memref<500000x128xf32, #tpu.memory_space<hbm>>
      %dma_wait3A_535 = tpu.memref_slice %arg11[%select_n3A_458] : memref<3x!tpu.dma_semaphore, #tpu.memory_space<semaphore_mem>> -> memref<1x!tpu.dma_semaphore, #tpu.memory_space<semaphore_mem>>
      %dma_wait3A_536 = tpu.memref_squeeze %dma_wait3A_535 : memref<1x!tpu.dma_semaphore, #tpu.memory_space<semaphore_mem>> -> memref<!tpu.dma_semaphore, #tpu.memory_space<semaphore_mem>>
      tpu.wait_indirect_dma semaphore(%dma_wait3A_536 : memref<!tpu.dma_semaphore, #tpu.memory_space<semaphore_mem>>) src(%dma_wait3A_534 : memref<500000x128xf32, #tpu.memory_space<hbm>>) dst(%dma_wait3A_531 : memref<16x128xf32, #tpu.memory_space<vmem>>)
      %get3A_537 = arith.index_cast %scan3A_449 : i32 to index
      %get3A_538 = arith.constant 96 : index
      %get3A_539 = tpu.vector_load %arg7[%get3A_537, %get3A_538] {strides = array<i32>} : memref<50x128xi32, #tpu.memory_space<vmem>>, vector<1x16xi32>,
      %get3A_540 = vector.shape_cast %get3A_539 : vector<1x16xi32> to vector<16xi32>
      %dma_wait3A_541 = arith.constant 96 : i32
      %dma_wait3A_542 = arith.constant 0 : i32
      %dma_wait3A_543 = tpu.memref_slice %arg9[%select_n3A_458, %dma_wait3A_541, %dma_wait3A_542] : memref<3x128x128xf32, #tpu.memory_space<vmem>> -> memref<1x16x128xf32, #tpu.memory_space<vmem>>
      %dma_wait3A_544 = tpu.memref_squeeze %dma_wait3A_543 : memref<1x16x128xf32, #tpu.memory_space<vmem>> -> memref<16x128xf32, #tpu.memory_space<vmem>>
      %dma_wait3A_545 = arith.constant 0 : i32
      %dma_wait3A_546 = arith.constant 0 : i32
      %dma_wait3A_547 = tpu.memref_slice %arg3[%dma_wait3A_545, %dma_wait3A_546] : memref<500000x128xf32, #tpu.memory_space<hbm>> -> memref<500000x128xf32, #tpu.memory_space<hbm>>
      %dma_wait3A_548 = tpu.memref_slice %arg11[%select_n3A_458] : memref<3x!tpu.dma_semaphore, #tpu.memory_space<semaphore_mem>> -> memref<1x!tpu.dma_semaphore, #tpu.memory_space<semaphore_mem>>
      %dma_wait3A_549 = tpu.memref_squeeze %dma_wait3A_548 : memref<1x!tpu.dma_semaphore, #tpu.memory_space<semaphore_mem>> -> memref<!tpu.dma_semaphore, #tpu.memory_space<semaphore_mem>>
      tpu.wait_indirect_dma semaphore(%dma_wait3A_549 : memref<!tpu.dma_semaphore, #tpu.memory_space<semaphore_mem>>) src(%dma_wait3A_547 : memref<500000x128xf32, #tpu.memory_space<hbm>>) dst(%dma_wait3A_544 : memref<16x128xf32, #tpu.memory_space<vmem>>)
      %get3A_550 = arith.index_cast %scan3A_449 : i32 to index
      %get3A_551 = arith.constant 112 : index
      %get3A_552 = tpu.vector_load %arg7[%get3A_550, %get3A_551] {strides = array<i32>} : memref<50x128xi32, #tpu.memory_space<vmem>>, vector<1x16xi32>,
      %get3A_553 = vector.shape_cast %get3A_552 : vector<1x16xi32> to vector<16xi32>
      %dma_wait3A_554 = arith.constant 112 : i32
      %dma_wait3A_555 = arith.constant 0 : i32
      %dma_wait3A_556 = tpu.memref_slice %arg9[%select_n3A_458, %dma_wait3A_554, %dma_wait3A_555] : memref<3x128x128xf32, #tpu.memory_space<vmem>> -> memref<1x16x128xf32, #tpu.memory_space<vmem>>
      %dma_wait3A_557 = tpu.memref_squeeze %dma_wait3A_556 : memref<1x16x128xf32, #tpu.memory_space<vmem>> -> memref<16x128xf32, #tpu.memory_space<vmem>>
      %dma_wait3A_558 = arith.constant 0 : i32
      %dma_wait3A_559 = arith.constant 0 : i32
      %dma_wait3A_560 = tpu.memref_slice %arg3[%dma_wait3A_558, %dma_wait3A_559] : memref<500000x128xf32, #tpu.memory_space<hbm>> -> memref<500000x128xf32, #tpu.memory_space<hbm>>
      %dma_wait3A_561 = tpu.memref_slice %arg11[%select_n3A_458] : memref<3x!tpu.dma_semaphore, #tpu.memory_space<semaphore_mem>> -> memref<1x!tpu.dma_semaphore, #tpu.memory_space<semaphore_mem>>
      %dma_wait3A_562 = tpu.memref_squeeze %dma_wait3A_561 : memref<1x!tpu.dma_semaphore, #tpu.memory_space<semaphore_mem>> -> memref<!tpu.dma_semaphore, #tpu.memory_space<semaphore_mem>>
      tpu.wait_indirect_dma semaphore(%dma_wait3A_562 : memref<!tpu.dma_semaphore, #tpu.memory_space<semaphore_mem>>) src(%dma_wait3A_560 : memref<500000x128xf32, #tpu.memory_space<hbm>>) dst(%dma_wait3A_557 : memref<16x128xf32, #tpu.memory_space<vmem>>)
      %ge3A = arith.constant 3 : i32
      %ge3A_563 = arith.cmpi sge, %scan3A_449, %ge3A : i32
      %convert_element_type3A = arith.extui %ge3A_563 : i1 to i32
      %cond3A = arith.constant 0 : i32
      %cond3A_564 = arith.cmpi ne, %convert_element_type3A, %cond3A : i32
      scf.if %cond3A_564 {
        %sub3A = arith.constant 3 : i32
        %sub3A_599 = arith.subi %scan3A_449, %sub3A : i32
        %mul3A_600 = arith.constant 64 : i32
        %mul3A_601 = arith.muli %sub3A_599, %mul3A_600 : i32
        %add3A_602 = arith.addi %mul3A_2, %mul3A_601 : i32
        %dma_wait3A_603 = arith.constant 0 : i32
        %dma_wait3A_604 = arith.constant 0 : i32
        %dma_wait3A_605 = tpu.memref_slice %arg10[%select_n3A_458, %dma_wait3A_603, %dma_wait3A_604] : memref<3x64x128xf32, #tpu.memory_space<vmem>> -> memref<1x64x128xf32, #tpu.memory_space<vmem>>
        %dma_wait3A_606 = tpu.memref_squeeze %dma_wait3A_605 : memref<1x64x128xf32, #tpu.memory_space<vmem>> -> memref<64x128xf32, #tpu.memory_space<vmem>>
        %dma_wait3A_607 = arith.constant 0 : i32
        %dma_wait3A_608 = tpu.memref_slice %arg5[%add3A_602, %dma_wait3A_607] : memref<102400x128xf32, #tpu.memory_space<hbm>> -> memref<64x128xf32, #tpu.memory_space<hbm>>
        %dma_wait3A_609 = tpu.memref_slice %arg12[%select_n3A_458] : memref<3x!tpu.dma_semaphore, #tpu.memory_space<semaphore_mem>> -> memref<1x!tpu.dma_semaphore, #tpu.memory_space<semaphore_mem>>
        %dma_wait3A_610 = tpu.memref_squeeze %dma_wait3A_609 : memref<1x!tpu.dma_semaphore, #tpu.memory_space<semaphore_mem>> -> memref<!tpu.dma_semaphore, #tpu.memory_space<semaphore_mem>>
        %dma_wait3A_611 = arith.constant 0 : i32
        %dma_wait3A_612 = tpu.memref_slice %arg5[%add3A_602, %dma_wait3A_611] : memref<102400x128xf32, #tpu.memory_space<hbm>> -> memref<64x128xf32, #tpu.memory_space<hbm>>
        %dma_wait3A_613 = arith.constant 0 : i32
        %dma_wait3A_614 = arith.constant 0 : i32
        %dma_wait3A_615 = tpu.memref_slice %arg10[%select_n3A_458, %dma_wait3A_613, %dma_wait3A_614] : memref<3x64x128xf32, #tpu.memory_space<vmem>> -> memref<1x64x128xf32, #tpu.memory_space<vmem>>
        %dma_wait3A_616 = tpu.memref_squeeze %dma_wait3A_615 : memref<1x64x128xf32, #tpu.memory_space<vmem>> -> memref<64x128xf32, #tpu.memory_space<vmem>>
        tpu.wait_dma2 semaphore(%dma_wait3A_610 : memref<!tpu.dma_semaphore, #tpu.memory_space<semaphore_mem>>) src(%dma_wait3A_616 : memref<64x128xf32, #tpu.memory_space<vmem>>) dst(%dma_wait3A_612 : memref<64x128xf32, #tpu.memory_space<hbm>>)
      } else {
      }
      %mul3A_565 = arith.constant 128 : i32
      %mul3A_566 = arith.muli %scan3A_449, %mul3A_565 : i32
      %rem3A_567 = arith.constant 200 : i32
      %rem3A_568 = arith.remsi %mul3A_566, %rem3A_567 : i32
      %scan3A_569 = arith.constant 0 : i32
      %scan3A_570 = arith.constant 0 : i32
      %scan3A_571 = arith.constant 8 : i32
      %scan3A_572 = arith.addi %scan3A_570, %scan3A_571 : i32
      %scan3A_573 = arith.constant 1 : i32
      scf.for %scan3A_599 = %scan3A_570 to %scan3A_572 step %scan3A_573  : i32 {
        %mul3A_600 = arith.constant 16 : i32
        %mul3A_601 = arith.muli %scan3A_599, %mul3A_600 : i32
        %get3A_602 = arith.index_cast %scan3A_449 : i32 to index
        %get3A_603 = arith.index_cast %mul3A_601 : i32 to index
        %get3A_604 = tpu.vector_load %arg6[%get3A_602, %get3A_603] {strides = array<i32>} : memref<50x128xi32, #tpu.memory_space<vmem>>, vector<1x16xi32>,
        %get3A_605 = vector.shape_cast %get3A_604 : vector<1x16xi32> to vector<16xi32>
        %and3A_606 = arith.constant 1 : i32
        %and3A_607 = vector.broadcast %and3A_606 : i32 to vector<16xi32>
        %and3A_608 = arith.andi %get3A_605, %and3A_607 : vector<16xi32>
        %mul3A_609 = arith.constant 64 : i32
        %mul3A_610 = vector.broadcast %mul3A_609 : i32 to vector<16xi32>
        %mul3A_611 = arith.muli %and3A_608, %mul3A_610 : vector<16xi32>
        %add3A_612 = arith.constant 0 : i32
        %add3A_613 = arith.addi %mul3A_601, %add3A_612 : i32
        %slice3A = vector.extract_strided_slice %mul3A_611 {offsets = [0], sizes = [1], strides = [1]} : vector<16xi32> to vector<1xi32>
        %squeeze3A = vector.extract %slice3A[0] : i32 from vector<1xi32>
        %shift_right_arithmetic3A = arith.constant 1 : i32
        %shift_right_arithmetic3A_614 = arith.shrsi %mul3A_601, %shift_right_arithmetic3A : i32
        %add3A_615 = arith.constant 0 : i32
        %add3A_616 = arith.addi %shift_right_arithmetic3A_614, %add3A_615 : i32
        %add3A_617 = arith.addi %rem3A_568, %add3A_613 : i32
        %ge3A_618 = arith.constant 200 : i32
        %ge3A_619 = arith.cmpi sge, %add3A_617, %ge3A_618 : i32
        %sub3A = arith.constant 200 : i32
        %sub3A_620 = arith.subi %add3A_617, %sub3A : i32
        %select_n3A_621 = arith.select %ge3A_619, %sub3A_620, %add3A_617 : i32
        %add3A_622 = arith.constant 0 : i32
        %add3A_623 = arith.addi %squeeze3A, %add3A_622 : i32
        %get3A_624 = arith.index_cast %select_n3A_458 : i32 to index
        %get3A_625 = arith.index_cast %add3A_613 : i32 to index
        %get3A_626 = arith.index_cast %add3A_623 : i32 to index
        %get3A_627 = tpu.vector_load %arg9[%get3A_624, %get3A_625, %get3A_626] {strides = array<i32>} : memref<3x128x128xf32, #tpu.memory_space<vmem>>, vector<1x1x16xf32>,
        %get3A_628 = vector.shape_cast %get3A_627 : vector<1x1x16xf32> to vector<16xf32>
        %get3A_629 = arith.index_cast %select_n3A_621 : i32 to index
        %get3A_630 = arith.constant 0 : index
        %get3A_631 = tpu.vector_load %arg8[%get3A_629, %get3A_630] {strides = array<i32>} : memref<200x64xf32, #tpu.memory_space<vmem>>, vector<1x16xf32>,
        %get3A_632 = vector.shape_cast %get3A_631 : vector<1x16xf32> to vector<16xf32>
        %add3A_633 = arith.addf %get3A_628, %get3A_632 : vector<16xf32>
        %swap3A = arith.index_cast %select_n3A_458 : i32 to index
        %swap3A_634 = arith.index_cast %add3A_616 : i32 to index
        %swap3A_635 = arith.constant 0 : index
        %swap3A_636 = tpu.vector_load %arg10[%swap3A, %swap3A_634, %swap3A_635] {strides = array<i32>} : memref<3x64x128xf32, #tpu.memory_space<vmem>>, vector<1x1x16xf32>,
        %swap3A_637 = vector.shape_cast %swap3A_636 : vector<1x1x16xf32> to vector<16xf32>
        %swap3A_638 = vector.shape_cast %add3A_633 : vector<16xf32> to vector<1x1x16xf32>
        tpu.vector_store %arg10[%swap3A, %swap3A_634, %swap3A_635], %swap3A_638 {strides = array<i32>} : memref<3x64x128xf32, #tpu.memory_space<vmem>>, vector<1x1x16xf32>,
        %add3A_639 = arith.constant 16 : i32
        %add3A_640 = arith.addi %squeeze3A, %add3A_639 : i32
        %get3A_641 = arith.index_cast %select_n3A_458 : i32 to index
        %get3A_642 = arith.index_cast %add3A_613 : i32 to index
        %get3A_643 = arith.index_cast %add3A_640 : i32 to index
        %get3A_644 = tpu.vector_load %arg9[%get3A_641, %get3A_642, %get3A_643] {strides = array<i32>} : memref<3x128x128xf32, #tpu.memory_space<vmem>>, vector<1x1x16xf32>,
        %get3A_645 = vector.shape_cast %get3A_644 : vector<1x1x16xf32> to vector<16xf32>
        %get3A_646 = arith.index_cast %select_n3A_621 : i32 to index
        %get3A_647 = arith.constant 16 : index
        %get3A_648 = tpu.vector_load %arg8[%get3A_646, %get3A_647] {strides = array<i32>} : memref<200x64xf32, #tpu.memory_space<vmem>>, vector<1x16xf32>,
        %get3A_649 = vector.shape_cast %get3A_648 : vector<1x16xf32> to vector<16xf32>
        %add3A_650 = arith.addf %get3A_645, %get3A_649 : vector<16xf32>
        %swap3A_651 = arith.index_cast %select_n3A_458 : i32 to index
        %swap3A_652 = arith.index_cast %add3A_616 : i32 to index
        %swap3A_653 = arith.constant 16 : index
        %swap3A_654 = tpu.vector_load %arg10[%swap3A_651, %swap3A_652, %swap3A_653] {strides = array<i32>} : memref<3x64x128xf32, #tpu.memory_space<vmem>>, vector<1x1x16xf32>,
        %swap3A_655 = vector.shape_cast %swap3A_654 : vector<1x1x16xf32> to vector<16xf32>
        %swap3A_656 = vector.shape_cast %add3A_650 : vector<16xf32> to vector<1x1x16xf32>
        tpu.vector_store %arg10[%swap3A_651, %swap3A_652, %swap3A_653], %swap3A_656 {strides = array<i32>} : memref<3x64x128xf32, #tpu.memory_space<vmem>>, vector<1x1x16xf32>,
        %add3A_657 = arith.constant 32 : i32
        %add3A_658 = arith.addi %squeeze3A, %add3A_657 : i32
        %get3A_659 = arith.index_cast %select_n3A_458 : i32 to index
        %get3A_660 = arith.index_cast %add3A_613 : i32 to index
        %get3A_661 = arith.index_cast %add3A_658 : i32 to index
        %get3A_662 = tpu.vector_load %arg9[%get3A_659, %get3A_660, %get3A_661] {strides = array<i32>} : memref<3x128x128xf32, #tpu.memory_space<vmem>>, vector<1x1x16xf32>,
        %get3A_663 = vector.shape_cast %get3A_662 : vector<1x1x16xf32> to vector<16xf32>
        %get3A_664 = arith.index_cast %select_n3A_621 : i32 to index
        %get3A_665 = arith.constant 32 : index
        %get3A_666 = tpu.vector_load %arg8[%get3A_664, %get3A_665] {strides = array<i32>} : memref<200x64xf32, #tpu.memory_space<vmem>>, vector<1x16xf32>,
        %get3A_667 = vector.shape_cast %get3A_666 : vector<1x16xf32> to vector<16xf32>
        %add3A_668 = arith.addf %get3A_663, %get3A_667 : vector<16xf32>
        %swap3A_669 = arith.index_cast %select_n3A_458 : i32 to index
        %swap3A_670 = arith.index_cast %add3A_616 : i32 to index
        %swap3A_671 = arith.constant 32 : index
        %swap3A_672 = tpu.vector_load %arg10[%swap3A_669, %swap3A_670, %swap3A_671] {strides = array<i32>} : memref<3x64x128xf32, #tpu.memory_space<vmem>>, vector<1x1x16xf32>,
        %swap3A_673 = vector.shape_cast %swap3A_672 : vector<1x1x16xf32> to vector<16xf32>
        %swap3A_674 = vector.shape_cast %add3A_668 : vector<16xf32> to vector<1x1x16xf32>
        tpu.vector_store %arg10[%swap3A_669, %swap3A_670, %swap3A_671], %swap3A_674 {strides = array<i32>} : memref<3x64x128xf32, #tpu.memory_space<vmem>>, vector<1x1x16xf32>,
        %add3A_675 = arith.constant 48 : i32
        %add3A_676 = arith.addi %squeeze3A, %add3A_675 : i32
        %get3A_677 = arith.index_cast %select_n3A_458 : i32 to index
        %get3A_678 = arith.index_cast %add3A_613 : i32 to index
        %get3A_679 = arith.index_cast %add3A_676 : i32 to index
        %get3A_680 = tpu.vector_load %arg9[%get3A_677, %get3A_678, %get3A_679] {strides = array<i32>} : memref<3x128x128xf32, #tpu.memory_space<vmem>>, vector<1x1x16xf32>,
        %get3A_681 = vector.shape_cast %get3A_680 : vector<1x1x16xf32> to vector<16xf32>
        %get3A_682 = arith.index_cast %select_n3A_621 : i32 to index
        %get3A_683 = arith.constant 48 : index
        %get3A_684 = tpu.vector_load %arg8[%get3A_682, %get3A_683] {strides = array<i32>} : memref<200x64xf32, #tpu.memory_space<vmem>>, vector<1x16xf32>,
        %get3A_685 = vector.shape_cast %get3A_684 : vector<1x16xf32> to vector<16xf32>
        %add3A_686 = arith.addf %get3A_681, %get3A_685 : vector<16xf32>
        %swap3A_687 = arith.index_cast %select_n3A_458 : i32 to index
        %swap3A_688 = arith.index_cast %add3A_616 : i32 to index
        %swap3A_689 = arith.constant 48 : index
        %swap3A_690 = tpu.vector_load %arg10[%swap3A_687, %swap3A_688, %swap3A_689] {strides = array<i32>} : memref<3x64x128xf32, #tpu.memory_space<vmem>>, vector<1x1x16xf32>,
        %swap3A_691 = vector.shape_cast %swap3A_690 : vector<1x1x16xf32> to vector<16xf32>
        %swap3A_692 = vector.shape_cast %add3A_686 : vector<16xf32> to vector<1x1x16xf32>
        tpu.vector_store %arg10[%swap3A_687, %swap3A_688, %swap3A_689], %swap3A_692 {strides = array<i32>} : memref<3x64x128xf32, #tpu.memory_space<vmem>>, vector<1x1x16xf32>,
        %add3A_693 = arith.constant 1 : i32
        %add3A_694 = arith.addi %mul3A_601, %add3A_693 : i32
        %slice3A_695 = vector.extract_strided_slice %mul3A_611 {offsets = [1], sizes = [1], strides = [1]} : vector<16xi32> to vector<1xi32>
        %squeeze3A_696 = vector.extract %slice3A_695[0] : i32 from vector<1xi32>
        %shift_right_arithmetic3A_697 = arith.constant 1 : i32
        %shift_right_arithmetic3A_698 = arith.shrsi %mul3A_601, %shift_right_arithmetic3A_697 : i32
        %add3A_699 = arith.constant 0 : i32
        %add3A_700 = arith.addi %shift_right_arithmetic3A_698, %add3A_699 : i32
        %add3A_701 = arith.addi %rem3A_568, %add3A_694 : i32
        %ge3A_702 = arith.constant 200 : i32
        %ge3A_703 = arith.cmpi sge, %add3A_701, %ge3A_702 : i32
        %sub3A_704 = arith.constant 200 : i32
        %sub3A_705 = arith.subi %add3A_701, %sub3A_704 : i32
        %select_n3A_706 = arith.select %ge3A_703, %sub3A_705, %add3A_701 : i32
        %add3A_707 = arith.constant 0 : i32
        %add3A_708 = arith.addi %squeeze3A_696, %add3A_707 : i32
        %get3A_709 = arith.index_cast %select_n3A_458 : i32 to index
        %get3A_710 = arith.index_cast %add3A_694 : i32 to index
        %get3A_711 = arith.index_cast %add3A_708 : i32 to index
        %get3A_712 = tpu.vector_load %arg9[%get3A_709, %get3A_710, %get3A_711] {strides = array<i32>} : memref<3x128x128xf32, #tpu.memory_space<vmem>>, vector<1x1x16xf32>,
        %get3A_713 = vector.shape_cast %get3A_712 : vector<1x1x16xf32> to vector<16xf32>
        %get3A_714 = arith.index_cast %select_n3A_706 : i32 to index
        %get3A_715 = arith.constant 0 : index
        %get3A_716 = tpu.vector_load %arg8[%get3A_714, %get3A_715] {strides = array<i32>} : memref<200x64xf32, #tpu.memory_space<vmem>>, vector<1x16xf32>,
        %get3A_717 = vector.shape_cast %get3A_716 : vector<1x16xf32> to vector<16xf32>
        %add3A_718 = arith.addf %get3A_713, %get3A_717 : vector<16xf32>
        %swap3A_719 = arith.index_cast %select_n3A_458 : i32 to index
        %swap3A_720 = arith.index_cast %add3A_700 : i32 to index
        %swap3A_721 = arith.constant 64 : index
        %swap3A_722 = tpu.vector_load %arg10[%swap3A_719, %swap3A_720, %swap3A_721] {strides = array<i32>} : memref<3x64x128xf32, #tpu.memory_space<vmem>>, vector<1x1x16xf32>,
        %swap3A_723 = vector.shape_cast %swap3A_722 : vector<1x1x16xf32> to vector<16xf32>
        %swap3A_724 = vector.shape_cast %add3A_718 : vector<16xf32> to vector<1x1x16xf32>
        tpu.vector_store %arg10[%swap3A_719, %swap3A_720, %swap3A_721], %swap3A_724 {strides = array<i32>} : memref<3x64x128xf32, #tpu.memory_space<vmem>>, vector<1x1x16xf32>,
        %add3A_725 = arith.constant 16 : i32
        %add3A_726 = arith.addi %squeeze3A_696, %add3A_725 : i32
        %get3A_727 = arith.index_cast %select_n3A_458 : i32 to index
        %get3A_728 = arith.index_cast %add3A_694 : i32 to index
        %get3A_729 = arith.index_cast %add3A_726 : i32 to index
        %get3A_730 = tpu.vector_load %arg9[%get3A_727, %get3A_728, %get3A_729] {strides = array<i32>} : memref<3x128x128xf32, #tpu.memory_space<vmem>>, vector<1x1x16xf32>,
        %get3A_731 = vector.shape_cast %get3A_730 : vector<1x1x16xf32> to vector<16xf32>
        %get3A_732 = arith.index_cast %select_n3A_706 : i32 to index
        %get3A_733 = arith.constant 16 : index
        %get3A_734 = tpu.vector_load %arg8[%get3A_732, %get3A_733] {strides = array<i32>} : memref<200x64xf32, #tpu.memory_space<vmem>>, vector<1x16xf32>,
        %get3A_735 = vector.shape_cast %get3A_734 : vector<1x16xf32> to vector<16xf32>
        %add3A_736 = arith.addf %get3A_731, %get3A_735 : vector<16xf32>
        %swap3A_737 = arith.index_cast %select_n3A_458 : i32 to index
        %swap3A_738 = arith.index_cast %add3A_700 : i32 to index
        %swap3A_739 = arith.constant 80 : index
        %swap3A_740 = tpu.vector_load %arg10[%swap3A_737, %swap3A_738, %swap3A_739] {strides = array<i32>} : memref<3x64x128xf32, #tpu.memory_space<vmem>>, vector<1x1x16xf32>,
        %swap3A_741 = vector.shape_cast %swap3A_740 : vector<1x1x16xf32> to vector<16xf32>
        %swap3A_742 = vector.shape_cast %add3A_736 : vector<16xf32> to vector<1x1x16xf32>
        tpu.vector_store %arg10[%swap3A_737, %swap3A_738, %swap3A_739], %swap3A_742 {strides = array<i32>} : memref<3x64x128xf32, #tpu.memory_space<vmem>>, vector<1x1x16xf32>,
        %add3A_743 = arith.constant 32 : i32
        %add3A_744 = arith.addi %squeeze3A_696, %add3A_743 : i32
        %get3A_745 = arith.index_cast %select_n3A_458 : i32 to index
        %get3A_746 = arith.index_cast %add3A_694 : i32 to index
        %get3A_747 = arith.index_cast %add3A_744 : i32 to index
        %get3A_748 = tpu.vector_load %arg9[%get3A_745, %get3A_746, %get3A_747] {strides = array<i32>} : memref<3x128x128xf32, #tpu.memory_space<vmem>>, vector<1x1x16xf32>,
        %get3A_749 = vector.shape_cast %get3A_748 : vector<1x1x16xf32> to vector<16xf32>
        %get3A_750 = arith.index_cast %select_n3A_706 : i32 to index
        %get3A_751 = arith.constant 32 : index
        %get3A_752 = tpu.vector_load %arg8[%get3A_750, %get3A_751] {strides = array<i32>} : memref<200x64xf32, #tpu.memory_space<vmem>>, vector<1x16xf32>,
        %get3A_753 = vector.shape_cast %get3A_752 : vector<1x16xf32> to vector<16xf32>
        %add3A_754 = arith.addf %get3A_749, %get3A_753 : vector<16xf32>
        %swap3A_755 = arith.index_cast %select_n3A_458 : i32 to index
        %swap3A_756 = arith.index_cast %add3A_700 : i32 to index
        %swap3A_757 = arith.constant 96 : index
        %swap3A_758 = tpu.vector_load %arg10[%swap3A_755, %swap3A_756, %swap3A_757] {strides = array<i32>} : memref<3x64x128xf32, #tpu.memory_space<vmem>>, vector<1x1x16xf32>,
        %swap3A_759 = vector.shape_cast %swap3A_758 : vector<1x1x16xf32> to vector<16xf32>
        %swap3A_760 = vector.shape_cast %add3A_754 : vector<16xf32> to vector<1x1x16xf32>
        tpu.vector_store %arg10[%swap3A_755, %swap3A_756, %swap3A_757], %swap3A_760 {strides = array<i32>} : memref<3x64x128xf32, #tpu.memory_space<vmem>>, vector<1x1x16xf32>,
        %add3A_761 = arith.constant 48 : i32
        %add3A_762 = arith.addi %squeeze3A_696, %add3A_761 : i32
        %get3A_763 = arith.index_cast %select_n3A_458 : i32 to index
        %get3A_764 = arith.index_cast %add3A_694 : i32 to index
        %get3A_765 = arith.index_cast %add3A_762 : i32 to index
        %get3A_766 = tpu.vector_load %arg9[%get3A_763, %get3A_764, %get3A_765] {strides = array<i32>} : memref<3x128x128xf32, #tpu.memory_space<vmem>>, vector<1x1x16xf32>,
        %get3A_767 = vector.shape_cast %get3A_766 : vector<1x1x16xf32> to vector<16xf32>
        %get3A_768 = arith.index_cast %select_n3A_706 : i32 to index
        %get3A_769 = arith.constant 48 : index
        %get3A_770 = tpu.vector_load %arg8[%get3A_768, %get3A_769] {strides = array<i32>} : memref<200x64xf32, #tpu.memory_space<vmem>>, vector<1x16xf32>,
        %get3A_771 = vector.shape_cast %get3A_770 : vector<1x16xf32> to vector<16xf32>
        %add3A_772 = arith.addf %get3A_767, %get3A_771 : vector<16xf32>
        %swap3A_773 = arith.index_cast %select_n3A_458 : i32 to index
        %swap3A_774 = arith.index_cast %add3A_700 : i32 to index
        %swap3A_775 = arith.constant 112 : index
        %swap3A_776 = tpu.vector_load %arg10[%swap3A_773, %swap3A_774, %swap3A_775] {strides = array<i32>} : memref<3x64x128xf32, #tpu.memory_space<vmem>>, vector<1x1x16xf32>,
        %swap3A_777 = vector.shape_cast %swap3A_776 : vector<1x1x16xf32> to vector<16xf32>
        %swap3A_778 = vector.shape_cast %add3A_772 : vector<16xf32> to vector<1x1x16xf32>
        tpu.vector_store %arg10[%swap3A_773, %swap3A_774, %swap3A_775], %swap3A_778 {strides = array<i32>} : memref<3x64x128xf32, #tpu.memory_space<vmem>>, vector<1x1x16xf32>,
        %add3A_779 = arith.constant 2 : i32
        %add3A_780 = arith.addi %mul3A_601, %add3A_779 : i32
        %slice3A_781 = vector.extract_strided_slice %mul3A_611 {offsets = [2], sizes = [1], strides = [1]} : vector<16xi32> to vector<1xi32>
        %squeeze3A_782 = vector.extract %slice3A_781[0] : i32 from vector<1xi32>
        %shift_right_arithmetic3A_783 = arith.constant 1 : i32
        %shift_right_arithmetic3A_784 = arith.shrsi %mul3A_601, %shift_right_arithmetic3A_783 : i32
        %add3A_785 = arith.constant 1 : i32
        %add3A_786 = arith.addi %shift_right_arithmetic3A_784, %add3A_785 : i32
        %add3A_787 = arith.addi %rem3A_568, %add3A_780 : i32
        %ge3A_788 = arith.constant 200 : i32
        %ge3A_789 = arith.cmpi sge, %add3A_787, %ge3A_788 : i32
        %sub3A_790 = arith.constant 200 : i32
        %sub3A_791 = arith.subi %add3A_787, %sub3A_790 : i32
        %select_n3A_792 = arith.select %ge3A_789, %sub3A_791, %add3A_787 : i32
        %add3A_793 = arith.constant 0 : i32
        %add3A_794 = arith.addi %squeeze3A_782, %add3A_793 : i32
        %get3A_795 = arith.index_cast %select_n3A_458 : i32 to index
        %get3A_796 = arith.index_cast %add3A_780 : i32 to index
        %get3A_797 = arith.index_cast %add3A_794 : i32 to index
        %get3A_798 = tpu.vector_load %arg9[%get3A_795, %get3A_796, %get3A_797] {strides = array<i32>} : memref<3x128x128xf32, #tpu.memory_space<vmem>>, vector<1x1x16xf32>,
        %get3A_799 = vector.shape_cast %get3A_798 : vector<1x1x16xf32> to vector<16xf32>
        %get3A_800 = arith.index_cast %select_n3A_792 : i32 to index
        %get3A_801 = arith.constant 0 : index
        %get3A_802 = tpu.vector_load %arg8[%get3A_800, %get3A_801] {strides = array<i32>} : memref<200x64xf32, #tpu.memory_space<vmem>>, vector<1x16xf32>,
        %get3A_803 = vector.shape_cast %get3A_802 : vector<1x16xf32> to vector<16xf32>
        %add3A_804 = arith.addf %get3A_799, %get3A_803 : vector<16xf32>
        %swap3A_805 = arith.index_cast %select_n3A_458 : i32 to index
        %swap3A_806 = arith.index_cast %add3A_786 : i32 to index
        %swap3A_807 = arith.constant 0 : index
        %swap3A_808 = tpu.vector_load %arg10[%swap3A_805, %swap3A_806, %swap3A_807] {strides = array<i32>} : memref<3x64x128xf32, #tpu.memory_space<vmem>>, vector<1x1x16xf32>,
        %swap3A_809 = vector.shape_cast %swap3A_808 : vector<1x1x16xf32> to vector<16xf32>
        %swap3A_810 = vector.shape_cast %add3A_804 : vector<16xf32> to vector<1x1x16xf32>
        tpu.vector_store %arg10[%swap3A_805, %swap3A_806, %swap3A_807], %swap3A_810 {strides = array<i32>} : memref<3x64x128xf32, #tpu.memory_space<vmem>>, vector<1x1x16xf32>,
        %add3A_811 = arith.constant 16 : i32
        %add3A_812 = arith.addi %squeeze3A_782, %add3A_811 : i32
        %get3A_813 = arith.index_cast %select_n3A_458 : i32 to index
        %get3A_814 = arith.index_cast %add3A_780 : i32 to index
        %get3A_815 = arith.index_cast %add3A_812 : i32 to index
        %get3A_816 = tpu.vector_load %arg9[%get3A_813, %get3A_814, %get3A_815] {strides = array<i32>} : memref<3x128x128xf32, #tpu.memory_space<vmem>>, vector<1x1x16xf32>,
        %get3A_817 = vector.shape_cast %get3A_816 : vector<1x1x16xf32> to vector<16xf32>
        %get3A_818 = arith.index_cast %select_n3A_792 : i32 to index
        %get3A_819 = arith.constant 16 : index
        %get3A_820 = tpu.vector_load %arg8[%get3A_818, %get3A_819] {strides = array<i32>} : memref<200x64xf32, #tpu.memory_space<vmem>>, vector<1x16xf32>,
        %get3A_821 = vector.shape_cast %get3A_820 : vector<1x16xf32> to vector<16xf32>
        %add3A_822 = arith.addf %get3A_817, %get3A_821 : vector<16xf32>
        %swap3A_823 = arith.index_cast %select_n3A_458 : i32 to index
        %swap3A_824 = arith.index_cast %add3A_786 : i32 to index
        %swap3A_825 = arith.constant 16 : index
        %swap3A_826 = tpu.vector_load %arg10[%swap3A_823, %swap3A_824, %swap3A_825] {strides = array<i32>} : memref<3x64x128xf32, #tpu.memory_space<vmem>>, vector<1x1x16xf32>,
        %swap3A_827 = vector.shape_cast %swap3A_826 : vector<1x1x16xf32> to vector<16xf32>
        %swap3A_828 = vector.shape_cast %add3A_822 : vector<16xf32> to vector<1x1x16xf32>
        tpu.vector_store %arg10[%swap3A_823, %swap3A_824, %swap3A_825], %swap3A_828 {strides = array<i32>} : memref<3x64x128xf32, #tpu.memory_space<vmem>>, vector<1x1x16xf32>,
        %add3A_829 = arith.constant 32 : i32
        %add3A_830 = arith.addi %squeeze3A_782, %add3A_829 : i32
        %get3A_831 = arith.index_cast %select_n3A_458 : i32 to index
        %get3A_832 = arith.index_cast %add3A_780 : i32 to index
        %get3A_833 = arith.index_cast %add3A_830 : i32 to index
        %get3A_834 = tpu.vector_load %arg9[%get3A_831, %get3A_832, %get3A_833] {strides = array<i32>} : memref<3x128x128xf32, #tpu.memory_space<vmem>>, vector<1x1x16xf32>,
        %get3A_835 = vector.shape_cast %get3A_834 : vector<1x1x16xf32> to vector<16xf32>
        %get3A_836 = arith.index_cast %select_n3A_792 : i32 to index
        %get3A_837 = arith.constant 32 : index
        %get3A_838 = tpu.vector_load %arg8[%get3A_836, %get3A_837] {strides = array<i32>} : memref<200x64xf32, #tpu.memory_space<vmem>>, vector<1x16xf32>,
        %get3A_839 = vector.shape_cast %get3A_838 : vector<1x16xf32> to vector<16xf32>
        %add3A_840 = arith.addf %get3A_835, %get3A_839 : vector<16xf32>
        %swap3A_841 = arith.index_cast %select_n3A_458 : i32 to index
        %swap3A_842 = arith.index_cast %add3A_786 : i32 to index
        %swap3A_843 = arith.constant 32 : index
        %swap3A_844 = tpu.vector_load %arg10[%swap3A_841, %swap3A_842, %swap3A_843] {strides = array<i32>} : memref<3x64x128xf32, #tpu.memory_space<vmem>>, vector<1x1x16xf32>,
        %swap3A_845 = vector.shape_cast %swap3A_844 : vector<1x1x16xf32> to vector<16xf32>
        %swap3A_846 = vector.shape_cast %add3A_840 : vector<16xf32> to vector<1x1x16xf32>
        tpu.vector_store %arg10[%swap3A_841, %swap3A_842, %swap3A_843], %swap3A_846 {strides = array<i32>} : memref<3x64x128xf32, #tpu.memory_space<vmem>>, vector<1x1x16xf32>,
        %add3A_847 = arith.constant 48 : i32
        %add3A_848 = arith.addi %squeeze3A_782, %add3A_847 : i32
        %get3A_849 = arith.index_cast %select_n3A_458 : i32 to index
        %get3A_850 = arith.index_cast %add3A_780 : i32 to index
        %get3A_851 = arith.index_cast %add3A_848 : i32 to index
        %get3A_852 = tpu.vector_load %arg9[%get3A_849, %get3A_850, %get3A_851] {strides = array<i32>} : memref<3x128x128xf32, #tpu.memory_space<vmem>>, vector<1x1x16xf32>,
        %get3A_853 = vector.shape_cast %get3A_852 : vector<1x1x16xf32> to vector<16xf32>
        %get3A_854 = arith.index_cast %select_n3A_792 : i32 to index
        %get3A_855 = arith.constant 48 : index
        %get3A_856 = tpu.vector_load %arg8[%get3A_854, %get3A_855] {strides = array<i32>} : memref<200x64xf32, #tpu.memory_space<vmem>>, vector<1x16xf32>,
        %get3A_857 = vector.shape_cast %get3A_856 : vector<1x16xf32> to vector<16xf32>
        %add3A_858 = arith.addf %get3A_853, %get3A_857 : vector<16xf32>
        %swap3A_859 = arith.index_cast %select_n3A_458 : i32 to index
        %swap3A_860 = arith.index_cast %add3A_786 : i32 to index
        %swap3A_861 = arith.constant 48 : index
        %swap3A_862 = tpu.vector_load %arg10[%swap3A_859, %swap3A_860, %swap3A_861] {strides = array<i32>} : memref<3x64x128xf32, #tpu.memory_space<vmem>>, vector<1x1x16xf32>,
        %swap3A_863 = vector.shape_cast %swap3A_862 : vector<1x1x16xf32> to vector<16xf32>
        %swap3A_864 = vector.shape_cast %add3A_858 : vector<16xf32> to vector<1x1x16xf32>
        tpu.vector_store %arg10[%swap3A_859, %swap3A_860, %swap3A_861], %swap3A_864 {strides = array<i32>} : memref<3x64x128xf32, #tpu.memory_space<vmem>>, vector<1x1x16xf32>,
        %add3A_865 = arith.constant 3 : i32
        %add3A_866 = arith.addi %mul3A_601, %add3A_865 : i32
        %slice3A_867 = vector.extract_strided_slice %mul3A_611 {offsets = [3], sizes = [1], strides = [1]} : vector<16xi32> to vector<1xi32>
        %squeeze3A_868 = vector.extract %slice3A_867[0] : i32 from vector<1xi32>
        %shift_right_arithmetic3A_869 = arith.constant 1 : i32
        %shift_right_arithmetic3A_870 = arith.shrsi %mul3A_601, %shift_right_arithmetic3A_869 : i32
        %add3A_871 = arith.constant 1 : i32
        %add3A_872 = arith.addi %shift_right_arithmetic3A_870, %add3A_871 : i32
        %add3A_873 = arith.addi %rem3A_568, %add3A_866 : i32
        %ge3A_874 = arith.constant 200 : i32
        %ge3A_875 = arith.cmpi sge, %add3A_873, %ge3A_874 : i32
        %sub3A_876 = arith.constant 200 : i32
        %sub3A_877 = arith.subi %add3A_873, %sub3A_876 : i32
        %select_n3A_878 = arith.select %ge3A_875, %sub3A_877, %add3A_873 : i32
        %add3A_879 = arith.constant 0 : i32
        %add3A_880 = arith.addi %squeeze3A_868, %add3A_879 : i32
        %get3A_881 = arith.index_cast %select_n3A_458 : i32 to index
        %get3A_882 = arith.index_cast %add3A_866 : i32 to index
        %get3A_883 = arith.index_cast %add3A_880 : i32 to index
        %get3A_884 = tpu.vector_load %arg9[%get3A_881, %get3A_882, %get3A_883] {strides = array<i32>} : memref<3x128x128xf32, #tpu.memory_space<vmem>>, vector<1x1x16xf32>,
        %get3A_885 = vector.shape_cast %get3A_884 : vector<1x1x16xf32> to vector<16xf32>
        %get3A_886 = arith.index_cast %select_n3A_878 : i32 to index
        %get3A_887 = arith.constant 0 : index
        %get3A_888 = tpu.vector_load %arg8[%get3A_886, %get3A_887] {strides = array<i32>} : memref<200x64xf32, #tpu.memory_space<vmem>>, vector<1x16xf32>,
        %get3A_889 = vector.shape_cast %get3A_888 : vector<1x16xf32> to vector<16xf32>
        %add3A_890 = arith.addf %get3A_885, %get3A_889 : vector<16xf32>
        %swap3A_891 = arith.index_cast %select_n3A_458 : i32 to index
        %swap3A_892 = arith.index_cast %add3A_872 : i32 to index
        %swap3A_893 = arith.constant 64 : index
        %swap3A_894 = tpu.vector_load %arg10[%swap3A_891, %swap3A_892, %swap3A_893] {strides = array<i32>} : memref<3x64x128xf32, #tpu.memory_space<vmem>>, vector<1x1x16xf32>,
        %swap3A_895 = vector.shape_cast %swap3A_894 : vector<1x1x16xf32> to vector<16xf32>
        %swap3A_896 = vector.shape_cast %add3A_890 : vector<16xf32> to vector<1x1x16xf32>
        tpu.vector_store %arg10[%swap3A_891, %swap3A_892, %swap3A_893], %swap3A_896 {strides = array<i32>} : memref<3x64x128xf32, #tpu.memory_space<vmem>>, vector<1x1x16xf32>,
        %add3A_897 = arith.constant 16 : i32
        %add3A_898 = arith.addi %squeeze3A_868, %add3A_897 : i32
        %get3A_899 = arith.index_cast %select_n3A_458 : i32 to index
        %get3A_900 = arith.index_cast %add3A_866 : i32 to index
        %get3A_901 = arith.index_cast %add3A_898 : i32 to index
        %get3A_902 = tpu.vector_load %arg9[%get3A_899, %get3A_900, %get3A_901] {strides = array<i32>} : memref<3x128x128xf32, #tpu.memory_space<vmem>>, vector<1x1x16xf32>,
        %get3A_903 = vector.shape_cast %get3A_902 : vector<1x1x16xf32> to vector<16xf32>
        %get3A_904 = arith.index_cast %select_n3A_878 : i32 to index
        %get3A_905 = arith.constant 16 : index
        %get3A_906 = tpu.vector_load %arg8[%get3A_904, %get3A_905] {strides = array<i32>} : memref<200x64xf32, #tpu.memory_space<vmem>>, vector<1x16xf32>,
        %get3A_907 = vector.shape_cast %get3A_906 : vector<1x16xf32> to vector<16xf32>
        %add3A_908 = arith.addf %get3A_903, %get3A_907 : vector<16xf32>
        %swap3A_909 = arith.index_cast %select_n3A_458 : i32 to index
        %swap3A_910 = arith.index_cast %add3A_872 : i32 to index
        %swap3A_911 = arith.constant 80 : index
        %swap3A_912 = tpu.vector_load %arg10[%swap3A_909, %swap3A_910, %swap3A_911] {strides = array<i32>} : memref<3x64x128xf32, #tpu.memory_space<vmem>>, vector<1x1x16xf32>,
        %swap3A_913 = vector.shape_cast %swap3A_912 : vector<1x1x16xf32> to vector<16xf32>
        %swap3A_914 = vector.shape_cast %add3A_908 : vector<16xf32> to vector<1x1x16xf32>
        tpu.vector_store %arg10[%swap3A_909, %swap3A_910, %swap3A_911], %swap3A_914 {strides = array<i32>} : memref<3x64x128xf32, #tpu.memory_space<vmem>>, vector<1x1x16xf32>,
        %add3A_915 = arith.constant 32 : i32
        %add3A_916 = arith.addi %squeeze3A_868, %add3A_915 : i32
        %get3A_917 = arith.index_cast %select_n3A_458 : i32 to index
        %get3A_918 = arith.index_cast %add3A_866 : i32 to index
        %get3A_919 = arith.index_cast %add3A_916 : i32 to index
        %get3A_920 = tpu.vector_load %arg9[%get3A_917, %get3A_918, %get3A_919] {strides = array<i32>} : memref<3x128x128xf32, #tpu.memory_space<vmem>>, vector<1x1x16xf32>,
        %get3A_921 = vector.shape_cast %get3A_920 : vector<1x1x16xf32> to vector<16xf32>
        %get3A_922 = arith.index_cast %select_n3A_878 : i32 to index
        %get3A_923 = arith.constant 32 : index
        %get3A_924 = tpu.vector_load %arg8[%get3A_922, %get3A_923] {strides = array<i32>} : memref<200x64xf32, #tpu.memory_space<vmem>>, vector<1x16xf32>,
        %get3A_925 = vector.shape_cast %get3A_924 : vector<1x16xf32> to vector<16xf32>
        %add3A_926 = arith.addf %get3A_921, %get3A_925 : vector<16xf32>
        %swap3A_927 = arith.index_cast %select_n3A_458 : i32 to index
        %swap3A_928 = arith.index_cast %add3A_872 : i32 to index
        %swap3A_929 = arith.constant 96 : index
        %swap3A_930 = tpu.vector_load %arg10[%swap3A_927, %swap3A_928, %swap3A_929] {strides = array<i32>} : memref<3x64x128xf32, #tpu.memory_space<vmem>>, vector<1x1x16xf32>,
        %swap3A_931 = vector.shape_cast %swap3A_930 : vector<1x1x16xf32> to vector<16xf32>
        %swap3A_932 = vector.shape_cast %add3A_926 : vector<16xf32> to vector<1x1x16xf32>
        tpu.vector_store %arg10[%swap3A_927, %swap3A_928, %swap3A_929], %swap3A_932 {strides = array<i32>} : memref<3x64x128xf32, #tpu.memory_space<vmem>>, vector<1x1x16xf32>,
        %add3A_933 = arith.constant 48 : i32
        %add3A_934 = arith.addi %squeeze3A_868, %add3A_933 : i32
        %get3A_935 = arith.index_cast %select_n3A_458 : i32 to index
        %get3A_936 = arith.index_cast %add3A_866 : i32 to index
        %get3A_937 = arith.index_cast %add3A_934 : i32 to index
        %get3A_938 = tpu.vector_load %arg9[%get3A_935, %get3A_936, %get3A_937] {strides = array<i32>} : memref<3x128x128xf32, #tpu.memory_space<vmem>>, vector<1x1x16xf32>,
        %get3A_939 = vector.shape_cast %get3A_938 : vector<1x1x16xf32> to vector<16xf32>
        %get3A_940 = arith.index_cast %select_n3A_878 : i32 to index
        %get3A_941 = arith.constant 48 : index
        %get3A_942 = tpu.vector_load %arg8[%get3A_940, %get3A_941] {strides = array<i32>} : memref<200x64xf32, #tpu.memory_space<vmem>>, vector<1x16xf32>,
        %get3A_943 = vector.shape_cast %get3A_942 : vector<1x16xf32> to vector<16xf32>
        %add3A_944 = arith.addf %get3A_939, %get3A_943 : vector<16xf32>
        %swap3A_945 = arith.index_cast %select_n3A_458 : i32 to index
        %swap3A_946 = arith.index_cast %add3A_872 : i32 to index
        %swap3A_947 = arith.constant 112 : index
        %swap3A_948 = tpu.vector_load %arg10[%swap3A_945, %swap3A_946, %swap3A_947] {strides = array<i32>} : memref<3x64x128xf32, #tpu.memory_space<vmem>>, vector<1x1x16xf32>,
        %swap3A_949 = vector.shape_cast %swap3A_948 : vector<1x1x16xf32> to vector<16xf32>
        %swap3A_950 = vector.shape_cast %add3A_944 : vector<16xf32> to vector<1x1x16xf32>
        tpu.vector_store %arg10[%swap3A_945, %swap3A_946, %swap3A_947], %swap3A_950 {strides = array<i32>} : memref<3x64x128xf32, #tpu.memory_space<vmem>>, vector<1x1x16xf32>,
        %add3A_951 = arith.constant 4 : i32
        %add3A_952 = arith.addi %mul3A_601, %add3A_951 : i32
        %slice3A_953 = vector.extract_strided_slice %mul3A_611 {offsets = [4], sizes = [1], strides = [1]} : vector<16xi32> to vector<1xi32>
        %squeeze3A_954 = vector.extract %slice3A_953[0] : i32 from vector<1xi32>
        %shift_right_arithmetic3A_955 = arith.constant 1 : i32
        %shift_right_arithmetic3A_956 = arith.shrsi %mul3A_601, %shift_right_arithmetic3A_955 : i32
        %add3A_957 = arith.constant 2 : i32
        %add3A_958 = arith.addi %shift_right_arithmetic3A_956, %add3A_957 : i32
        %add3A_959 = arith.addi %rem3A_568, %add3A_952 : i32
        %ge3A_960 = arith.constant 200 : i32
        %ge3A_961 = arith.cmpi sge, %add3A_959, %ge3A_960 : i32
        %sub3A_962 = arith.constant 200 : i32
        %sub3A_963 = arith.subi %add3A_959, %sub3A_962 : i32
        %select_n3A_964 = arith.select %ge3A_961, %sub3A_963, %add3A_959 : i32
        %add3A_965 = arith.constant 0 : i32
        %add3A_966 = arith.addi %squeeze3A_954, %add3A_965 : i32
        %get3A_967 = arith.index_cast %select_n3A_458 : i32 to index
        %get3A_968 = arith.index_cast %add3A_952 : i32 to index
        %get3A_969 = arith.index_cast %add3A_966 : i32 to index
        %get3A_970 = tpu.vector_load %arg9[%get3A_967, %get3A_968, %get3A_969] {strides = array<i32>} : memref<3x128x128xf32, #tpu.memory_space<vmem>>, vector<1x1x16xf32>,
        %get3A_971 = vector.shape_cast %get3A_970 : vector<1x1x16xf32> to vector<16xf32>
        %get3A_972 = arith.index_cast %select_n3A_964 : i32 to index
        %get3A_973 = arith.constant 0 : index
        %get3A_974 = tpu.vector_load %arg8[%get3A_972, %get3A_973] {strides = array<i32>} : memref<200x64xf32, #tpu.memory_space<vmem>>, vector<1x16xf32>,
        %get3A_975 = vector.shape_cast %get3A_974 : vector<1x16xf32> to vector<16xf32>
        %add3A_976 = arith.addf %get3A_971, %get3A_975 : vector<16xf32>
        %swap3A_977 = arith.index_cast %select_n3A_458 : i32 to index
        %swap3A_978 = arith.index_cast %add3A_958 : i32 to index
        %swap3A_979 = arith.constant 0 : index
        %swap3A_980 = tpu.vector_load %arg10[%swap3A_977, %swap3A_978, %swap3A_979] {strides = array<i32>} : memref<3x64x128xf32, #tpu.memory_space<vmem>>, vector<1x1x16xf32>,
        %swap3A_981 = vector.shape_cast %swap3A_980 : vector<1x1x16xf32> to vector<16xf32>
        %swap3A_982 = vector.shape_cast %add3A_976 : vector<16xf32> to vector<1x1x16xf32>
        tpu.vector_store %arg10[%swap3A_977, %swap3A_978, %swap3A_979], %swap3A_982 {strides = array<i32>} : memref<3x64x128xf32, #tpu.memory_space<vmem>>, vector<1x1x16xf32>,
        %add3A_983 = arith.constant 16 : i32
        %add3A_984 = arith.addi %squeeze3A_954, %add3A_983 : i32
        %get3A_985 = arith.index_cast %select_n3A_458 : i32 to index
        %get3A_986 = arith.index_cast %add3A_952 : i32 to index
        %get3A_987 = arith.index_cast %add3A_984 : i32 to index
        %get3A_988 = tpu.vector_load %arg9[%get3A_985, %get3A_986, %get3A_987] {strides = array<i32>} : memref<3x128x128xf32, #tpu.memory_space<vmem>>, vector<1x1x16xf32>,
        %get3A_989 = vector.shape_cast %get3A_988 : vector<1x1x16xf32> to vector<16xf32>
        %get3A_990 = arith.index_cast %select_n3A_964 : i32 to index
        %get3A_991 = arith.constant 16 : index
        %get3A_992 = tpu.vector_load %arg8[%get3A_990, %get3A_991] {strides = array<i32>} : memref<200x64xf32, #tpu.memory_space<vmem>>, vector<1x16xf32>,
        %get3A_993 = vector.shape_cast %get3A_992 : vector<1x16xf32> to vector<16xf32>
        %add3A_994 = arith.addf %get3A_989, %get3A_993 : vector<16xf32>
        %swap3A_995 = arith.index_cast %select_n3A_458 : i32 to index
        %swap3A_996 = arith.index_cast %add3A_958 : i32 to index
        %swap3A_997 = arith.constant 16 : index
        %swap3A_998 = tpu.vector_load %arg10[%swap3A_995, %swap3A_996, %swap3A_997] {strides = array<i32>} : memref<3x64x128xf32, #tpu.memory_space<vmem>>, vector<1x1x16xf32>,
        %swap3A_999 = vector.shape_cast %swap3A_998 : vector<1x1x16xf32> to vector<16xf32>
        %swap3A_1000 = vector.shape_cast %add3A_994 : vector<16xf32> to vector<1x1x16xf32>
        tpu.vector_store %arg10[%swap3A_995, %swap3A_996, %swap3A_997], %swap3A_1000 {strides = array<i32>} : memref<3x64x128xf32, #tpu.memory_space<vmem>>, vector<1x1x16xf32>,
        %add3A_1001 = arith.constant 32 : i32
        %add3A_1002 = arith.addi %squeeze3A_954, %add3A_1001 : i32
        %get3A_1003 = arith.index_cast %select_n3A_458 : i32 to index
        %get3A_1004 = arith.index_cast %add3A_952 : i32 to index
        %get3A_1005 = arith.index_cast %add3A_1002 : i32 to index
        %get3A_1006 = tpu.vector_load %arg9[%get3A_1003, %get3A_1004, %get3A_1005] {strides = array<i32>} : memref<3x128x128xf32, #tpu.memory_space<vmem>>, vector<1x1x16xf32>,
        %get3A_1007 = vector.shape_cast %get3A_1006 : vector<1x1x16xf32> to vector<16xf32>
        %get3A_1008 = arith.index_cast %select_n3A_964 : i32 to index
        %get3A_1009 = arith.constant 32 : index
        %get3A_1010 = tpu.vector_load %arg8[%get3A_1008, %get3A_1009] {strides = array<i32>} : memref<200x64xf32, #tpu.memory_space<vmem>>, vector<1x16xf32>,
        %get3A_1011 = vector.shape_cast %get3A_1010 : vector<1x16xf32> to vector<16xf32>
        %add3A_1012 = arith.addf %get3A_1007, %get3A_1011 : vector<16xf32>
        %swap3A_1013 = arith.index_cast %select_n3A_458 : i32 to index
        %swap3A_1014 = arith.index_cast %add3A_958 : i32 to index
        %swap3A_1015 = arith.constant 32 : index
        %swap3A_1016 = tpu.vector_load %arg10[%swap3A_1013, %swap3A_1014, %swap3A_1015] {strides = array<i32>} : memref<3x64x128xf32, #tpu.memory_space<vmem>>, vector<1x1x16xf32>,
        %swap3A_1017 = vector.shape_cast %swap3A_1016 : vector<1x1x16xf32> to vector<16xf32>
        %swap3A_1018 = vector.shape_cast %add3A_1012 : vector<16xf32> to vector<1x1x16xf32>
        tpu.vector_store %arg10[%swap3A_1013, %swap3A_1014, %swap3A_1015], %swap3A_1018 {strides = array<i32>} : memref<3x64x128xf32, #tpu.memory_space<vmem>>, vector<1x1x16xf32>,
        %add3A_1019 = arith.constant 48 : i32
        %add3A_1020 = arith.addi %squeeze3A_954, %add3A_1019 : i32
        %get3A_1021 = arith.index_cast %select_n3A_458 : i32 to index
        %get3A_1022 = arith.index_cast %add3A_952 : i32 to index
        %get3A_1023 = arith.index_cast %add3A_1020 : i32 to index
        %get3A_1024 = tpu.vector_load %arg9[%get3A_1021, %get3A_1022, %get3A_1023] {strides = array<i32>} : memref<3x128x128xf32, #tpu.memory_space<vmem>>, vector<1x1x16xf32>,
        %get3A_1025 = vector.shape_cast %get3A_1024 : vector<1x1x16xf32> to vector<16xf32>
        %get3A_1026 = arith.index_cast %select_n3A_964 : i32 to index
        %get3A_1027 = arith.constant 48 : index
        %get3A_1028 = tpu.vector_load %arg8[%get3A_1026, %get3A_1027] {strides = array<i32>} : memref<200x64xf32, #tpu.memory_space<vmem>>, vector<1x16xf32>,
        %get3A_1029 = vector.shape_cast %get3A_1028 : vector<1x16xf32> to vector<16xf32>
        %add3A_1030 = arith.addf %get3A_1025, %get3A_1029 : vector<16xf32>
        %swap3A_1031 = arith.index_cast %select_n3A_458 : i32 to index
        %swap3A_1032 = arith.index_cast %add3A_958 : i32 to index
        %swap3A_1033 = arith.constant 48 : index
        %swap3A_1034 = tpu.vector_load %arg10[%swap3A_1031, %swap3A_1032, %swap3A_1033] {strides = array<i32>} : memref<3x64x128xf32, #tpu.memory_space<vmem>>, vector<1x1x16xf32>,
        %swap3A_1035 = vector.shape_cast %swap3A_1034 : vector<1x1x16xf32> to vector<16xf32>
        %swap3A_1036 = vector.shape_cast %add3A_1030 : vector<16xf32> to vector<1x1x16xf32>
        tpu.vector_store %arg10[%swap3A_1031, %swap3A_1032, %swap3A_1033], %swap3A_1036 {strides = array<i32>} : memref<3x64x128xf32, #tpu.memory_space<vmem>>, vector<1x1x16xf32>,
        %add3A_1037 = arith.constant 5 : i32
        %add3A_1038 = arith.addi %mul3A_601, %add3A_1037 : i32
        %slice3A_1039 = vector.extract_strided_slice %mul3A_611 {offsets = [5], sizes = [1], strides = [1]} : vector<16xi32> to vector<1xi32>
        %squeeze3A_1040 = vector.extract %slice3A_1039[0] : i32 from vector<1xi32>
        %shift_right_arithmetic3A_1041 = arith.constant 1 : i32
        %shift_right_arithmetic3A_1042 = arith.shrsi %mul3A_601, %shift_right_arithmetic3A_1041 : i32
        %add3A_1043 = arith.constant 2 : i32
        %add3A_1044 = arith.addi %shift_right_arithmetic3A_1042, %add3A_1043 : i32
        %add3A_1045 = arith.addi %rem3A_568, %add3A_1038 : i32
        %ge3A_1046 = arith.constant 200 : i32
        %ge3A_1047 = arith.cmpi sge, %add3A_1045, %ge3A_1046 : i32
        %sub3A_1048 = arith.constant 200 : i32
        %sub3A_1049 = arith.subi %add3A_1045, %sub3A_1048 : i32
        %select_n3A_1050 = arith.select %ge3A_1047, %sub3A_1049, %add3A_1045 : i32
        %add3A_1051 = arith.constant 0 : i32
        %add3A_1052 = arith.addi %squeeze3A_1040, %add3A_1051 : i32
        %get3A_1053 = arith.index_cast %select_n3A_458 : i32 to index
        %get3A_1054 = arith.index_cast %add3A_1038 : i32 to index
        %get3A_1055 = arith.index_cast %add3A_1052 : i32 to index
        %get3A_1056 = tpu.vector_load %arg9[%get3A_1053, %get3A_1054, %get3A_1055] {strides = array<i32>} : memref<3x128x128xf32, #tpu.memory_space<vmem>>, vector<1x1x16xf32>,
        %get3A_1057 = vector.shape_cast %get3A_1056 : vector<1x1x16xf32> to vector<16xf32>
        %get3A_1058 = arith.index_cast %select_n3A_1050 : i32 to index
        %get3A_1059 = arith.constant 0 : index
        %get3A_1060 = tpu.vector_load %arg8[%get3A_1058, %get3A_1059] {strides = array<i32>} : memref<200x64xf32, #tpu.memory_space<vmem>>, vector<1x16xf32>,
        %get3A_1061 = vector.shape_cast %get3A_1060 : vector<1x16xf32> to vector<16xf32>
        %add3A_1062 = arith.addf %get3A_1057, %get3A_1061 : vector<16xf32>
        %swap3A_1063 = arith.index_cast %select_n3A_458 : i32 to index
        %swap3A_1064 = arith.index_cast %add3A_1044 : i32 to index
        %swap3A_1065 = arith.constant 64 : index
        %swap3A_1066 = tpu.vector_load %arg10[%swap3A_1063, %swap3A_1064, %swap3A_1065] {strides = array<i32>} : memref<3x64x128xf32, #tpu.memory_space<vmem>>, vector<1x1x16xf32>,
        %swap3A_1067 = vector.shape_cast %swap3A_1066 : vector<1x1x16xf32> to vector<16xf32>
        %swap3A_1068 = vector.shape_cast %add3A_1062 : vector<16xf32> to vector<1x1x16xf32>
        tpu.vector_store %arg10[%swap3A_1063, %swap3A_1064, %swap3A_1065], %swap3A_1068 {strides = array<i32>} : memref<3x64x128xf32, #tpu.memory_space<vmem>>, vector<1x1x16xf32>,
        %add3A_1069 = arith.constant 16 : i32
        %add3A_1070 = arith.addi %squeeze3A_1040, %add3A_1069 : i32
        %get3A_1071 = arith.index_cast %select_n3A_458 : i32 to index
        %get3A_1072 = arith.index_cast %add3A_1038 : i32 to index
        %get3A_1073 = arith.index_cast %add3A_1070 : i32 to index
        %get3A_1074 = tpu.vector_load %arg9[%get3A_1071, %get3A_1072, %get3A_1073] {strides = array<i32>} : memref<3x128x128xf32, #tpu.memory_space<vmem>>, vector<1x1x16xf32>,
        %get3A_1075 = vector.shape_cast %get3A_1074 : vector<1x1x16xf32> to vector<16xf32>
        %get3A_1076 = arith.index_cast %select_n3A_1050 : i32 to index
        %get3A_1077 = arith.constant 16 : index
        %get3A_1078 = tpu.vector_load %arg8[%get3A_1076, %get3A_1077] {strides = array<i32>} : memref<200x64xf32, #tpu.memory_space<vmem>>, vector<1x16xf32>,
        %get3A_1079 = vector.shape_cast %get3A_1078 : vector<1x16xf32> to vector<16xf32>
        %add3A_1080 = arith.addf %get3A_1075, %get3A_1079 : vector<16xf32>
        %swap3A_1081 = arith.index_cast %select_n3A_458 : i32 to index
        %swap3A_1082 = arith.index_cast %add3A_1044 : i32 to index
        %swap3A_1083 = arith.constant 80 : index
        %swap3A_1084 = tpu.vector_load %arg10[%swap3A_1081, %swap3A_1082, %swap3A_1083] {strides = array<i32>} : memref<3x64x128xf32, #tpu.memory_space<vmem>>, vector<1x1x16xf32>,
        %swap3A_1085 = vector.shape_cast %swap3A_1084 : vector<1x1x16xf32> to vector<16xf32>
        %swap3A_1086 = vector.shape_cast %add3A_1080 : vector<16xf32> to vector<1x1x16xf32>
        tpu.vector_store %arg10[%swap3A_1081, %swap3A_1082, %swap3A_1083], %swap3A_1086 {strides = array<i32>} : memref<3x64x128xf32, #tpu.memory_space<vmem>>, vector<1x1x16xf32>,
        %add3A_1087 = arith.constant 32 : i32
        %add3A_1088 = arith.addi %squeeze3A_1040, %add3A_1087 : i32
        %get3A_1089 = arith.index_cast %select_n3A_458 : i32 to index
        %get3A_1090 = arith.index_cast %add3A_1038 : i32 to index
        %get3A_1091 = arith.index_cast %add3A_1088 : i32 to index
        %get3A_1092 = tpu.vector_load %arg9[%get3A_1089, %get3A_1090, %get3A_1091] {strides = array<i32>} : memref<3x128x128xf32, #tpu.memory_space<vmem>>, vector<1x1x16xf32>,
        %get3A_1093 = vector.shape_cast %get3A_1092 : vector<1x1x16xf32> to vector<16xf32>
        %get3A_1094 = arith.index_cast %select_n3A_1050 : i32 to index
        %get3A_1095 = arith.constant 32 : index
        %get3A_1096 = tpu.vector_load %arg8[%get3A_1094, %get3A_1095] {strides = array<i32>} : memref<200x64xf32, #tpu.memory_space<vmem>>, vector<1x16xf32>,
        %get3A_1097 = vector.shape_cast %get3A_1096 : vector<1x16xf32> to vector<16xf32>
        %add3A_1098 = arith.addf %get3A_1093, %get3A_1097 : vector<16xf32>
        %swap3A_1099 = arith.index_cast %select_n3A_458 : i32 to index
        %swap3A_1100 = arith.index_cast %add3A_1044 : i32 to index
        %swap3A_1101 = arith.constant 96 : index
        %swap3A_1102 = tpu.vector_load %arg10[%swap3A_1099, %swap3A_1100, %swap3A_1101] {strides = array<i32>} : memref<3x64x128xf32, #tpu.memory_space<vmem>>, vector<1x1x16xf32>,
        %swap3A_1103 = vector.shape_cast %swap3A_1102 : vector<1x1x16xf32> to vector<16xf32>
        %swap3A_1104 = vector.shape_cast %add3A_1098 : vector<16xf32> to vector<1x1x16xf32>
        tpu.vector_store %arg10[%swap3A_1099, %swap3A_1100, %swap3A_1101], %swap3A_1104 {strides = array<i32>} : memref<3x64x128xf32, #tpu.memory_space<vmem>>, vector<1x1x16xf32>,
        %add3A_1105 = arith.constant 48 : i32
        %add3A_1106 = arith.addi %squeeze3A_1040, %add3A_1105 : i32
        %get3A_1107 = arith.index_cast %select_n3A_458 : i32 to index
        %get3A_1108 = arith.index_cast %add3A_1038 : i32 to index
        %get3A_1109 = arith.index_cast %add3A_1106 : i32 to index
        %get3A_1110 = tpu.vector_load %arg9[%get3A_1107, %get3A_1108, %get3A_1109] {strides = array<i32>} : memref<3x128x128xf32, #tpu.memory_space<vmem>>, vector<1x1x16xf32>,
        %get3A_1111 = vector.shape_cast %get3A_1110 : vector<1x1x16xf32> to vector<16xf32>
        %get3A_1112 = arith.index_cast %select_n3A_1050 : i32 to index
        %get3A_1113 = arith.constant 48 : index
        %get3A_1114 = tpu.vector_load %arg8[%get3A_1112, %get3A_1113] {strides = array<i32>} : memref<200x64xf32, #tpu.memory_space<vmem>>, vector<1x16xf32>,
        %get3A_1115 = vector.shape_cast %get3A_1114 : vector<1x16xf32> to vector<16xf32>
        %add3A_1116 = arith.addf %get3A_1111, %get3A_1115 : vector<16xf32>
        %swap3A_1117 = arith.index_cast %select_n3A_458 : i32 to index
        %swap3A_1118 = arith.index_cast %add3A_1044 : i32 to index
        %swap3A_1119 = arith.constant 112 : index
        %swap3A_1120 = tpu.vector_load %arg10[%swap3A_1117, %swap3A_1118, %swap3A_1119] {strides = array<i32>} : memref<3x64x128xf32, #tpu.memory_space<vmem>>, vector<1x1x16xf32>,
        %swap3A_1121 = vector.shape_cast %swap3A_1120 : vector<1x1x16xf32> to vector<16xf32>
        %swap3A_1122 = vector.shape_cast %add3A_1116 : vector<16xf32> to vector<1x1x16xf32>
        tpu.vector_store %arg10[%swap3A_1117, %swap3A_1118, %swap3A_1119], %swap3A_1122 {strides = array<i32>} : memref<3x64x128xf32, #tpu.memory_space<vmem>>, vector<1x1x16xf32>,
        %add3A_1123 = arith.constant 6 : i32
        %add3A_1124 = arith.addi %mul3A_601, %add3A_1123 : i32
        %slice3A_1125 = vector.extract_strided_slice %mul3A_611 {offsets = [6], sizes = [1], strides = [1]} : vector<16xi32> to vector<1xi32>
        %squeeze3A_1126 = vector.extract %slice3A_1125[0] : i32 from vector<1xi32>
        %shift_right_arithmetic3A_1127 = arith.constant 1 : i32
        %shift_right_arithmetic3A_1128 = arith.shrsi %mul3A_601, %shift_right_arithmetic3A_1127 : i32
        %add3A_1129 = arith.constant 3 : i32
        %add3A_1130 = arith.addi %shift_right_arithmetic3A_1128, %add3A_1129 : i32
        %add3A_1131 = arith.addi %rem3A_568, %add3A_1124 : i32
        %ge3A_1132 = arith.constant 200 : i32
        %ge3A_1133 = arith.cmpi sge, %add3A_1131, %ge3A_1132 : i32
        %sub3A_1134 = arith.constant 200 : i32
        %sub3A_1135 = arith.subi %add3A_1131, %sub3A_1134 : i32
        %select_n3A_1136 = arith.select %ge3A_1133, %sub3A_1135, %add3A_1131 : i32
        %add3A_1137 = arith.constant 0 : i32
        %add3A_1138 = arith.addi %squeeze3A_1126, %add3A_1137 : i32
        %get3A_1139 = arith.index_cast %select_n3A_458 : i32 to index
        %get3A_1140 = arith.index_cast %add3A_1124 : i32 to index
        %get3A_1141 = arith.index_cast %add3A_1138 : i32 to index
        %get3A_1142 = tpu.vector_load %arg9[%get3A_1139, %get3A_1140, %get3A_1141] {strides = array<i32>} : memref<3x128x128xf32, #tpu.memory_space<vmem>>, vector<1x1x16xf32>,
        %get3A_1143 = vector.shape_cast %get3A_1142 : vector<1x1x16xf32> to vector<16xf32>
        %get3A_1144 = arith.index_cast %select_n3A_1136 : i32 to index
        %get3A_1145 = arith.constant 0 : index
        %get3A_1146 = tpu.vector_load %arg8[%get3A_1144, %get3A_1145] {strides = array<i32>} : memref<200x64xf32, #tpu.memory_space<vmem>>, vector<1x16xf32>,
        %get3A_1147 = vector.shape_cast %get3A_1146 : vector<1x16xf32> to vector<16xf32>
        %add3A_1148 = arith.addf %get3A_1143, %get3A_1147 : vector<16xf32>
        %swap3A_1149 = arith.index_cast %select_n3A_458 : i32 to index
        %swap3A_1150 = arith.index_cast %add3A_1130 : i32 to index
        %swap3A_1151 = arith.constant 0 : index
        %swap3A_1152 = tpu.vector_load %arg10[%swap3A_1149, %swap3A_1150, %swap3A_1151] {strides = array<i32>} : memref<3x64x128xf32, #tpu.memory_space<vmem>>, vector<1x1x16xf32>,
        %swap3A_1153 = vector.shape_cast %swap3A_1152 : vector<1x1x16xf32> to vector<16xf32>
        %swap3A_1154 = vector.shape_cast %add3A_1148 : vector<16xf32> to vector<1x1x16xf32>
        tpu.vector_store %arg10[%swap3A_1149, %swap3A_1150, %swap3A_1151], %swap3A_1154 {strides = array<i32>} : memref<3x64x128xf32, #tpu.memory_space<vmem>>, vector<1x1x16xf32>,
        %add3A_1155 = arith.constant 16 : i32
        %add3A_1156 = arith.addi %squeeze3A_1126, %add3A_1155 : i32
        %get3A_1157 = arith.index_cast %select_n3A_458 : i32 to index
        %get3A_1158 = arith.index_cast %add3A_1124 : i32 to index
        %get3A_1159 = arith.index_cast %add3A_1156 : i32 to index
        %get3A_1160 = tpu.vector_load %arg9[%get3A_1157, %get3A_1158, %get3A_1159] {strides = array<i32>} : memref<3x128x128xf32, #tpu.memory_space<vmem>>, vector<1x1x16xf32>,
        %get3A_1161 = vector.shape_cast %get3A_1160 : vector<1x1x16xf32> to vector<16xf32>
        %get3A_1162 = arith.index_cast %select_n3A_1136 : i32 to index
        %get3A_1163 = arith.constant 16 : index
        %get3A_1164 = tpu.vector_load %arg8[%get3A_1162, %get3A_1163] {strides = array<i32>} : memref<200x64xf32, #tpu.memory_space<vmem>>, vector<1x16xf32>,
        %get3A_1165 = vector.shape_cast %get3A_1164 : vector<1x16xf32> to vector<16xf32>
        %add3A_1166 = arith.addf %get3A_1161, %get3A_1165 : vector<16xf32>
        %swap3A_1167 = arith.index_cast %select_n3A_458 : i32 to index
        %swap3A_1168 = arith.index_cast %add3A_1130 : i32 to index
        %swap3A_1169 = arith.constant 16 : index
        %swap3A_1170 = tpu.vector_load %arg10[%swap3A_1167, %swap3A_1168, %swap3A_1169] {strides = array<i32>} : memref<3x64x128xf32, #tpu.memory_space<vmem>>, vector<1x1x16xf32>,
        %swap3A_1171 = vector.shape_cast %swap3A_1170 : vector<1x1x16xf32> to vector<16xf32>
        %swap3A_1172 = vector.shape_cast %add3A_1166 : vector<16xf32> to vector<1x1x16xf32>
        tpu.vector_store %arg10[%swap3A_1167, %swap3A_1168, %swap3A_1169], %swap3A_1172 {strides = array<i32>} : memref<3x64x128xf32, #tpu.memory_space<vmem>>, vector<1x1x16xf32>,
        %add3A_1173 = arith.constant 32 : i32
        %add3A_1174 = arith.addi %squeeze3A_1126, %add3A_1173 : i32
        %get3A_1175 = arith.index_cast %select_n3A_458 : i32 to index
        %get3A_1176 = arith.index_cast %add3A_1124 : i32 to index
        %get3A_1177 = arith.index_cast %add3A_1174 : i32 to index
        %get3A_1178 = tpu.vector_load %arg9[%get3A_1175, %get3A_1176, %get3A_1177] {strides = array<i32>} : memref<3x128x128xf32, #tpu.memory_space<vmem>>, vector<1x1x16xf32>,
        %get3A_1179 = vector.shape_cast %get3A_1178 : vector<1x1x16xf32> to vector<16xf32>
        %get3A_1180 = arith.index_cast %select_n3A_1136 : i32 to index
        %get3A_1181 = arith.constant 32 : index
        %get3A_1182 = tpu.vector_load %arg8[%get3A_1180, %get3A_1181] {strides = array<i32>} : memref<200x64xf32, #tpu.memory_space<vmem>>, vector<1x16xf32>,
        %get3A_1183 = vector.shape_cast %get3A_1182 : vector<1x16xf32> to vector<16xf32>
        %add3A_1184 = arith.addf %get3A_1179, %get3A_1183 : vector<16xf32>
        %swap3A_1185 = arith.index_cast %select_n3A_458 : i32 to index
        %swap3A_1186 = arith.index_cast %add3A_1130 : i32 to index
        %swap3A_1187 = arith.constant 32 : index
        %swap3A_1188 = tpu.vector_load %arg10[%swap3A_1185, %swap3A_1186, %swap3A_1187] {strides = array<i32>} : memref<3x64x128xf32, #tpu.memory_space<vmem>>, vector<1x1x16xf32>,
        %swap3A_1189 = vector.shape_cast %swap3A_1188 : vector<1x1x16xf32> to vector<16xf32>
        %swap3A_1190 = vector.shape_cast %add3A_1184 : vector<16xf32> to vector<1x1x16xf32>
        tpu.vector_store %arg10[%swap3A_1185, %swap3A_1186, %swap3A_1187], %swap3A_1190 {strides = array<i32>} : memref<3x64x128xf32, #tpu.memory_space<vmem>>, vector<1x1x16xf32>,
        %add3A_1191 = arith.constant 48 : i32
        %add3A_1192 = arith.addi %squeeze3A_1126, %add3A_1191 : i32
        %get3A_1193 = arith.index_cast %select_n3A_458 : i32 to index
        %get3A_1194 = arith.index_cast %add3A_1124 : i32 to index
        %get3A_1195 = arith.index_cast %add3A_1192 : i32 to index
        %get3A_1196 = tpu.vector_load %arg9[%get3A_1193, %get3A_1194, %get3A_1195] {strides = array<i32>} : memref<3x128x128xf32, #tpu.memory_space<vmem>>, vector<1x1x16xf32>,
        %get3A_1197 = vector.shape_cast %get3A_1196 : vector<1x1x16xf32> to vector<16xf32>
        %get3A_1198 = arith.index_cast %select_n3A_1136 : i32 to index
        %get3A_1199 = arith.constant 48 : index
        %get3A_1200 = tpu.vector_load %arg8[%get3A_1198, %get3A_1199] {strides = array<i32>} : memref<200x64xf32, #tpu.memory_space<vmem>>, vector<1x16xf32>,
        %get3A_1201 = vector.shape_cast %get3A_1200 : vector<1x16xf32> to vector<16xf32>
        %add3A_1202 = arith.addf %get3A_1197, %get3A_1201 : vector<16xf32>
        %swap3A_1203 = arith.index_cast %select_n3A_458 : i32 to index
        %swap3A_1204 = arith.index_cast %add3A_1130 : i32 to index
        %swap3A_1205 = arith.constant 48 : index
        %swap3A_1206 = tpu.vector_load %arg10[%swap3A_1203, %swap3A_1204, %swap3A_1205] {strides = array<i32>} : memref<3x64x128xf32, #tpu.memory_space<vmem>>, vector<1x1x16xf32>,
        %swap3A_1207 = vector.shape_cast %swap3A_1206 : vector<1x1x16xf32> to vector<16xf32>
        %swap3A_1208 = vector.shape_cast %add3A_1202 : vector<16xf32> to vector<1x1x16xf32>
        tpu.vector_store %arg10[%swap3A_1203, %swap3A_1204, %swap3A_1205], %swap3A_1208 {strides = array<i32>} : memref<3x64x128xf32, #tpu.memory_space<vmem>>, vector<1x1x16xf32>,
        %add3A_1209 = arith.constant 7 : i32
        %add3A_1210 = arith.addi %mul3A_601, %add3A_1209 : i32
        %slice3A_1211 = vector.extract_strided_slice %mul3A_611 {offsets = [7], sizes = [1], strides = [1]} : vector<16xi32> to vector<1xi32>
        %squeeze3A_1212 = vector.extract %slice3A_1211[0] : i32 from vector<1xi32>
        %shift_right_arithmetic3A_1213 = arith.constant 1 : i32
        %shift_right_arithmetic3A_1214 = arith.shrsi %mul3A_601, %shift_right_arithmetic3A_1213 : i32
        %add3A_1215 = arith.constant 3 : i32
        %add3A_1216 = arith.addi %shift_right_arithmetic3A_1214, %add3A_1215 : i32
        %add3A_1217 = arith.addi %rem3A_568, %add3A_1210 : i32
        %ge3A_1218 = arith.constant 200 : i32
        %ge3A_1219 = arith.cmpi sge, %add3A_1217, %ge3A_1218 : i32
        %sub3A_1220 = arith.constant 200 : i32
        %sub3A_1221 = arith.subi %add3A_1217, %sub3A_1220 : i32
        %select_n3A_1222 = arith.select %ge3A_1219, %sub3A_1221, %add3A_1217 : i32
        %add3A_1223 = arith.constant 0 : i32
        %add3A_1224 = arith.addi %squeeze3A_1212, %add3A_1223 : i32
        %get3A_1225 = arith.index_cast %select_n3A_458 : i32 to index
        %get3A_1226 = arith.index_cast %add3A_1210 : i32 to index
        %get3A_1227 = arith.index_cast %add3A_1224 : i32 to index
        %get3A_1228 = tpu.vector_load %arg9[%get3A_1225, %get3A_1226, %get3A_1227] {strides = array<i32>} : memref<3x128x128xf32, #tpu.memory_space<vmem>>, vector<1x1x16xf32>,
        %get3A_1229 = vector.shape_cast %get3A_1228 : vector<1x1x16xf32> to vector<16xf32>
        %get3A_1230 = arith.index_cast %select_n3A_1222 : i32 to index
        %get3A_1231 = arith.constant 0 : index
        %get3A_1232 = tpu.vector_load %arg8[%get3A_1230, %get3A_1231] {strides = array<i32>} : memref<200x64xf32, #tpu.memory_space<vmem>>, vector<1x16xf32>,
        %get3A_1233 = vector.shape_cast %get3A_1232 : vector<1x16xf32> to vector<16xf32>
        %add3A_1234 = arith.addf %get3A_1229, %get3A_1233 : vector<16xf32>
        %swap3A_1235 = arith.index_cast %select_n3A_458 : i32 to index
        %swap3A_1236 = arith.index_cast %add3A_1216 : i32 to index
        %swap3A_1237 = arith.constant 64 : index
        %swap3A_1238 = tpu.vector_load %arg10[%swap3A_1235, %swap3A_1236, %swap3A_1237] {strides = array<i32>} : memref<3x64x128xf32, #tpu.memory_space<vmem>>, vector<1x1x16xf32>,
        %swap3A_1239 = vector.shape_cast %swap3A_1238 : vector<1x1x16xf32> to vector<16xf32>
        %swap3A_1240 = vector.shape_cast %add3A_1234 : vector<16xf32> to vector<1x1x16xf32>
        tpu.vector_store %arg10[%swap3A_1235, %swap3A_1236, %swap3A_1237], %swap3A_1240 {strides = array<i32>} : memref<3x64x128xf32, #tpu.memory_space<vmem>>, vector<1x1x16xf32>,
        %add3A_1241 = arith.constant 16 : i32
        %add3A_1242 = arith.addi %squeeze3A_1212, %add3A_1241 : i32
        %get3A_1243 = arith.index_cast %select_n3A_458 : i32 to index
        %get3A_1244 = arith.index_cast %add3A_1210 : i32 to index
        %get3A_1245 = arith.index_cast %add3A_1242 : i32 to index
        %get3A_1246 = tpu.vector_load %arg9[%get3A_1243, %get3A_1244, %get3A_1245] {strides = array<i32>} : memref<3x128x128xf32, #tpu.memory_space<vmem>>, vector<1x1x16xf32>,
        %get3A_1247 = vector.shape_cast %get3A_1246 : vector<1x1x16xf32> to vector<16xf32>
        %get3A_1248 = arith.index_cast %select_n3A_1222 : i32 to index
        %get3A_1249 = arith.constant 16 : index
        %get3A_1250 = tpu.vector_load %arg8[%get3A_1248, %get3A_1249] {strides = array<i32>} : memref<200x64xf32, #tpu.memory_space<vmem>>, vector<1x16xf32>,
        %get3A_1251 = vector.shape_cast %get3A_1250 : vector<1x16xf32> to vector<16xf32>
        %add3A_1252 = arith.addf %get3A_1247, %get3A_1251 : vector<16xf32>
        %swap3A_1253 = arith.index_cast %select_n3A_458 : i32 to index
        %swap3A_1254 = arith.index_cast %add3A_1216 : i32 to index
        %swap3A_1255 = arith.constant 80 : index
        %swap3A_1256 = tpu.vector_load %arg10[%swap3A_1253, %swap3A_1254, %swap3A_1255] {strides = array<i32>} : memref<3x64x128xf32, #tpu.memory_space<vmem>>, vector<1x1x16xf32>,
        %swap3A_1257 = vector.shape_cast %swap3A_1256 : vector<1x1x16xf32> to vector<16xf32>
        %swap3A_1258 = vector.shape_cast %add3A_1252 : vector<16xf32> to vector<1x1x16xf32>
        tpu.vector_store %arg10[%swap3A_1253, %swap3A_1254, %swap3A_1255], %swap3A_1258 {strides = array<i32>} : memref<3x64x128xf32, #tpu.memory_space<vmem>>, vector<1x1x16xf32>,
        %add3A_1259 = arith.constant 32 : i32
        %add3A_1260 = arith.addi %squeeze3A_1212, %add3A_1259 : i32
        %get3A_1261 = arith.index_cast %select_n3A_458 : i32 to index
        %get3A_1262 = arith.index_cast %add3A_1210 : i32 to index
        %get3A_1263 = arith.index_cast %add3A_1260 : i32 to index
        %get3A_1264 = tpu.vector_load %arg9[%get3A_1261, %get3A_1262, %get3A_1263] {strides = array<i32>} : memref<3x128x128xf32, #tpu.memory_space<vmem>>, vector<1x1x16xf32>,
        %get3A_1265 = vector.shape_cast %get3A_1264 : vector<1x1x16xf32> to vector<16xf32>
        %get3A_1266 = arith.index_cast %select_n3A_1222 : i32 to index
        %get3A_1267 = arith.constant 32 : index
        %get3A_1268 = tpu.vector_load %arg8[%get3A_1266, %get3A_1267] {strides = array<i32>} : memref<200x64xf32, #tpu.memory_space<vmem>>, vector<1x16xf32>,
        %get3A_1269 = vector.shape_cast %get3A_1268 : vector<1x16xf32> to vector<16xf32>
        %add3A_1270 = arith.addf %get3A_1265, %get3A_1269 : vector<16xf32>
        %swap3A_1271 = arith.index_cast %select_n3A_458 : i32 to index
        %swap3A_1272 = arith.index_cast %add3A_1216 : i32 to index
        %swap3A_1273 = arith.constant 96 : index
        %swap3A_1274 = tpu.vector_load %arg10[%swap3A_1271, %swap3A_1272, %swap3A_1273] {strides = array<i32>} : memref<3x64x128xf32, #tpu.memory_space<vmem>>, vector<1x1x16xf32>,
        %swap3A_1275 = vector.shape_cast %swap3A_1274 : vector<1x1x16xf32> to vector<16xf32>
        %swap3A_1276 = vector.shape_cast %add3A_1270 : vector<16xf32> to vector<1x1x16xf32>
        tpu.vector_store %arg10[%swap3A_1271, %swap3A_1272, %swap3A_1273], %swap3A_1276 {strides = array<i32>} : memref<3x64x128xf32, #tpu.memory_space<vmem>>, vector<1x1x16xf32>,
        %add3A_1277 = arith.constant 48 : i32
        %add3A_1278 = arith.addi %squeeze3A_1212, %add3A_1277 : i32
        %get3A_1279 = arith.index_cast %select_n3A_458 : i32 to index
        %get3A_1280 = arith.index_cast %add3A_1210 : i32 to index
        %get3A_1281 = arith.index_cast %add3A_1278 : i32 to index
        %get3A_1282 = tpu.vector_load %arg9[%get3A_1279, %get3A_1280, %get3A_1281] {strides = array<i32>} : memref<3x128x128xf32, #tpu.memory_space<vmem>>, vector<1x1x16xf32>,
        %get3A_1283 = vector.shape_cast %get3A_1282 : vector<1x1x16xf32> to vector<16xf32>
        %get3A_1284 = arith.index_cast %select_n3A_1222 : i32 to index
        %get3A_1285 = arith.constant 48 : index
        %get3A_1286 = tpu.vector_load %arg8[%get3A_1284, %get3A_1285] {strides = array<i32>} : memref<200x64xf32, #tpu.memory_space<vmem>>, vector<1x16xf32>,
        %get3A_1287 = vector.shape_cast %get3A_1286 : vector<1x16xf32> to vector<16xf32>
        %add3A_1288 = arith.addf %get3A_1283, %get3A_1287 : vector<16xf32>
        %swap3A_1289 = arith.index_cast %select_n3A_458 : i32 to index
        %swap3A_1290 = arith.index_cast %add3A_1216 : i32 to index
        %swap3A_1291 = arith.constant 112 : index
        %swap3A_1292 = tpu.vector_load %arg10[%swap3A_1289, %swap3A_1290, %swap3A_1291] {strides = array<i32>} : memref<3x64x128xf32, #tpu.memory_space<vmem>>, vector<1x1x16xf32>,
        %swap3A_1293 = vector.shape_cast %swap3A_1292 : vector<1x1x16xf32> to vector<16xf32>
        %swap3A_1294 = vector.shape_cast %add3A_1288 : vector<16xf32> to vector<1x1x16xf32>
        tpu.vector_store %arg10[%swap3A_1289, %swap3A_1290, %swap3A_1291], %swap3A_1294 {strides = array<i32>} : memref<3x64x128xf32, #tpu.memory_space<vmem>>, vector<1x1x16xf32>,
        %add3A_1295 = arith.constant 8 : i32
        %add3A_1296 = arith.addi %mul3A_601, %add3A_1295 : i32
        %slice3A_1297 = vector.extract_strided_slice %mul3A_611 {offsets = [8], sizes = [1], strides = [1]} : vector<16xi32> to vector<1xi32>
        %squeeze3A_1298 = vector.extract %slice3A_1297[0] : i32 from vector<1xi32>
        %shift_right_arithmetic3A_1299 = arith.constant 1 : i32
        %shift_right_arithmetic3A_1300 = arith.shrsi %mul3A_601, %shift_right_arithmetic3A_1299 : i32
        %add3A_1301 = arith.constant 4 : i32
        %add3A_1302 = arith.addi %shift_right_arithmetic3A_1300, %add3A_1301 : i32
        %add3A_1303 = arith.addi %rem3A_568, %add3A_1296 : i32
        %ge3A_1304 = arith.constant 200 : i32
        %ge3A_1305 = arith.cmpi sge, %add3A_1303, %ge3A_1304 : i32
        %sub3A_1306 = arith.constant 200 : i32
        %sub3A_1307 = arith.subi %add3A_1303, %sub3A_1306 : i32
        %select_n3A_1308 = arith.select %ge3A_1305, %sub3A_1307, %add3A_1303 : i32
        %add3A_1309 = arith.constant 0 : i32
        %add3A_1310 = arith.addi %squeeze3A_1298, %add3A_1309 : i32
        %get3A_1311 = arith.index_cast %select_n3A_458 : i32 to index
        %get3A_1312 = arith.index_cast %add3A_1296 : i32 to index
        %get3A_1313 = arith.index_cast %add3A_1310 : i32 to index
        %get3A_1314 = tpu.vector_load %arg9[%get3A_1311, %get3A_1312, %get3A_1313] {strides = array<i32>} : memref<3x128x128xf32, #tpu.memory_space<vmem>>, vector<1x1x16xf32>,
        %get3A_1315 = vector.shape_cast %get3A_1314 : vector<1x1x16xf32> to vector<16xf32>
        %get3A_1316 = arith.index_cast %select_n3A_1308 : i32 to index
        %get3A_1317 = arith.constant 0 : index
        %get3A_1318 = tpu.vector_load %arg8[%get3A_1316, %get3A_1317] {strides = array<i32>} : memref<200x64xf32, #tpu.memory_space<vmem>>, vector<1x16xf32>,
        %get3A_1319 = vector.shape_cast %get3A_1318 : vector<1x16xf32> to vector<16xf32>
        %add3A_1320 = arith.addf %get3A_1315, %get3A_1319 : vector<16xf32>
        %swap3A_1321 = arith.index_cast %select_n3A_458 : i32 to index
        %swap3A_1322 = arith.index_cast %add3A_1302 : i32 to index
        %swap3A_1323 = arith.constant 0 : index
        %swap3A_1324 = tpu.vector_load %arg10[%swap3A_1321, %swap3A_1322, %swap3A_1323] {strides = array<i32>} : memref<3x64x128xf32, #tpu.memory_space<vmem>>, vector<1x1x16xf32>,
        %swap3A_1325 = vector.shape_cast %swap3A_1324 : vector<1x1x16xf32> to vector<16xf32>
        %swap3A_1326 = vector.shape_cast %add3A_1320 : vector<16xf32> to vector<1x1x16xf32>
        tpu.vector_store %arg10[%swap3A_1321, %swap3A_1322, %swap3A_1323], %swap3A_1326 {strides = array<i32>} : memref<3x64x128xf32, #tpu.memory_space<vmem>>, vector<1x1x16xf32>,
        %add3A_1327 = arith.constant 16 : i32
        %add3A_1328 = arith.addi %squeeze3A_1298, %add3A_1327 : i32
        %get3A_1329 = arith.index_cast %select_n3A_458 : i32 to index
        %get3A_1330 = arith.index_cast %add3A_1296 : i32 to index
        %get3A_1331 = arith.index_cast %add3A_1328 : i32 to index
        %get3A_1332 = tpu.vector_load %arg9[%get3A_1329, %get3A_1330, %get3A_1331] {strides = array<i32>} : memref<3x128x128xf32, #tpu.memory_space<vmem>>, vector<1x1x16xf32>,
        %get3A_1333 = vector.shape_cast %get3A_1332 : vector<1x1x16xf32> to vector<16xf32>
        %get3A_1334 = arith.index_cast %select_n3A_1308 : i32 to index
        %get3A_1335 = arith.constant 16 : index
        %get3A_1336 = tpu.vector_load %arg8[%get3A_1334, %get3A_1335] {strides = array<i32>} : memref<200x64xf32, #tpu.memory_space<vmem>>, vector<1x16xf32>,
        %get3A_1337 = vector.shape_cast %get3A_1336 : vector<1x16xf32> to vector<16xf32>
        %add3A_1338 = arith.addf %get3A_1333, %get3A_1337 : vector<16xf32>
        %swap3A_1339 = arith.index_cast %select_n3A_458 : i32 to index
        %swap3A_1340 = arith.index_cast %add3A_1302 : i32 to index
        %swap3A_1341 = arith.constant 16 : index
        %swap3A_1342 = tpu.vector_load %arg10[%swap3A_1339, %swap3A_1340, %swap3A_1341] {strides = array<i32>} : memref<3x64x128xf32, #tpu.memory_space<vmem>>, vector<1x1x16xf32>,
        %swap3A_1343 = vector.shape_cast %swap3A_1342 : vector<1x1x16xf32> to vector<16xf32>
        %swap3A_1344 = vector.shape_cast %add3A_1338 : vector<16xf32> to vector<1x1x16xf32>
        tpu.vector_store %arg10[%swap3A_1339, %swap3A_1340, %swap3A_1341], %swap3A_1344 {strides = array<i32>} : memref<3x64x128xf32, #tpu.memory_space<vmem>>, vector<1x1x16xf32>,
        %add3A_1345 = arith.constant 32 : i32
        %add3A_1346 = arith.addi %squeeze3A_1298, %add3A_1345 : i32
        %get3A_1347 = arith.index_cast %select_n3A_458 : i32 to index
        %get3A_1348 = arith.index_cast %add3A_1296 : i32 to index
        %get3A_1349 = arith.index_cast %add3A_1346 : i32 to index
        %get3A_1350 = tpu.vector_load %arg9[%get3A_1347, %get3A_1348, %get3A_1349] {strides = array<i32>} : memref<3x128x128xf32, #tpu.memory_space<vmem>>, vector<1x1x16xf32>,
        %get3A_1351 = vector.shape_cast %get3A_1350 : vector<1x1x16xf32> to vector<16xf32>
        %get3A_1352 = arith.index_cast %select_n3A_1308 : i32 to index
        %get3A_1353 = arith.constant 32 : index
        %get3A_1354 = tpu.vector_load %arg8[%get3A_1352, %get3A_1353] {strides = array<i32>} : memref<200x64xf32, #tpu.memory_space<vmem>>, vector<1x16xf32>,
        %get3A_1355 = vector.shape_cast %get3A_1354 : vector<1x16xf32> to vector<16xf32>
        %add3A_1356 = arith.addf %get3A_1351, %get3A_1355 : vector<16xf32>
        %swap3A_1357 = arith.index_cast %select_n3A_458 : i32 to index
        %swap3A_1358 = arith.index_cast %add3A_1302 : i32 to index
        %swap3A_1359 = arith.constant 32 : index
        %swap3A_1360 = tpu.vector_load %arg10[%swap3A_1357, %swap3A_1358, %swap3A_1359] {strides = array<i32>} : memref<3x64x128xf32, #tpu.memory_space<vmem>>, vector<1x1x16xf32>,
        %swap3A_1361 = vector.shape_cast %swap3A_1360 : vector<1x1x16xf32> to vector<16xf32>
        %swap3A_1362 = vector.shape_cast %add3A_1356 : vector<16xf32> to vector<1x1x16xf32>
        tpu.vector_store %arg10[%swap3A_1357, %swap3A_1358, %swap3A_1359], %swap3A_1362 {strides = array<i32>} : memref<3x64x128xf32, #tpu.memory_space<vmem>>, vector<1x1x16xf32>,
        %add3A_1363 = arith.constant 48 : i32
        %add3A_1364 = arith.addi %squeeze3A_1298, %add3A_1363 : i32
        %get3A_1365 = arith.index_cast %select_n3A_458 : i32 to index
        %get3A_1366 = arith.index_cast %add3A_1296 : i32 to index
        %get3A_1367 = arith.index_cast %add3A_1364 : i32 to index
        %get3A_1368 = tpu.vector_load %arg9[%get3A_1365, %get3A_1366, %get3A_1367] {strides = array<i32>} : memref<3x128x128xf32, #tpu.memory_space<vmem>>, vector<1x1x16xf32>,
        %get3A_1369 = vector.shape_cast %get3A_1368 : vector<1x1x16xf32> to vector<16xf32>
        %get3A_1370 = arith.index_cast %select_n3A_1308 : i32 to index
        %get3A_1371 = arith.constant 48 : index
        %get3A_1372 = tpu.vector_load %arg8[%get3A_1370, %get3A_1371] {strides = array<i32>} : memref<200x64xf32, #tpu.memory_space<vmem>>, vector<1x16xf32>,
        %get3A_1373 = vector.shape_cast %get3A_1372 : vector<1x16xf32> to vector<16xf32>
        %add3A_1374 = arith.addf %get3A_1369, %get3A_1373 : vector<16xf32>
        %swap3A_1375 = arith.index_cast %select_n3A_458 : i32 to index
        %swap3A_1376 = arith.index_cast %add3A_1302 : i32 to index
        %swap3A_1377 = arith.constant 48 : index
        %swap3A_1378 = tpu.vector_load %arg10[%swap3A_1375, %swap3A_1376, %swap3A_1377] {strides = array<i32>} : memref<3x64x128xf32, #tpu.memory_space<vmem>>, vector<1x1x16xf32>,
        %swap3A_1379 = vector.shape_cast %swap3A_1378 : vector<1x1x16xf32> to vector<16xf32>
        %swap3A_1380 = vector.shape_cast %add3A_1374 : vector<16xf32> to vector<1x1x16xf32>
        tpu.vector_store %arg10[%swap3A_1375, %swap3A_1376, %swap3A_1377], %swap3A_1380 {strides = array<i32>} : memref<3x64x128xf32, #tpu.memory_space<vmem>>, vector<1x1x16xf32>,
        %add3A_1381 = arith.constant 9 : i32
        %add3A_1382 = arith.addi %mul3A_601, %add3A_1381 : i32
        %slice3A_1383 = vector.extract_strided_slice %mul3A_611 {offsets = [9], sizes = [1], strides = [1]} : vector<16xi32> to vector<1xi32>
        %squeeze3A_1384 = vector.extract %slice3A_1383[0] : i32 from vector<1xi32>
        %shift_right_arithmetic3A_1385 = arith.constant 1 : i32
        %shift_right_arithmetic3A_1386 = arith.shrsi %mul3A_601, %shift_right_arithmetic3A_1385 : i32
        %add3A_1387 = arith.constant 4 : i32
        %add3A_1388 = arith.addi %shift_right_arithmetic3A_1386, %add3A_1387 : i32
        %add3A_1389 = arith.addi %rem3A_568, %add3A_1382 : i32
        %ge3A_1390 = arith.constant 200 : i32
        %ge3A_1391 = arith.cmpi sge, %add3A_1389, %ge3A_1390 : i32
        %sub3A_1392 = arith.constant 200 : i32
        %sub3A_1393 = arith.subi %add3A_1389, %sub3A_1392 : i32
        %select_n3A_1394 = arith.select %ge3A_1391, %sub3A_1393, %add3A_1389 : i32
        %add3A_1395 = arith.constant 0 : i32
        %add3A_1396 = arith.addi %squeeze3A_1384, %add3A_1395 : i32
        %get3A_1397 = arith.index_cast %select_n3A_458 : i32 to index
        %get3A_1398 = arith.index_cast %add3A_1382 : i32 to index
        %get3A_1399 = arith.index_cast %add3A_1396 : i32 to index
        %get3A_1400 = tpu.vector_load %arg9[%get3A_1397, %get3A_1398, %get3A_1399] {strides = array<i32>} : memref<3x128x128xf32, #tpu.memory_space<vmem>>, vector<1x1x16xf32>,
        %get3A_1401 = vector.shape_cast %get3A_1400 : vector<1x1x16xf32> to vector<16xf32>
        %get3A_1402 = arith.index_cast %select_n3A_1394 : i32 to index
        %get3A_1403 = arith.constant 0 : index
        %get3A_1404 = tpu.vector_load %arg8[%get3A_1402, %get3A_1403] {strides = array<i32>} : memref<200x64xf32, #tpu.memory_space<vmem>>, vector<1x16xf32>,
        %get3A_1405 = vector.shape_cast %get3A_1404 : vector<1x16xf32> to vector<16xf32>
        %add3A_1406 = arith.addf %get3A_1401, %get3A_1405 : vector<16xf32>
        %swap3A_1407 = arith.index_cast %select_n3A_458 : i32 to index
        %swap3A_1408 = arith.index_cast %add3A_1388 : i32 to index
        %swap3A_1409 = arith.constant 64 : index
        %swap3A_1410 = tpu.vector_load %arg10[%swap3A_1407, %swap3A_1408, %swap3A_1409] {strides = array<i32>} : memref<3x64x128xf32, #tpu.memory_space<vmem>>, vector<1x1x16xf32>,
        %swap3A_1411 = vector.shape_cast %swap3A_1410 : vector<1x1x16xf32> to vector<16xf32>
        %swap3A_1412 = vector.shape_cast %add3A_1406 : vector<16xf32> to vector<1x1x16xf32>
        tpu.vector_store %arg10[%swap3A_1407, %swap3A_1408, %swap3A_1409], %swap3A_1412 {strides = array<i32>} : memref<3x64x128xf32, #tpu.memory_space<vmem>>, vector<1x1x16xf32>,
        %add3A_1413 = arith.constant 16 : i32
        %add3A_1414 = arith.addi %squeeze3A_1384, %add3A_1413 : i32
        %get3A_1415 = arith.index_cast %select_n3A_458 : i32 to index
        %get3A_1416 = arith.index_cast %add3A_1382 : i32 to index
        %get3A_1417 = arith.index_cast %add3A_1414 : i32 to index
        %get3A_1418 = tpu.vector_load %arg9[%get3A_1415, %get3A_1416, %get3A_1417] {strides = array<i32>} : memref<3x128x128xf32, #tpu.memory_space<vmem>>, vector<1x1x16xf32>,
        %get3A_1419 = vector.shape_cast %get3A_1418 : vector<1x1x16xf32> to vector<16xf32>
        %get3A_1420 = arith.index_cast %select_n3A_1394 : i32 to index
        %get3A_1421 = arith.constant 16 : index
        %get3A_1422 = tpu.vector_load %arg8[%get3A_1420, %get3A_1421] {strides = array<i32>} : memref<200x64xf32, #tpu.memory_space<vmem>>, vector<1x16xf32>,
        %get3A_1423 = vector.shape_cast %get3A_1422 : vector<1x16xf32> to vector<16xf32>
        %add3A_1424 = arith.addf %get3A_1419, %get3A_1423 : vector<16xf32>
        %swap3A_1425 = arith.index_cast %select_n3A_458 : i32 to index
        %swap3A_1426 = arith.index_cast %add3A_1388 : i32 to index
        %swap3A_1427 = arith.constant 80 : index
        %swap3A_1428 = tpu.vector_load %arg10[%swap3A_1425, %swap3A_1426, %swap3A_1427] {strides = array<i32>} : memref<3x64x128xf32, #tpu.memory_space<vmem>>, vector<1x1x16xf32>,
        %swap3A_1429 = vector.shape_cast %swap3A_1428 : vector<1x1x16xf32> to vector<16xf32>
        %swap3A_1430 = vector.shape_cast %add3A_1424 : vector<16xf32> to vector<1x1x16xf32>
        tpu.vector_store %arg10[%swap3A_1425, %swap3A_1426, %swap3A_1427], %swap3A_1430 {strides = array<i32>} : memref<3x64x128xf32, #tpu.memory_space<vmem>>, vector<1x1x16xf32>,
        %add3A_1431 = arith.constant 32 : i32
        %add3A_1432 = arith.addi %squeeze3A_1384, %add3A_1431 : i32
        %get3A_1433 = arith.index_cast %select_n3A_458 : i32 to index
        %get3A_1434 = arith.index_cast %add3A_1382 : i32 to index
        %get3A_1435 = arith.index_cast %add3A_1432 : i32 to index
        %get3A_1436 = tpu.vector_load %arg9[%get3A_1433, %get3A_1434, %get3A_1435] {strides = array<i32>} : memref<3x128x128xf32, #tpu.memory_space<vmem>>, vector<1x1x16xf32>,
        %get3A_1437 = vector.shape_cast %get3A_1436 : vector<1x1x16xf32> to vector<16xf32>
        %get3A_1438 = arith.index_cast %select_n3A_1394 : i32 to index
        %get3A_1439 = arith.constant 32 : index
        %get3A_1440 = tpu.vector_load %arg8[%get3A_1438, %get3A_1439] {strides = array<i32>} : memref<200x64xf32, #tpu.memory_space<vmem>>, vector<1x16xf32>,
        %get3A_1441 = vector.shape_cast %get3A_1440 : vector<1x16xf32> to vector<16xf32>
        %add3A_1442 = arith.addf %get3A_1437, %get3A_1441 : vector<16xf32>
        %swap3A_1443 = arith.index_cast %select_n3A_458 : i32 to index
        %swap3A_1444 = arith.index_cast %add3A_1388 : i32 to index
        %swap3A_1445 = arith.constant 96 : index
        %swap3A_1446 = tpu.vector_load %arg10[%swap3A_1443, %swap3A_1444, %swap3A_1445] {strides = array<i32>} : memref<3x64x128xf32, #tpu.memory_space<vmem>>, vector<1x1x16xf32>,
        %swap3A_1447 = vector.shape_cast %swap3A_1446 : vector<1x1x16xf32> to vector<16xf32>
        %swap3A_1448 = vector.shape_cast %add3A_1442 : vector<16xf32> to vector<1x1x16xf32>
        tpu.vector_store %arg10[%swap3A_1443, %swap3A_1444, %swap3A_1445], %swap3A_1448 {strides = array<i32>} : memref<3x64x128xf32, #tpu.memory_space<vmem>>, vector<1x1x16xf32>,
        %add3A_1449 = arith.constant 48 : i32
        %add3A_1450 = arith.addi %squeeze3A_1384, %add3A_1449 : i32
        %get3A_1451 = arith.index_cast %select_n3A_458 : i32 to index
        %get3A_1452 = arith.index_cast %add3A_1382 : i32 to index
        %get3A_1453 = arith.index_cast %add3A_1450 : i32 to index
        %get3A_1454 = tpu.vector_load %arg9[%get3A_1451, %get3A_1452, %get3A_1453] {strides = array<i32>} : memref<3x128x128xf32, #tpu.memory_space<vmem>>, vector<1x1x16xf32>,
        %get3A_1455 = vector.shape_cast %get3A_1454 : vector<1x1x16xf32> to vector<16xf32>
        %get3A_1456 = arith.index_cast %select_n3A_1394 : i32 to index
        %get3A_1457 = arith.constant 48 : index
        %get3A_1458 = tpu.vector_load %arg8[%get3A_1456, %get3A_1457] {strides = array<i32>} : memref<200x64xf32, #tpu.memory_space<vmem>>, vector<1x16xf32>,
        %get3A_1459 = vector.shape_cast %get3A_1458 : vector<1x16xf32> to vector<16xf32>
        %add3A_1460 = arith.addf %get3A_1455, %get3A_1459 : vector<16xf32>
        %swap3A_1461 = arith.index_cast %select_n3A_458 : i32 to index
        %swap3A_1462 = arith.index_cast %add3A_1388 : i32 to index
        %swap3A_1463 = arith.constant 112 : index
        %swap3A_1464 = tpu.vector_load %arg10[%swap3A_1461, %swap3A_1462, %swap3A_1463] {strides = array<i32>} : memref<3x64x128xf32, #tpu.memory_space<vmem>>, vector<1x1x16xf32>,
        %swap3A_1465 = vector.shape_cast %swap3A_1464 : vector<1x1x16xf32> to vector<16xf32>
        %swap3A_1466 = vector.shape_cast %add3A_1460 : vector<16xf32> to vector<1x1x16xf32>
        tpu.vector_store %arg10[%swap3A_1461, %swap3A_1462, %swap3A_1463], %swap3A_1466 {strides = array<i32>} : memref<3x64x128xf32, #tpu.memory_space<vmem>>, vector<1x1x16xf32>,
        %add3A_1467 = arith.constant 10 : i32
        %add3A_1468 = arith.addi %mul3A_601, %add3A_1467 : i32
        %slice3A_1469 = vector.extract_strided_slice %mul3A_611 {offsets = [10], sizes = [1], strides = [1]} : vector<16xi32> to vector<1xi32>
        %squeeze3A_1470 = vector.extract %slice3A_1469[0] : i32 from vector<1xi32>
        %shift_right_arithmetic3A_1471 = arith.constant 1 : i32
        %shift_right_arithmetic3A_1472 = arith.shrsi %mul3A_601, %shift_right_arithmetic3A_1471 : i32
        %add3A_1473 = arith.constant 5 : i32
        %add3A_1474 = arith.addi %shift_right_arithmetic3A_1472, %add3A_1473 : i32
        %add3A_1475 = arith.addi %rem3A_568, %add3A_1468 : i32
        %ge3A_1476 = arith.constant 200 : i32
        %ge3A_1477 = arith.cmpi sge, %add3A_1475, %ge3A_1476 : i32
        %sub3A_1478 = arith.constant 200 : i32
        %sub3A_1479 = arith.subi %add3A_1475, %sub3A_1478 : i32
        %select_n3A_1480 = arith.select %ge3A_1477, %sub3A_1479, %add3A_1475 : i32
        %add3A_1481 = arith.constant 0 : i32
        %add3A_1482 = arith.addi %squeeze3A_1470, %add3A_1481 : i32
        %get3A_1483 = arith.index_cast %select_n3A_458 : i32 to index
        %get3A_1484 = arith.index_cast %add3A_1468 : i32 to index
        %get3A_1485 = arith.index_cast %add3A_1482 : i32 to index
        %get3A_1486 = tpu.vector_load %arg9[%get3A_1483, %get3A_1484, %get3A_1485] {strides = array<i32>} : memref<3x128x128xf32, #tpu.memory_space<vmem>>, vector<1x1x16xf32>,
        %get3A_1487 = vector.shape_cast %get3A_1486 : vector<1x1x16xf32> to vector<16xf32>
        %get3A_1488 = arith.index_cast %select_n3A_1480 : i32 to index
        %get3A_1489 = arith.constant 0 : index
        %get3A_1490 = tpu.vector_load %arg8[%get3A_1488, %get3A_1489] {strides = array<i32>} : memref<200x64xf32, #tpu.memory_space<vmem>>, vector<1x16xf32>,
        %get3A_1491 = vector.shape_cast %get3A_1490 : vector<1x16xf32> to vector<16xf32>
        %add3A_1492 = arith.addf %get3A_1487, %get3A_1491 : vector<16xf32>
        %swap3A_1493 = arith.index_cast %select_n3A_458 : i32 to index
        %swap3A_1494 = arith.index_cast %add3A_1474 : i32 to index
        %swap3A_1495 = arith.constant 0 : index
        %swap3A_1496 = tpu.vector_load %arg10[%swap3A_1493, %swap3A_1494, %swap3A_1495] {strides = array<i32>} : memref<3x64x128xf32, #tpu.memory_space<vmem>>, vector<1x1x16xf32>,
        %swap3A_1497 = vector.shape_cast %swap3A_1496 : vector<1x1x16xf32> to vector<16xf32>
        %swap3A_1498 = vector.shape_cast %add3A_1492 : vector<16xf32> to vector<1x1x16xf32>
        tpu.vector_store %arg10[%swap3A_1493, %swap3A_1494, %swap3A_1495], %swap3A_1498 {strides = array<i32>} : memref<3x64x128xf32, #tpu.memory_space<vmem>>, vector<1x1x16xf32>,
        %add3A_1499 = arith.constant 16 : i32
        %add3A_1500 = arith.addi %squeeze3A_1470, %add3A_1499 : i32
        %get3A_1501 = arith.index_cast %select_n3A_458 : i32 to index
        %get3A_1502 = arith.index_cast %add3A_1468 : i32 to index
        %get3A_1503 = arith.index_cast %add3A_1500 : i32 to index
        %get3A_1504 = tpu.vector_load %arg9[%get3A_1501, %get3A_1502, %get3A_1503] {strides = array<i32>} : memref<3x128x128xf32, #tpu.memory_space<vmem>>, vector<1x1x16xf32>,
        %get3A_1505 = vector.shape_cast %get3A_1504 : vector<1x1x16xf32> to vector<16xf32>
        %get3A_1506 = arith.index_cast %select_n3A_1480 : i32 to index
        %get3A_1507 = arith.constant 16 : index
        %get3A_1508 = tpu.vector_load %arg8[%get3A_1506, %get3A_1507] {strides = array<i32>} : memref<200x64xf32, #tpu.memory_space<vmem>>, vector<1x16xf32>,
        %get3A_1509 = vector.shape_cast %get3A_1508 : vector<1x16xf32> to vector<16xf32>
        %add3A_1510 = arith.addf %get3A_1505, %get3A_1509 : vector<16xf32>
        %swap3A_1511 = arith.index_cast %select_n3A_458 : i32 to index
        %swap3A_1512 = arith.index_cast %add3A_1474 : i32 to index
        %swap3A_1513 = arith.constant 16 : index
        %swap3A_1514 = tpu.vector_load %arg10[%swap3A_1511, %swap3A_1512, %swap3A_1513] {strides = array<i32>} : memref<3x64x128xf32, #tpu.memory_space<vmem>>, vector<1x1x16xf32>,
        %swap3A_1515 = vector.shape_cast %swap3A_1514 : vector<1x1x16xf32> to vector<16xf32>
        %swap3A_1516 = vector.shape_cast %add3A_1510 : vector<16xf32> to vector<1x1x16xf32>
        tpu.vector_store %arg10[%swap3A_1511, %swap3A_1512, %swap3A_1513], %swap3A_1516 {strides = array<i32>} : memref<3x64x128xf32, #tpu.memory_space<vmem>>, vector<1x1x16xf32>,
        %add3A_1517 = arith.constant 32 : i32
        %add3A_1518 = arith.addi %squeeze3A_1470, %add3A_1517 : i32
        %get3A_1519 = arith.index_cast %select_n3A_458 : i32 to index
        %get3A_1520 = arith.index_cast %add3A_1468 : i32 to index
        %get3A_1521 = arith.index_cast %add3A_1518 : i32 to index
        %get3A_1522 = tpu.vector_load %arg9[%get3A_1519, %get3A_1520, %get3A_1521] {strides = array<i32>} : memref<3x128x128xf32, #tpu.memory_space<vmem>>, vector<1x1x16xf32>,
        %get3A_1523 = vector.shape_cast %get3A_1522 : vector<1x1x16xf32> to vector<16xf32>
        %get3A_1524 = arith.index_cast %select_n3A_1480 : i32 to index
        %get3A_1525 = arith.constant 32 : index
        %get3A_1526 = tpu.vector_load %arg8[%get3A_1524, %get3A_1525] {strides = array<i32>} : memref<200x64xf32, #tpu.memory_space<vmem>>, vector<1x16xf32>,
        %get3A_1527 = vector.shape_cast %get3A_1526 : vector<1x16xf32> to vector<16xf32>
        %add3A_1528 = arith.addf %get3A_1523, %get3A_1527 : vector<16xf32>
        %swap3A_1529 = arith.index_cast %select_n3A_458 : i32 to index
        %swap3A_1530 = arith.index_cast %add3A_1474 : i32 to index
        %swap3A_1531 = arith.constant 32 : index
        %swap3A_1532 = tpu.vector_load %arg10[%swap3A_1529, %swap3A_1530, %swap3A_1531] {strides = array<i32>} : memref<3x64x128xf32, #tpu.memory_space<vmem>>, vector<1x1x16xf32>,
        %swap3A_1533 = vector.shape_cast %swap3A_1532 : vector<1x1x16xf32> to vector<16xf32>
        %swap3A_1534 = vector.shape_cast %add3A_1528 : vector<16xf32> to vector<1x1x16xf32>
        tpu.vector_store %arg10[%swap3A_1529, %swap3A_1530, %swap3A_1531], %swap3A_1534 {strides = array<i32>} : memref<3x64x128xf32, #tpu.memory_space<vmem>>, vector<1x1x16xf32>,
        %add3A_1535 = arith.constant 48 : i32
        %add3A_1536 = arith.addi %squeeze3A_1470, %add3A_1535 : i32
        %get3A_1537 = arith.index_cast %select_n3A_458 : i32 to index
        %get3A_1538 = arith.index_cast %add3A_1468 : i32 to index
        %get3A_1539 = arith.index_cast %add3A_1536 : i32 to index
        %get3A_1540 = tpu.vector_load %arg9[%get3A_1537, %get3A_1538, %get3A_1539] {strides = array<i32>} : memref<3x128x128xf32, #tpu.memory_space<vmem>>, vector<1x1x16xf32>,
        %get3A_1541 = vector.shape_cast %get3A_1540 : vector<1x1x16xf32> to vector<16xf32>
        %get3A_1542 = arith.index_cast %select_n3A_1480 : i32 to index
        %get3A_1543 = arith.constant 48 : index
        %get3A_1544 = tpu.vector_load %arg8[%get3A_1542, %get3A_1543] {strides = array<i32>} : memref<200x64xf32, #tpu.memory_space<vmem>>, vector<1x16xf32>,
        %get3A_1545 = vector.shape_cast %get3A_1544 : vector<1x16xf32> to vector<16xf32>
        %add3A_1546 = arith.addf %get3A_1541, %get3A_1545 : vector<16xf32>
        %swap3A_1547 = arith.index_cast %select_n3A_458 : i32 to index
        %swap3A_1548 = arith.index_cast %add3A_1474 : i32 to index
        %swap3A_1549 = arith.constant 48 : index
        %swap3A_1550 = tpu.vector_load %arg10[%swap3A_1547, %swap3A_1548, %swap3A_1549] {strides = array<i32>} : memref<3x64x128xf32, #tpu.memory_space<vmem>>, vector<1x1x16xf32>,
        %swap3A_1551 = vector.shape_cast %swap3A_1550 : vector<1x1x16xf32> to vector<16xf32>
        %swap3A_1552 = vector.shape_cast %add3A_1546 : vector<16xf32> to vector<1x1x16xf32>
        tpu.vector_store %arg10[%swap3A_1547, %swap3A_1548, %swap3A_1549], %swap3A_1552 {strides = array<i32>} : memref<3x64x128xf32, #tpu.memory_space<vmem>>, vector<1x1x16xf32>,
        %add3A_1553 = arith.constant 11 : i32
        %add3A_1554 = arith.addi %mul3A_601, %add3A_1553 : i32
        %slice3A_1555 = vector.extract_strided_slice %mul3A_611 {offsets = [11], sizes = [1], strides = [1]} : vector<16xi32> to vector<1xi32>
        %squeeze3A_1556 = vector.extract %slice3A_1555[0] : i32 from vector<1xi32>
        %shift_right_arithmetic3A_1557 = arith.constant 1 : i32
        %shift_right_arithmetic3A_1558 = arith.shrsi %mul3A_601, %shift_right_arithmetic3A_1557 : i32
        %add3A_1559 = arith.constant 5 : i32
        %add3A_1560 = arith.addi %shift_right_arithmetic3A_1558, %add3A_1559 : i32
        %add3A_1561 = arith.addi %rem3A_568, %add3A_1554 : i32
        %ge3A_1562 = arith.constant 200 : i32
        %ge3A_1563 = arith.cmpi sge, %add3A_1561, %ge3A_1562 : i32
        %sub3A_1564 = arith.constant 200 : i32
        %sub3A_1565 = arith.subi %add3A_1561, %sub3A_1564 : i32
        %select_n3A_1566 = arith.select %ge3A_1563, %sub3A_1565, %add3A_1561 : i32
        %add3A_1567 = arith.constant 0 : i32
        %add3A_1568 = arith.addi %squeeze3A_1556, %add3A_1567 : i32
        %get3A_1569 = arith.index_cast %select_n3A_458 : i32 to index
        %get3A_1570 = arith.index_cast %add3A_1554 : i32 to index
        %get3A_1571 = arith.index_cast %add3A_1568 : i32 to index
        %get3A_1572 = tpu.vector_load %arg9[%get3A_1569, %get3A_1570, %get3A_1571] {strides = array<i32>} : memref<3x128x128xf32, #tpu.memory_space<vmem>>, vector<1x1x16xf32>,
        %get3A_1573 = vector.shape_cast %get3A_1572 : vector<1x1x16xf32> to vector<16xf32>
        %get3A_1574 = arith.index_cast %select_n3A_1566 : i32 to index
        %get3A_1575 = arith.constant 0 : index
        %get3A_1576 = tpu.vector_load %arg8[%get3A_1574, %get3A_1575] {strides = array<i32>} : memref<200x64xf32, #tpu.memory_space<vmem>>, vector<1x16xf32>,
        %get3A_1577 = vector.shape_cast %get3A_1576 : vector<1x16xf32> to vector<16xf32>
        %add3A_1578 = arith.addf %get3A_1573, %get3A_1577 : vector<16xf32>
        %swap3A_1579 = arith.index_cast %select_n3A_458 : i32 to index
        %swap3A_1580 = arith.index_cast %add3A_1560 : i32 to index
        %swap3A_1581 = arith.constant 64 : index
        %swap3A_1582 = tpu.vector_load %arg10[%swap3A_1579, %swap3A_1580, %swap3A_1581] {strides = array<i32>} : memref<3x64x128xf32, #tpu.memory_space<vmem>>, vector<1x1x16xf32>,
        %swap3A_1583 = vector.shape_cast %swap3A_1582 : vector<1x1x16xf32> to vector<16xf32>
        %swap3A_1584 = vector.shape_cast %add3A_1578 : vector<16xf32> to vector<1x1x16xf32>
        tpu.vector_store %arg10[%swap3A_1579, %swap3A_1580, %swap3A_1581], %swap3A_1584 {strides = array<i32>} : memref<3x64x128xf32, #tpu.memory_space<vmem>>, vector<1x1x16xf32>,
        %add3A_1585 = arith.constant 16 : i32
        %add3A_1586 = arith.addi %squeeze3A_1556, %add3A_1585 : i32
        %get3A_1587 = arith.index_cast %select_n3A_458 : i32 to index
        %get3A_1588 = arith.index_cast %add3A_1554 : i32 to index
        %get3A_1589 = arith.index_cast %add3A_1586 : i32 to index
        %get3A_1590 = tpu.vector_load %arg9[%get3A_1587, %get3A_1588, %get3A_1589] {strides = array<i32>} : memref<3x128x128xf32, #tpu.memory_space<vmem>>, vector<1x1x16xf32>,
        %get3A_1591 = vector.shape_cast %get3A_1590 : vector<1x1x16xf32> to vector<16xf32>
        %get3A_1592 = arith.index_cast %select_n3A_1566 : i32 to index
        %get3A_1593 = arith.constant 16 : index
        %get3A_1594 = tpu.vector_load %arg8[%get3A_1592, %get3A_1593] {strides = array<i32>} : memref<200x64xf32, #tpu.memory_space<vmem>>, vector<1x16xf32>,
        %get3A_1595 = vector.shape_cast %get3A_1594 : vector<1x16xf32> to vector<16xf32>
        %add3A_1596 = arith.addf %get3A_1591, %get3A_1595 : vector<16xf32>
        %swap3A_1597 = arith.index_cast %select_n3A_458 : i32 to index
        %swap3A_1598 = arith.index_cast %add3A_1560 : i32 to index
        %swap3A_1599 = arith.constant 80 : index
        %swap3A_1600 = tpu.vector_load %arg10[%swap3A_1597, %swap3A_1598, %swap3A_1599] {strides = array<i32>} : memref<3x64x128xf32, #tpu.memory_space<vmem>>, vector<1x1x16xf32>,
        %swap3A_1601 = vector.shape_cast %swap3A_1600 : vector<1x1x16xf32> to vector<16xf32>
        %swap3A_1602 = vector.shape_cast %add3A_1596 : vector<16xf32> to vector<1x1x16xf32>
        tpu.vector_store %arg10[%swap3A_1597, %swap3A_1598, %swap3A_1599], %swap3A_1602 {strides = array<i32>} : memref<3x64x128xf32, #tpu.memory_space<vmem>>, vector<1x1x16xf32>,
        %add3A_1603 = arith.constant 32 : i32
        %add3A_1604 = arith.addi %squeeze3A_1556, %add3A_1603 : i32
        %get3A_1605 = arith.index_cast %select_n3A_458 : i32 to index
        %get3A_1606 = arith.index_cast %add3A_1554 : i32 to index
        %get3A_1607 = arith.index_cast %add3A_1604 : i32 to index
        %get3A_1608 = tpu.vector_load %arg9[%get3A_1605, %get3A_1606, %get3A_1607] {strides = array<i32>} : memref<3x128x128xf32, #tpu.memory_space<vmem>>, vector<1x1x16xf32>,
        %get3A_1609 = vector.shape_cast %get3A_1608 : vector<1x1x16xf32> to vector<16xf32>
        %get3A_1610 = arith.index_cast %select_n3A_1566 : i32 to index
        %get3A_1611 = arith.constant 32 : index
        %get3A_1612 = tpu.vector_load %arg8[%get3A_1610, %get3A_1611] {strides = array<i32>} : memref<200x64xf32, #tpu.memory_space<vmem>>, vector<1x16xf32>,
        %get3A_1613 = vector.shape_cast %get3A_1612 : vector<1x16xf32> to vector<16xf32>
        %add3A_1614 = arith.addf %get3A_1609, %get3A_1613 : vector<16xf32>
        %swap3A_1615 = arith.index_cast %select_n3A_458 : i32 to index
        %swap3A_1616 = arith.index_cast %add3A_1560 : i32 to index
        %swap3A_1617 = arith.constant 96 : index
        %swap3A_1618 = tpu.vector_load %arg10[%swap3A_1615, %swap3A_1616, %swap3A_1617] {strides = array<i32>} : memref<3x64x128xf32, #tpu.memory_space<vmem>>, vector<1x1x16xf32>,
        %swap3A_1619 = vector.shape_cast %swap3A_1618 : vector<1x1x16xf32> to vector<16xf32>
        %swap3A_1620 = vector.shape_cast %add3A_1614 : vector<16xf32> to vector<1x1x16xf32>
        tpu.vector_store %arg10[%swap3A_1615, %swap3A_1616, %swap3A_1617], %swap3A_1620 {strides = array<i32>} : memref<3x64x128xf32, #tpu.memory_space<vmem>>, vector<1x1x16xf32>,
        %add3A_1621 = arith.constant 48 : i32
        %add3A_1622 = arith.addi %squeeze3A_1556, %add3A_1621 : i32
        %get3A_1623 = arith.index_cast %select_n3A_458 : i32 to index
        %get3A_1624 = arith.index_cast %add3A_1554 : i32 to index
        %get3A_1625 = arith.index_cast %add3A_1622 : i32 to index
        %get3A_1626 = tpu.vector_load %arg9[%get3A_1623, %get3A_1624, %get3A_1625] {strides = array<i32>} : memref<3x128x128xf32, #tpu.memory_space<vmem>>, vector<1x1x16xf32>,
        %get3A_1627 = vector.shape_cast %get3A_1626 : vector<1x1x16xf32> to vector<16xf32>
        %get3A_1628 = arith.index_cast %select_n3A_1566 : i32 to index
        %get3A_1629 = arith.constant 48 : index
        %get3A_1630 = tpu.vector_load %arg8[%get3A_1628, %get3A_1629] {strides = array<i32>} : memref<200x64xf32, #tpu.memory_space<vmem>>, vector<1x16xf32>,
        %get3A_1631 = vector.shape_cast %get3A_1630 : vector<1x16xf32> to vector<16xf32>
        %add3A_1632 = arith.addf %get3A_1627, %get3A_1631 : vector<16xf32>
        %swap3A_1633 = arith.index_cast %select_n3A_458 : i32 to index
        %swap3A_1634 = arith.index_cast %add3A_1560 : i32 to index
        %swap3A_1635 = arith.constant 112 : index
        %swap3A_1636 = tpu.vector_load %arg10[%swap3A_1633, %swap3A_1634, %swap3A_1635] {strides = array<i32>} : memref<3x64x128xf32, #tpu.memory_space<vmem>>, vector<1x1x16xf32>,
        %swap3A_1637 = vector.shape_cast %swap3A_1636 : vector<1x1x16xf32> to vector<16xf32>
        %swap3A_1638 = vector.shape_cast %add3A_1632 : vector<16xf32> to vector<1x1x16xf32>
        tpu.vector_store %arg10[%swap3A_1633, %swap3A_1634, %swap3A_1635], %swap3A_1638 {strides = array<i32>} : memref<3x64x128xf32, #tpu.memory_space<vmem>>, vector<1x1x16xf32>,
        %add3A_1639 = arith.constant 12 : i32
        %add3A_1640 = arith.addi %mul3A_601, %add3A_1639 : i32
        %slice3A_1641 = vector.extract_strided_slice %mul3A_611 {offsets = [12], sizes = [1], strides = [1]} : vector<16xi32> to vector<1xi32>
        %squeeze3A_1642 = vector.extract %slice3A_1641[0] : i32 from vector<1xi32>
        %shift_right_arithmetic3A_1643 = arith.constant 1 : i32
        %shift_right_arithmetic3A_1644 = arith.shrsi %mul3A_601, %shift_right_arithmetic3A_1643 : i32
        %add3A_1645 = arith.constant 6 : i32
        %add3A_1646 = arith.addi %shift_right_arithmetic3A_1644, %add3A_1645 : i32
        %add3A_1647 = arith.addi %rem3A_568, %add3A_1640 : i32
        %ge3A_1648 = arith.constant 200 : i32
        %ge3A_1649 = arith.cmpi sge, %add3A_1647, %ge3A_1648 : i32
        %sub3A_1650 = arith.constant 200 : i32
        %sub3A_1651 = arith.subi %add3A_1647, %sub3A_1650 : i32
        %select_n3A_1652 = arith.select %ge3A_1649, %sub3A_1651, %add3A_1647 : i32
        %add3A_1653 = arith.constant 0 : i32
        %add3A_1654 = arith.addi %squeeze3A_1642, %add3A_1653 : i32
        %get3A_1655 = arith.index_cast %select_n3A_458 : i32 to index
        %get3A_1656 = arith.index_cast %add3A_1640 : i32 to index
        %get3A_1657 = arith.index_cast %add3A_1654 : i32 to index
        %get3A_1658 = tpu.vector_load %arg9[%get3A_1655, %get3A_1656, %get3A_1657] {strides = array<i32>} : memref<3x128x128xf32, #tpu.memory_space<vmem>>, vector<1x1x16xf32>,
        %get3A_1659 = vector.shape_cast %get3A_1658 : vector<1x1x16xf32> to vector<16xf32>
        %get3A_1660 = arith.index_cast %select_n3A_1652 : i32 to index
        %get3A_1661 = arith.constant 0 : index
        %get3A_1662 = tpu.vector_load %arg8[%get3A_1660, %get3A_1661] {strides = array<i32>} : memref<200x64xf32, #tpu.memory_space<vmem>>, vector<1x16xf32>,
        %get3A_1663 = vector.shape_cast %get3A_1662 : vector<1x16xf32> to vector<16xf32>
        %add3A_1664 = arith.addf %get3A_1659, %get3A_1663 : vector<16xf32>
        %swap3A_1665 = arith.index_cast %select_n3A_458 : i32 to index
        %swap3A_1666 = arith.index_cast %add3A_1646 : i32 to index
        %swap3A_1667 = arith.constant 0 : index
        %swap3A_1668 = tpu.vector_load %arg10[%swap3A_1665, %swap3A_1666, %swap3A_1667] {strides = array<i32>} : memref<3x64x128xf32, #tpu.memory_space<vmem>>, vector<1x1x16xf32>,
        %swap3A_1669 = vector.shape_cast %swap3A_1668 : vector<1x1x16xf32> to vector<16xf32>
        %swap3A_1670 = vector.shape_cast %add3A_1664 : vector<16xf32> to vector<1x1x16xf32>
        tpu.vector_store %arg10[%swap3A_1665, %swap3A_1666, %swap3A_1667], %swap3A_1670 {strides = array<i32>} : memref<3x64x128xf32, #tpu.memory_space<vmem>>, vector<1x1x16xf32>,
        %add3A_1671 = arith.constant 16 : i32
        %add3A_1672 = arith.addi %squeeze3A_1642, %add3A_1671 : i32
        %get3A_1673 = arith.index_cast %select_n3A_458 : i32 to index
        %get3A_1674 = arith.index_cast %add3A_1640 : i32 to index
        %get3A_1675 = arith.index_cast %add3A_1672 : i32 to index
        %get3A_1676 = tpu.vector_load %arg9[%get3A_1673, %get3A_1674, %get3A_1675] {strides = array<i32>} : memref<3x128x128xf32, #tpu.memory_space<vmem>>, vector<1x1x16xf32>,
        %get3A_1677 = vector.shape_cast %get3A_1676 : vector<1x1x16xf32> to vector<16xf32>
        %get3A_1678 = arith.index_cast %select_n3A_1652 : i32 to index
        %get3A_1679 = arith.constant 16 : index
        %get3A_1680 = tpu.vector_load %arg8[%get3A_1678, %get3A_1679] {strides = array<i32>} : memref<200x64xf32, #tpu.memory_space<vmem>>, vector<1x16xf32>,
        %get3A_1681 = vector.shape_cast %get3A_1680 : vector<1x16xf32> to vector<16xf32>
        %add3A_1682 = arith.addf %get3A_1677, %get3A_1681 : vector<16xf32>
        %swap3A_1683 = arith.index_cast %select_n3A_458 : i32 to index
        %swap3A_1684 = arith.index_cast %add3A_1646 : i32 to index
        %swap3A_1685 = arith.constant 16 : index
        %swap3A_1686 = tpu.vector_load %arg10[%swap3A_1683, %swap3A_1684, %swap3A_1685] {strides = array<i32>} : memref<3x64x128xf32, #tpu.memory_space<vmem>>, vector<1x1x16xf32>,
        %swap3A_1687 = vector.shape_cast %swap3A_1686 : vector<1x1x16xf32> to vector<16xf32>
        %swap3A_1688 = vector.shape_cast %add3A_1682 : vector<16xf32> to vector<1x1x16xf32>
        tpu.vector_store %arg10[%swap3A_1683, %swap3A_1684, %swap3A_1685], %swap3A_1688 {strides = array<i32>} : memref<3x64x128xf32, #tpu.memory_space<vmem>>, vector<1x1x16xf32>,
        %add3A_1689 = arith.constant 32 : i32
        %add3A_1690 = arith.addi %squeeze3A_1642, %add3A_1689 : i32
        %get3A_1691 = arith.index_cast %select_n3A_458 : i32 to index
        %get3A_1692 = arith.index_cast %add3A_1640 : i32 to index
        %get3A_1693 = arith.index_cast %add3A_1690 : i32 to index
        %get3A_1694 = tpu.vector_load %arg9[%get3A_1691, %get3A_1692, %get3A_1693] {strides = array<i32>} : memref<3x128x128xf32, #tpu.memory_space<vmem>>, vector<1x1x16xf32>,
        %get3A_1695 = vector.shape_cast %get3A_1694 : vector<1x1x16xf32> to vector<16xf32>
        %get3A_1696 = arith.index_cast %select_n3A_1652 : i32 to index
        %get3A_1697 = arith.constant 32 : index
        %get3A_1698 = tpu.vector_load %arg8[%get3A_1696, %get3A_1697] {strides = array<i32>} : memref<200x64xf32, #tpu.memory_space<vmem>>, vector<1x16xf32>,
        %get3A_1699 = vector.shape_cast %get3A_1698 : vector<1x16xf32> to vector<16xf32>
        %add3A_1700 = arith.addf %get3A_1695, %get3A_1699 : vector<16xf32>
        %swap3A_1701 = arith.index_cast %select_n3A_458 : i32 to index
        %swap3A_1702 = arith.index_cast %add3A_1646 : i32 to index
        %swap3A_1703 = arith.constant 32 : index
        %swap3A_1704 = tpu.vector_load %arg10[%swap3A_1701, %swap3A_1702, %swap3A_1703] {strides = array<i32>} : memref<3x64x128xf32, #tpu.memory_space<vmem>>, vector<1x1x16xf32>,
        %swap3A_1705 = vector.shape_cast %swap3A_1704 : vector<1x1x16xf32> to vector<16xf32>
        %swap3A_1706 = vector.shape_cast %add3A_1700 : vector<16xf32> to vector<1x1x16xf32>
        tpu.vector_store %arg10[%swap3A_1701, %swap3A_1702, %swap3A_1703], %swap3A_1706 {strides = array<i32>} : memref<3x64x128xf32, #tpu.memory_space<vmem>>, vector<1x1x16xf32>,
        %add3A_1707 = arith.constant 48 : i32
        %add3A_1708 = arith.addi %squeeze3A_1642, %add3A_1707 : i32
        %get3A_1709 = arith.index_cast %select_n3A_458 : i32 to index
        %get3A_1710 = arith.index_cast %add3A_1640 : i32 to index
        %get3A_1711 = arith.index_cast %add3A_1708 : i32 to index
        %get3A_1712 = tpu.vector_load %arg9[%get3A_1709, %get3A_1710, %get3A_1711] {strides = array<i32>} : memref<3x128x128xf32, #tpu.memory_space<vmem>>, vector<1x1x16xf32>,
        %get3A_1713 = vector.shape_cast %get3A_1712 : vector<1x1x16xf32> to vector<16xf32>
        %get3A_1714 = arith.index_cast %select_n3A_1652 : i32 to index
        %get3A_1715 = arith.constant 48 : index
        %get3A_1716 = tpu.vector_load %arg8[%get3A_1714, %get3A_1715] {strides = array<i32>} : memref<200x64xf32, #tpu.memory_space<vmem>>, vector<1x16xf32>,
        %get3A_1717 = vector.shape_cast %get3A_1716 : vector<1x16xf32> to vector<16xf32>
        %add3A_1718 = arith.addf %get3A_1713, %get3A_1717 : vector<16xf32>
        %swap3A_1719 = arith.index_cast %select_n3A_458 : i32 to index
        %swap3A_1720 = arith.index_cast %add3A_1646 : i32 to index
        %swap3A_1721 = arith.constant 48 : index
        %swap3A_1722 = tpu.vector_load %arg10[%swap3A_1719, %swap3A_1720, %swap3A_1721] {strides = array<i32>} : memref<3x64x128xf32, #tpu.memory_space<vmem>>, vector<1x1x16xf32>,
        %swap3A_1723 = vector.shape_cast %swap3A_1722 : vector<1x1x16xf32> to vector<16xf32>
        %swap3A_1724 = vector.shape_cast %add3A_1718 : vector<16xf32> to vector<1x1x16xf32>
        tpu.vector_store %arg10[%swap3A_1719, %swap3A_1720, %swap3A_1721], %swap3A_1724 {strides = array<i32>} : memref<3x64x128xf32, #tpu.memory_space<vmem>>, vector<1x1x16xf32>,
        %add3A_1725 = arith.constant 13 : i32
        %add3A_1726 = arith.addi %mul3A_601, %add3A_1725 : i32
        %slice3A_1727 = vector.extract_strided_slice %mul3A_611 {offsets = [13], sizes = [1], strides = [1]} : vector<16xi32> to vector<1xi32>
        %squeeze3A_1728 = vector.extract %slice3A_1727[0] : i32 from vector<1xi32>
        %shift_right_arithmetic3A_1729 = arith.constant 1 : i32
        %shift_right_arithmetic3A_1730 = arith.shrsi %mul3A_601, %shift_right_arithmetic3A_1729 : i32
        %add3A_1731 = arith.constant 6 : i32
        %add3A_1732 = arith.addi %shift_right_arithmetic3A_1730, %add3A_1731 : i32
        %add3A_1733 = arith.addi %rem3A_568, %add3A_1726 : i32
        %ge3A_1734 = arith.constant 200 : i32
        %ge3A_1735 = arith.cmpi sge, %add3A_1733, %ge3A_1734 : i32
        %sub3A_1736 = arith.constant 200 : i32
        %sub3A_1737 = arith.subi %add3A_1733, %sub3A_1736 : i32
        %select_n3A_1738 = arith.select %ge3A_1735, %sub3A_1737, %add3A_1733 : i32
        %add3A_1739 = arith.constant 0 : i32
        %add3A_1740 = arith.addi %squeeze3A_1728, %add3A_1739 : i32
        %get3A_1741 = arith.index_cast %select_n3A_458 : i32 to index
        %get3A_1742 = arith.index_cast %add3A_1726 : i32 to index
        %get3A_1743 = arith.index_cast %add3A_1740 : i32 to index
        %get3A_1744 = tpu.vector_load %arg9[%get3A_1741, %get3A_1742, %get3A_1743] {strides = array<i32>} : memref<3x128x128xf32, #tpu.memory_space<vmem>>, vector<1x1x16xf32>,
        %get3A_1745 = vector.shape_cast %get3A_1744 : vector<1x1x16xf32> to vector<16xf32>
        %get3A_1746 = arith.index_cast %select_n3A_1738 : i32 to index
        %get3A_1747 = arith.constant 0 : index
        %get3A_1748 = tpu.vector_load %arg8[%get3A_1746, %get3A_1747] {strides = array<i32>} : memref<200x64xf32, #tpu.memory_space<vmem>>, vector<1x16xf32>,
        %get3A_1749 = vector.shape_cast %get3A_1748 : vector<1x16xf32> to vector<16xf32>
        %add3A_1750 = arith.addf %get3A_1745, %get3A_1749 : vector<16xf32>
        %swap3A_1751 = arith.index_cast %select_n3A_458 : i32 to index
        %swap3A_1752 = arith.index_cast %add3A_1732 : i32 to index
        %swap3A_1753 = arith.constant 64 : index
        %swap3A_1754 = tpu.vector_load %arg10[%swap3A_1751, %swap3A_1752, %swap3A_1753] {strides = array<i32>} : memref<3x64x128xf32, #tpu.memory_space<vmem>>, vector<1x1x16xf32>,
        %swap3A_1755 = vector.shape_cast %swap3A_1754 : vector<1x1x16xf32> to vector<16xf32>
        %swap3A_1756 = vector.shape_cast %add3A_1750 : vector<16xf32> to vector<1x1x16xf32>
        tpu.vector_store %arg10[%swap3A_1751, %swap3A_1752, %swap3A_1753], %swap3A_1756 {strides = array<i32>} : memref<3x64x128xf32, #tpu.memory_space<vmem>>, vector<1x1x16xf32>,
        %add3A_1757 = arith.constant 16 : i32
        %add3A_1758 = arith.addi %squeeze3A_1728, %add3A_1757 : i32
        %get3A_1759 = arith.index_cast %select_n3A_458 : i32 to index
        %get3A_1760 = arith.index_cast %add3A_1726 : i32 to index
        %get3A_1761 = arith.index_cast %add3A_1758 : i32 to index
        %get3A_1762 = tpu.vector_load %arg9[%get3A_1759, %get3A_1760, %get3A_1761] {strides = array<i32>} : memref<3x128x128xf32, #tpu.memory_space<vmem>>, vector<1x1x16xf32>,
        %get3A_1763 = vector.shape_cast %get3A_1762 : vector<1x1x16xf32> to vector<16xf32>
        %get3A_1764 = arith.index_cast %select_n3A_1738 : i32 to index
        %get3A_1765 = arith.constant 16 : index
        %get3A_1766 = tpu.vector_load %arg8[%get3A_1764, %get3A_1765] {strides = array<i32>} : memref<200x64xf32, #tpu.memory_space<vmem>>, vector<1x16xf32>,
        %get3A_1767 = vector.shape_cast %get3A_1766 : vector<1x16xf32> to vector<16xf32>
        %add3A_1768 = arith.addf %get3A_1763, %get3A_1767 : vector<16xf32>
        %swap3A_1769 = arith.index_cast %select_n3A_458 : i32 to index
        %swap3A_1770 = arith.index_cast %add3A_1732 : i32 to index
        %swap3A_1771 = arith.constant 80 : index
        %swap3A_1772 = tpu.vector_load %arg10[%swap3A_1769, %swap3A_1770, %swap3A_1771] {strides = array<i32>} : memref<3x64x128xf32, #tpu.memory_space<vmem>>, vector<1x1x16xf32>,
        %swap3A_1773 = vector.shape_cast %swap3A_1772 : vector<1x1x16xf32> to vector<16xf32>
        %swap3A_1774 = vector.shape_cast %add3A_1768 : vector<16xf32> to vector<1x1x16xf32>
        tpu.vector_store %arg10[%swap3A_1769, %swap3A_1770, %swap3A_1771], %swap3A_1774 {strides = array<i32>} : memref<3x64x128xf32, #tpu.memory_space<vmem>>, vector<1x1x16xf32>,
        %add3A_1775 = arith.constant 32 : i32
        %add3A_1776 = arith.addi %squeeze3A_1728, %add3A_1775 : i32
        %get3A_1777 = arith.index_cast %select_n3A_458 : i32 to index
        %get3A_1778 = arith.index_cast %add3A_1726 : i32 to index
        %get3A_1779 = arith.index_cast %add3A_1776 : i32 to index
        %get3A_1780 = tpu.vector_load %arg9[%get3A_1777, %get3A_1778, %get3A_1779] {strides = array<i32>} : memref<3x128x128xf32, #tpu.memory_space<vmem>>, vector<1x1x16xf32>,
        %get3A_1781 = vector.shape_cast %get3A_1780 : vector<1x1x16xf32> to vector<16xf32>
        %get3A_1782 = arith.index_cast %select_n3A_1738 : i32 to index
        %get3A_1783 = arith.constant 32 : index
        %get3A_1784 = tpu.vector_load %arg8[%get3A_1782, %get3A_1783] {strides = array<i32>} : memref<200x64xf32, #tpu.memory_space<vmem>>, vector<1x16xf32>,
        %get3A_1785 = vector.shape_cast %get3A_1784 : vector<1x16xf32> to vector<16xf32>
        %add3A_1786 = arith.addf %get3A_1781, %get3A_1785 : vector<16xf32>
        %swap3A_1787 = arith.index_cast %select_n3A_458 : i32 to index
        %swap3A_1788 = arith.index_cast %add3A_1732 : i32 to index
        %swap3A_1789 = arith.constant 96 : index
        %swap3A_1790 = tpu.vector_load %arg10[%swap3A_1787, %swap3A_1788, %swap3A_1789] {strides = array<i32>} : memref<3x64x128xf32, #tpu.memory_space<vmem>>, vector<1x1x16xf32>,
        %swap3A_1791 = vector.shape_cast %swap3A_1790 : vector<1x1x16xf32> to vector<16xf32>
        %swap3A_1792 = vector.shape_cast %add3A_1786 : vector<16xf32> to vector<1x1x16xf32>
        tpu.vector_store %arg10[%swap3A_1787, %swap3A_1788, %swap3A_1789], %swap3A_1792 {strides = array<i32>} : memref<3x64x128xf32, #tpu.memory_space<vmem>>, vector<1x1x16xf32>,
        %add3A_1793 = arith.constant 48 : i32
        %add3A_1794 = arith.addi %squeeze3A_1728, %add3A_1793 : i32
        %get3A_1795 = arith.index_cast %select_n3A_458 : i32 to index
        %get3A_1796 = arith.index_cast %add3A_1726 : i32 to index
        %get3A_1797 = arith.index_cast %add3A_1794 : i32 to index
        %get3A_1798 = tpu.vector_load %arg9[%get3A_1795, %get3A_1796, %get3A_1797] {strides = array<i32>} : memref<3x128x128xf32, #tpu.memory_space<vmem>>, vector<1x1x16xf32>,
        %get3A_1799 = vector.shape_cast %get3A_1798 : vector<1x1x16xf32> to vector<16xf32>
        %get3A_1800 = arith.index_cast %select_n3A_1738 : i32 to index
        %get3A_1801 = arith.constant 48 : index
        %get3A_1802 = tpu.vector_load %arg8[%get3A_1800, %get3A_1801] {strides = array<i32>} : memref<200x64xf32, #tpu.memory_space<vmem>>, vector<1x16xf32>,
        %get3A_1803 = vector.shape_cast %get3A_1802 : vector<1x16xf32> to vector<16xf32>
        %add3A_1804 = arith.addf %get3A_1799, %get3A_1803 : vector<16xf32>
        %swap3A_1805 = arith.index_cast %select_n3A_458 : i32 to index
        %swap3A_1806 = arith.index_cast %add3A_1732 : i32 to index
        %swap3A_1807 = arith.constant 112 : index
        %swap3A_1808 = tpu.vector_load %arg10[%swap3A_1805, %swap3A_1806, %swap3A_1807] {strides = array<i32>} : memref<3x64x128xf32, #tpu.memory_space<vmem>>, vector<1x1x16xf32>,
        %swap3A_1809 = vector.shape_cast %swap3A_1808 : vector<1x1x16xf32> to vector<16xf32>
        %swap3A_1810 = vector.shape_cast %add3A_1804 : vector<16xf32> to vector<1x1x16xf32>
        tpu.vector_store %arg10[%swap3A_1805, %swap3A_1806, %swap3A_1807], %swap3A_1810 {strides = array<i32>} : memref<3x64x128xf32, #tpu.memory_space<vmem>>, vector<1x1x16xf32>,
        %add3A_1811 = arith.constant 14 : i32
        %add3A_1812 = arith.addi %mul3A_601, %add3A_1811 : i32
        %slice3A_1813 = vector.extract_strided_slice %mul3A_611 {offsets = [14], sizes = [1], strides = [1]} : vector<16xi32> to vector<1xi32>
        %squeeze3A_1814 = vector.extract %slice3A_1813[0] : i32 from vector<1xi32>
        %shift_right_arithmetic3A_1815 = arith.constant 1 : i32
        %shift_right_arithmetic3A_1816 = arith.shrsi %mul3A_601, %shift_right_arithmetic3A_1815 : i32
        %add3A_1817 = arith.constant 7 : i32
        %add3A_1818 = arith.addi %shift_right_arithmetic3A_1816, %add3A_1817 : i32
        %add3A_1819 = arith.addi %rem3A_568, %add3A_1812 : i32
        %ge3A_1820 = arith.constant 200 : i32
        %ge3A_1821 = arith.cmpi sge, %add3A_1819, %ge3A_1820 : i32
        %sub3A_1822 = arith.constant 200 : i32
        %sub3A_1823 = arith.subi %add3A_1819, %sub3A_1822 : i32
        %select_n3A_1824 = arith.select %ge3A_1821, %sub3A_1823, %add3A_1819 : i32
        %add3A_1825 = arith.constant 0 : i32
        %add3A_1826 = arith.addi %squeeze3A_1814, %add3A_1825 : i32
        %get3A_1827 = arith.index_cast %select_n3A_458 : i32 to index
        %get3A_1828 = arith.index_cast %add3A_1812 : i32 to index
        %get3A_1829 = arith.index_cast %add3A_1826 : i32 to index
        %get3A_1830 = tpu.vector_load %arg9[%get3A_1827, %get3A_1828, %get3A_1829] {strides = array<i32>} : memref<3x128x128xf32, #tpu.memory_space<vmem>>, vector<1x1x16xf32>,
        %get3A_1831 = vector.shape_cast %get3A_1830 : vector<1x1x16xf32> to vector<16xf32>
        %get3A_1832 = arith.index_cast %select_n3A_1824 : i32 to index
        %get3A_1833 = arith.constant 0 : index
        %get3A_1834 = tpu.vector_load %arg8[%get3A_1832, %get3A_1833] {strides = array<i32>} : memref<200x64xf32, #tpu.memory_space<vmem>>, vector<1x16xf32>,
        %get3A_1835 = vector.shape_cast %get3A_1834 : vector<1x16xf32> to vector<16xf32>
        %add3A_1836 = arith.addf %get3A_1831, %get3A_1835 : vector<16xf32>
        %swap3A_1837 = arith.index_cast %select_n3A_458 : i32 to index
        %swap3A_1838 = arith.index_cast %add3A_1818 : i32 to index
        %swap3A_1839 = arith.constant 0 : index
        %swap3A_1840 = tpu.vector_load %arg10[%swap3A_1837, %swap3A_1838, %swap3A_1839] {strides = array<i32>} : memref<3x64x128xf32, #tpu.memory_space<vmem>>, vector<1x1x16xf32>,
        %swap3A_1841 = vector.shape_cast %swap3A_1840 : vector<1x1x16xf32> to vector<16xf32>
        %swap3A_1842 = vector.shape_cast %add3A_1836 : vector<16xf32> to vector<1x1x16xf32>
        tpu.vector_store %arg10[%swap3A_1837, %swap3A_1838, %swap3A_1839], %swap3A_1842 {strides = array<i32>} : memref<3x64x128xf32, #tpu.memory_space<vmem>>, vector<1x1x16xf32>,
        %add3A_1843 = arith.constant 16 : i32
        %add3A_1844 = arith.addi %squeeze3A_1814, %add3A_1843 : i32
        %get3A_1845 = arith.index_cast %select_n3A_458 : i32 to index
        %get3A_1846 = arith.index_cast %add3A_1812 : i32 to index
        %get3A_1847 = arith.index_cast %add3A_1844 : i32 to index
        %get3A_1848 = tpu.vector_load %arg9[%get3A_1845, %get3A_1846, %get3A_1847] {strides = array<i32>} : memref<3x128x128xf32, #tpu.memory_space<vmem>>, vector<1x1x16xf32>,
        %get3A_1849 = vector.shape_cast %get3A_1848 : vector<1x1x16xf32> to vector<16xf32>
        %get3A_1850 = arith.index_cast %select_n3A_1824 : i32 to index
        %get3A_1851 = arith.constant 16 : index
        %get3A_1852 = tpu.vector_load %arg8[%get3A_1850, %get3A_1851] {strides = array<i32>} : memref<200x64xf32, #tpu.memory_space<vmem>>, vector<1x16xf32>,
        %get3A_1853 = vector.shape_cast %get3A_1852 : vector<1x16xf32> to vector<16xf32>
        %add3A_1854 = arith.addf %get3A_1849, %get3A_1853 : vector<16xf32>
        %swap3A_1855 = arith.index_cast %select_n3A_458 : i32 to index
        %swap3A_1856 = arith.index_cast %add3A_1818 : i32 to index
        %swap3A_1857 = arith.constant 16 : index
        %swap3A_1858 = tpu.vector_load %arg10[%swap3A_1855, %swap3A_1856, %swap3A_1857] {strides = array<i32>} : memref<3x64x128xf32, #tpu.memory_space<vmem>>, vector<1x1x16xf32>,
        %swap3A_1859 = vector.shape_cast %swap3A_1858 : vector<1x1x16xf32> to vector<16xf32>
        %swap3A_1860 = vector.shape_cast %add3A_1854 : vector<16xf32> to vector<1x1x16xf32>
        tpu.vector_store %arg10[%swap3A_1855, %swap3A_1856, %swap3A_1857], %swap3A_1860 {strides = array<i32>} : memref<3x64x128xf32, #tpu.memory_space<vmem>>, vector<1x1x16xf32>,
        %add3A_1861 = arith.constant 32 : i32
        %add3A_1862 = arith.addi %squeeze3A_1814, %add3A_1861 : i32
        %get3A_1863 = arith.index_cast %select_n3A_458 : i32 to index
        %get3A_1864 = arith.index_cast %add3A_1812 : i32 to index
        %get3A_1865 = arith.index_cast %add3A_1862 : i32 to index
        %get3A_1866 = tpu.vector_load %arg9[%get3A_1863, %get3A_1864, %get3A_1865] {strides = array<i32>} : memref<3x128x128xf32, #tpu.memory_space<vmem>>, vector<1x1x16xf32>,
        %get3A_1867 = vector.shape_cast %get3A_1866 : vector<1x1x16xf32> to vector<16xf32>
        %get3A_1868 = arith.index_cast %select_n3A_1824 : i32 to index
        %get3A_1869 = arith.constant 32 : index
        %get3A_1870 = tpu.vector_load %arg8[%get3A_1868, %get3A_1869] {strides = array<i32>} : memref<200x64xf32, #tpu.memory_space<vmem>>, vector<1x16xf32>,
        %get3A_1871 = vector.shape_cast %get3A_1870 : vector<1x16xf32> to vector<16xf32>
        %add3A_1872 = arith.addf %get3A_1867, %get3A_1871 : vector<16xf32>
        %swap3A_1873 = arith.index_cast %select_n3A_458 : i32 to index
        %swap3A_1874 = arith.index_cast %add3A_1818 : i32 to index
        %swap3A_1875 = arith.constant 32 : index
        %swap3A_1876 = tpu.vector_load %arg10[%swap3A_1873, %swap3A_1874, %swap3A_1875] {strides = array<i32>} : memref<3x64x128xf32, #tpu.memory_space<vmem>>, vector<1x1x16xf32>,
        %swap3A_1877 = vector.shape_cast %swap3A_1876 : vector<1x1x16xf32> to vector<16xf32>
        %swap3A_1878 = vector.shape_cast %add3A_1872 : vector<16xf32> to vector<1x1x16xf32>
        tpu.vector_store %arg10[%swap3A_1873, %swap3A_1874, %swap3A_1875], %swap3A_1878 {strides = array<i32>} : memref<3x64x128xf32, #tpu.memory_space<vmem>>, vector<1x1x16xf32>,
        %add3A_1879 = arith.constant 48 : i32
        %add3A_1880 = arith.addi %squeeze3A_1814, %add3A_1879 : i32
        %get3A_1881 = arith.index_cast %select_n3A_458 : i32 to index
        %get3A_1882 = arith.index_cast %add3A_1812 : i32 to index
        %get3A_1883 = arith.index_cast %add3A_1880 : i32 to index
        %get3A_1884 = tpu.vector_load %arg9[%get3A_1881, %get3A_1882, %get3A_1883] {strides = array<i32>} : memref<3x128x128xf32, #tpu.memory_space<vmem>>, vector<1x1x16xf32>,
        %get3A_1885 = vector.shape_cast %get3A_1884 : vector<1x1x16xf32> to vector<16xf32>
        %get3A_1886 = arith.index_cast %select_n3A_1824 : i32 to index
        %get3A_1887 = arith.constant 48 : index
        %get3A_1888 = tpu.vector_load %arg8[%get3A_1886, %get3A_1887] {strides = array<i32>} : memref<200x64xf32, #tpu.memory_space<vmem>>, vector<1x16xf32>,
        %get3A_1889 = vector.shape_cast %get3A_1888 : vector<1x16xf32> to vector<16xf32>
        %add3A_1890 = arith.addf %get3A_1885, %get3A_1889 : vector<16xf32>
        %swap3A_1891 = arith.index_cast %select_n3A_458 : i32 to index
        %swap3A_1892 = arith.index_cast %add3A_1818 : i32 to index
        %swap3A_1893 = arith.constant 48 : index
        %swap3A_1894 = tpu.vector_load %arg10[%swap3A_1891, %swap3A_1892, %swap3A_1893] {strides = array<i32>} : memref<3x64x128xf32, #tpu.memory_space<vmem>>, vector<1x1x16xf32>,
        %swap3A_1895 = vector.shape_cast %swap3A_1894 : vector<1x1x16xf32> to vector<16xf32>
        %swap3A_1896 = vector.shape_cast %add3A_1890 : vector<16xf32> to vector<1x1x16xf32>
        tpu.vector_store %arg10[%swap3A_1891, %swap3A_1892, %swap3A_1893], %swap3A_1896 {strides = array<i32>} : memref<3x64x128xf32, #tpu.memory_space<vmem>>, vector<1x1x16xf32>,
        %add3A_1897 = arith.constant 15 : i32
        %add3A_1898 = arith.addi %mul3A_601, %add3A_1897 : i32
        %slice3A_1899 = vector.extract_strided_slice %mul3A_611 {offsets = [15], sizes = [1], strides = [1]} : vector<16xi32> to vector<1xi32>
        %squeeze3A_1900 = vector.extract %slice3A_1899[0] : i32 from vector<1xi32>
        %shift_right_arithmetic3A_1901 = arith.constant 1 : i32
        %shift_right_arithmetic3A_1902 = arith.shrsi %mul3A_601, %shift_right_arithmetic3A_1901 : i32
        %add3A_1903 = arith.constant 7 : i32
        %add3A_1904 = arith.addi %shift_right_arithmetic3A_1902, %add3A_1903 : i32
        %add3A_1905 = arith.addi %rem3A_568, %add3A_1898 : i32
        %ge3A_1906 = arith.constant 200 : i32
        %ge3A_1907 = arith.cmpi sge, %add3A_1905, %ge3A_1906 : i32
        %sub3A_1908 = arith.constant 200 : i32
        %sub3A_1909 = arith.subi %add3A_1905, %sub3A_1908 : i32
        %select_n3A_1910 = arith.select %ge3A_1907, %sub3A_1909, %add3A_1905 : i32
        %add3A_1911 = arith.constant 0 : i32
        %add3A_1912 = arith.addi %squeeze3A_1900, %add3A_1911 : i32
        %get3A_1913 = arith.index_cast %select_n3A_458 : i32 to index
        %get3A_1914 = arith.index_cast %add3A_1898 : i32 to index
        %get3A_1915 = arith.index_cast %add3A_1912 : i32 to index
        %get3A_1916 = tpu.vector_load %arg9[%get3A_1913, %get3A_1914, %get3A_1915] {strides = array<i32>} : memref<3x128x128xf32, #tpu.memory_space<vmem>>, vector<1x1x16xf32>,
        %get3A_1917 = vector.shape_cast %get3A_1916 : vector<1x1x16xf32> to vector<16xf32>
        %get3A_1918 = arith.index_cast %select_n3A_1910 : i32 to index
        %get3A_1919 = arith.constant 0 : index
        %get3A_1920 = tpu.vector_load %arg8[%get3A_1918, %get3A_1919] {strides = array<i32>} : memref<200x64xf32, #tpu.memory_space<vmem>>, vector<1x16xf32>,
        %get3A_1921 = vector.shape_cast %get3A_1920 : vector<1x16xf32> to vector<16xf32>
        %add3A_1922 = arith.addf %get3A_1917, %get3A_1921 : vector<16xf32>
        %swap3A_1923 = arith.index_cast %select_n3A_458 : i32 to index
        %swap3A_1924 = arith.index_cast %add3A_1904 : i32 to index
        %swap3A_1925 = arith.constant 64 : index
        %swap3A_1926 = tpu.vector_load %arg10[%swap3A_1923, %swap3A_1924, %swap3A_1925] {strides = array<i32>} : memref<3x64x128xf32, #tpu.memory_space<vmem>>, vector<1x1x16xf32>,
        %swap3A_1927 = vector.shape_cast %swap3A_1926 : vector<1x1x16xf32> to vector<16xf32>
        %swap3A_1928 = vector.shape_cast %add3A_1922 : vector<16xf32> to vector<1x1x16xf32>
        tpu.vector_store %arg10[%swap3A_1923, %swap3A_1924, %swap3A_1925], %swap3A_1928 {strides = array<i32>} : memref<3x64x128xf32, #tpu.memory_space<vmem>>, vector<1x1x16xf32>,
        %add3A_1929 = arith.constant 16 : i32
        %add3A_1930 = arith.addi %squeeze3A_1900, %add3A_1929 : i32
        %get3A_1931 = arith.index_cast %select_n3A_458 : i32 to index
        %get3A_1932 = arith.index_cast %add3A_1898 : i32 to index
        %get3A_1933 = arith.index_cast %add3A_1930 : i32 to index
        %get3A_1934 = tpu.vector_load %arg9[%get3A_1931, %get3A_1932, %get3A_1933] {strides = array<i32>} : memref<3x128x128xf32, #tpu.memory_space<vmem>>, vector<1x1x16xf32>,
        %get3A_1935 = vector.shape_cast %get3A_1934 : vector<1x1x16xf32> to vector<16xf32>
        %get3A_1936 = arith.index_cast %select_n3A_1910 : i32 to index
        %get3A_1937 = arith.constant 16 : index
        %get3A_1938 = tpu.vector_load %arg8[%get3A_1936, %get3A_1937] {strides = array<i32>} : memref<200x64xf32, #tpu.memory_space<vmem>>, vector<1x16xf32>,
        %get3A_1939 = vector.shape_cast %get3A_1938 : vector<1x16xf32> to vector<16xf32>
        %add3A_1940 = arith.addf %get3A_1935, %get3A_1939 : vector<16xf32>
        %swap3A_1941 = arith.index_cast %select_n3A_458 : i32 to index
        %swap3A_1942 = arith.index_cast %add3A_1904 : i32 to index
        %swap3A_1943 = arith.constant 80 : index
        %swap3A_1944 = tpu.vector_load %arg10[%swap3A_1941, %swap3A_1942, %swap3A_1943] {strides = array<i32>} : memref<3x64x128xf32, #tpu.memory_space<vmem>>, vector<1x1x16xf32>,
        %swap3A_1945 = vector.shape_cast %swap3A_1944 : vector<1x1x16xf32> to vector<16xf32>
        %swap3A_1946 = vector.shape_cast %add3A_1940 : vector<16xf32> to vector<1x1x16xf32>
        tpu.vector_store %arg10[%swap3A_1941, %swap3A_1942, %swap3A_1943], %swap3A_1946 {strides = array<i32>} : memref<3x64x128xf32, #tpu.memory_space<vmem>>, vector<1x1x16xf32>,
        %add3A_1947 = arith.constant 32 : i32
        %add3A_1948 = arith.addi %squeeze3A_1900, %add3A_1947 : i32
        %get3A_1949 = arith.index_cast %select_n3A_458 : i32 to index
        %get3A_1950 = arith.index_cast %add3A_1898 : i32 to index
        %get3A_1951 = arith.index_cast %add3A_1948 : i32 to index
        %get3A_1952 = tpu.vector_load %arg9[%get3A_1949, %get3A_1950, %get3A_1951] {strides = array<i32>} : memref<3x128x128xf32, #tpu.memory_space<vmem>>, vector<1x1x16xf32>,
        %get3A_1953 = vector.shape_cast %get3A_1952 : vector<1x1x16xf32> to vector<16xf32>
        %get3A_1954 = arith.index_cast %select_n3A_1910 : i32 to index
        %get3A_1955 = arith.constant 32 : index
        %get3A_1956 = tpu.vector_load %arg8[%get3A_1954, %get3A_1955] {strides = array<i32>} : memref<200x64xf32, #tpu.memory_space<vmem>>, vector<1x16xf32>,
        %get3A_1957 = vector.shape_cast %get3A_1956 : vector<1x16xf32> to vector<16xf32>
        %add3A_1958 = arith.addf %get3A_1953, %get3A_1957 : vector<16xf32>
        %swap3A_1959 = arith.index_cast %select_n3A_458 : i32 to index
        %swap3A_1960 = arith.index_cast %add3A_1904 : i32 to index
        %swap3A_1961 = arith.constant 96 : index
        %swap3A_1962 = tpu.vector_load %arg10[%swap3A_1959, %swap3A_1960, %swap3A_1961] {strides = array<i32>} : memref<3x64x128xf32, #tpu.memory_space<vmem>>, vector<1x1x16xf32>,
        %swap3A_1963 = vector.shape_cast %swap3A_1962 : vector<1x1x16xf32> to vector<16xf32>
        %swap3A_1964 = vector.shape_cast %add3A_1958 : vector<16xf32> to vector<1x1x16xf32>
        tpu.vector_store %arg10[%swap3A_1959, %swap3A_1960, %swap3A_1961], %swap3A_1964 {strides = array<i32>} : memref<3x64x128xf32, #tpu.memory_space<vmem>>, vector<1x1x16xf32>,
        %add3A_1965 = arith.constant 48 : i32
        %add3A_1966 = arith.addi %squeeze3A_1900, %add3A_1965 : i32
        %get3A_1967 = arith.index_cast %select_n3A_458 : i32 to index
        %get3A_1968 = arith.index_cast %add3A_1898 : i32 to index
        %get3A_1969 = arith.index_cast %add3A_1966 : i32 to index
        %get3A_1970 = tpu.vector_load %arg9[%get3A_1967, %get3A_1968, %get3A_1969] {strides = array<i32>} : memref<3x128x128xf32, #tpu.memory_space<vmem>>, vector<1x1x16xf32>,
        %get3A_1971 = vector.shape_cast %get3A_1970 : vector<1x1x16xf32> to vector<16xf32>
        %get3A_1972 = arith.index_cast %select_n3A_1910 : i32 to index
        %get3A_1973 = arith.constant 48 : index
        %get3A_1974 = tpu.vector_load %arg8[%get3A_1972, %get3A_1973] {strides = array<i32>} : memref<200x64xf32, #tpu.memory_space<vmem>>, vector<1x16xf32>,
        %get3A_1975 = vector.shape_cast %get3A_1974 : vector<1x16xf32> to vector<16xf32>
        %add3A_1976 = arith.addf %get3A_1971, %get3A_1975 : vector<16xf32>
        %swap3A_1977 = arith.index_cast %select_n3A_458 : i32 to index
        %swap3A_1978 = arith.index_cast %add3A_1904 : i32 to index
        %swap3A_1979 = arith.constant 112 : index
        %swap3A_1980 = tpu.vector_load %arg10[%swap3A_1977, %swap3A_1978, %swap3A_1979] {strides = array<i32>} : memref<3x64x128xf32, #tpu.memory_space<vmem>>, vector<1x1x16xf32>,
        %swap3A_1981 = vector.shape_cast %swap3A_1980 : vector<1x1x16xf32> to vector<16xf32>
        %swap3A_1982 = vector.shape_cast %add3A_1976 : vector<16xf32> to vector<1x1x16xf32>
        tpu.vector_store %arg10[%swap3A_1977, %swap3A_1978, %swap3A_1979], %swap3A_1982 {strides = array<i32>} : memref<3x64x128xf32, #tpu.memory_space<vmem>>, vector<1x1x16xf32>,
      }
      %scan3A_574 = arith.constant 8 : i32
      %mul3A_575 = arith.constant 64 : i32
      %mul3A_576 = arith.muli %scan3A_449, %mul3A_575 : i32
      %add3A_577 = arith.addi %mul3A_2, %mul3A_576 : i32
      %dma_start3A_578 = arith.constant 0 : i32
      %dma_start3A_579 = arith.constant 0 : i32
      %dma_start3A_580 = tpu.memref_slice %arg10[%select_n3A_458, %dma_start3A_578, %dma_start3A_579] : memref<3x64x128xf32, #tpu.memory_space<vmem>> -> memref<1x64x128xf32, #tpu.memory_space<vmem>>
      %dma_start3A_581 = tpu.memref_squeeze %dma_start3A_580 : memref<1x64x128xf32, #tpu.memory_space<vmem>> -> memref<64x128xf32, #tpu.memory_space<vmem>>
      %dma_start3A_582 = arith.constant 0 : i32
      %dma_start3A_583 = tpu.memref_slice %arg5[%add3A_577, %dma_start3A_582] : memref<102400x128xf32, #tpu.memory_space<hbm>> -> memref<64x128xf32, #tpu.memory_space<hbm>>
      %dma_start3A_584 = tpu.memref_slice %arg12[%select_n3A_458] : memref<3x!tpu.dma_semaphore, #tpu.memory_space<semaphore_mem>> -> memref<1x!tpu.dma_semaphore, #tpu.memory_space<semaphore_mem>>
      %dma_start3A_585 = tpu.memref_squeeze %dma_start3A_584 : memref<1x!tpu.dma_semaphore, #tpu.memory_space<semaphore_mem>> -> memref<!tpu.dma_semaphore, #tpu.memory_space<semaphore_mem>>
      %dma_start3A_586 = arith.constant 0 : i32
      %dma_start3A_587 = tpu.memref_slice %arg5[%add3A_577, %dma_start3A_586] : memref<102400x128xf32, #tpu.memory_space<hbm>> -> memref<64x128xf32, #tpu.memory_space<hbm>>
      %dma_start3A_588 = arith.constant 0 : i32
      %dma_start3A_589 = arith.constant 0 : i32
      %dma_start3A_590 = tpu.memref_slice %arg10[%select_n3A_458, %dma_start3A_588, %dma_start3A_589] : memref<3x64x128xf32, #tpu.memory_space<vmem>> -> memref<1x64x128xf32, #tpu.memory_space<vmem>>
      %dma_start3A_591 = tpu.memref_squeeze %dma_start3A_590 : memref<1x64x128xf32, #tpu.memory_space<vmem>> -> memref<64x128xf32, #tpu.memory_space<vmem>>
      tpu.enqueue_dma source(%dma_start3A_591 : memref<64x128xf32, #tpu.memory_space<vmem>>) target(%dma_start3A_587 : memref<64x128xf32, #tpu.memory_space<hbm>>) target_semaphore(%dma_start3A_585 : memref<!tpu.dma_semaphore, #tpu.memory_space<semaphore_mem>>)
      %add3A_592 = arith.constant 3 : i32
      %add3A_593 = arith.addi %scan3A_449, %add3A_592 : i32
      %lt3A_594 = arith.constant 50 : i32
      %lt3A_595 = arith.cmpi slt, %add3A_593, %lt3A_594 : i32
      %convert_element_type3A_596 = arith.extui %lt3A_595 : i1 to i32
      %cond3A_597 = arith.constant 0 : i32
      %cond3A_598 = arith.cmpi ne, %convert_element_type3A_596, %cond3A_597 : i32
      scf.if %cond3A_598 {
        %add3A_599 = arith.constant 3 : i32
        %add3A_600 = arith.addi %scan3A_449, %add3A_599 : i32
        %get3A_601 = arith.index_cast %add3A_600 : i32 to index
        %get3A_602 = arith.constant 0 : index
        %get3A_603 = tpu.vector_load %arg7[%get3A_601, %get3A_602] {strides = array<i32>} : memref<50x128xi32, #tpu.memory_space<vmem>>, vector<1x16xi32>,
        %get3A_604 = vector.shape_cast %get3A_603 : vector<1x16xi32> to vector<16xi32>
        %dma_start3A_605 = arith.constant 0 : i32
        %dma_start3A_606 = arith.constant 0 : i32
        %dma_start3A_607 = tpu.memref_slice %arg9[%select_n3A_458, %dma_start3A_605, %dma_start3A_606] : memref<3x128x128xf32, #tpu.memory_space<vmem>> -> memref<1x16x128xf32, #tpu.memory_space<vmem>>
        %dma_start3A_608 = tpu.memref_squeeze %dma_start3A_607 : memref<1x16x128xf32, #tpu.memory_space<vmem>> -> memref<16x128xf32, #tpu.memory_space<vmem>>
        %dma_start3A_609 = arith.constant 0 : i32
        %dma_start3A_610 = arith.constant 0 : i32
        %dma_start3A_611 = tpu.memref_slice %arg3[%dma_start3A_609, %dma_start3A_610] : memref<500000x128xf32, #tpu.memory_space<hbm>> -> memref<500000x128xf32, #tpu.memory_space<hbm>>
        %dma_start3A_612 = tpu.memref_slice %arg11[%select_n3A_458] : memref<3x!tpu.dma_semaphore, #tpu.memory_space<semaphore_mem>> -> memref<1x!tpu.dma_semaphore, #tpu.memory_space<semaphore_mem>>
        %dma_start3A_613 = tpu.memref_squeeze %dma_start3A_612 : memref<1x!tpu.dma_semaphore, #tpu.memory_space<semaphore_mem>> -> memref<!tpu.dma_semaphore, #tpu.memory_space<semaphore_mem>>
        tpu.enqueue_indirect_dma source(%dma_start3A_611 : memref<500000x128xf32, #tpu.memory_space<hbm>>) target(%dma_start3A_608 : memref<16x128xf32, #tpu.memory_space<vmem>>) offsets(%get3A_604 : vector<16xi32>) semaphore(%dma_start3A_613 : memref<!tpu.dma_semaphore, #tpu.memory_space<semaphore_mem>>)
        %get3A_614 = arith.index_cast %add3A_600 : i32 to index
        %get3A_615 = arith.constant 16 : index
        %get3A_616 = tpu.vector_load %arg7[%get3A_614, %get3A_615] {strides = array<i32>} : memref<50x128xi32, #tpu.memory_space<vmem>>, vector<1x16xi32>,
        %get3A_617 = vector.shape_cast %get3A_616 : vector<1x16xi32> to vector<16xi32>
        %dma_start3A_618 = arith.constant 16 : i32
        %dma_start3A_619 = arith.constant 0 : i32
        %dma_start3A_620 = tpu.memref_slice %arg9[%select_n3A_458, %dma_start3A_618, %dma_start3A_619] : memref<3x128x128xf32, #tpu.memory_space<vmem>> -> memref<1x16x128xf32, #tpu.memory_space<vmem>>
        %dma_start3A_621 = tpu.memref_squeeze %dma_start3A_620 : memref<1x16x128xf32, #tpu.memory_space<vmem>> -> memref<16x128xf32, #tpu.memory_space<vmem>>
        %dma_start3A_622 = arith.constant 0 : i32
        %dma_start3A_623 = arith.constant 0 : i32
        %dma_start3A_624 = tpu.memref_slice %arg3[%dma_start3A_622, %dma_start3A_623] : memref<500000x128xf32, #tpu.memory_space<hbm>> -> memref<500000x128xf32, #tpu.memory_space<hbm>>
        %dma_start3A_625 = tpu.memref_slice %arg11[%select_n3A_458] : memref<3x!tpu.dma_semaphore, #tpu.memory_space<semaphore_mem>> -> memref<1x!tpu.dma_semaphore, #tpu.memory_space<semaphore_mem>>
        %dma_start3A_626 = tpu.memref_squeeze %dma_start3A_625 : memref<1x!tpu.dma_semaphore, #tpu.memory_space<semaphore_mem>> -> memref<!tpu.dma_semaphore, #tpu.memory_space<semaphore_mem>>
        tpu.enqueue_indirect_dma source(%dma_start3A_624 : memref<500000x128xf32, #tpu.memory_space<hbm>>) target(%dma_start3A_621 : memref<16x128xf32, #tpu.memory_space<vmem>>) offsets(%get3A_617 : vector<16xi32>) semaphore(%dma_start3A_626 : memref<!tpu.dma_semaphore, #tpu.memory_space<semaphore_mem>>)
        %get3A_627 = arith.index_cast %add3A_600 : i32 to index
        %get3A_628 = arith.constant 32 : index
        %get3A_629 = tpu.vector_load %arg7[%get3A_627, %get3A_628] {strides = array<i32>} : memref<50x128xi32, #tpu.memory_space<vmem>>, vector<1x16xi32>,
        %get3A_630 = vector.shape_cast %get3A_629 : vector<1x16xi32> to vector<16xi32>
        %dma_start3A_631 = arith.constant 32 : i32
        %dma_start3A_632 = arith.constant 0 : i32
        %dma_start3A_633 = tpu.memref_slice %arg9[%select_n3A_458, %dma_start3A_631, %dma_start3A_632] : memref<3x128x128xf32, #tpu.memory_space<vmem>> -> memref<1x16x128xf32, #tpu.memory_space<vmem>>
        %dma_start3A_634 = tpu.memref_squeeze %dma_start3A_633 : memref<1x16x128xf32, #tpu.memory_space<vmem>> -> memref<16x128xf32, #tpu.memory_space<vmem>>
        %dma_start3A_635 = arith.constant 0 : i32
        %dma_start3A_636 = arith.constant 0 : i32
        %dma_start3A_637 = tpu.memref_slice %arg3[%dma_start3A_635, %dma_start3A_636] : memref<500000x128xf32, #tpu.memory_space<hbm>> -> memref<500000x128xf32, #tpu.memory_space<hbm>>
        %dma_start3A_638 = tpu.memref_slice %arg11[%select_n3A_458] : memref<3x!tpu.dma_semaphore, #tpu.memory_space<semaphore_mem>> -> memref<1x!tpu.dma_semaphore, #tpu.memory_space<semaphore_mem>>
        %dma_start3A_639 = tpu.memref_squeeze %dma_start3A_638 : memref<1x!tpu.dma_semaphore, #tpu.memory_space<semaphore_mem>> -> memref<!tpu.dma_semaphore, #tpu.memory_space<semaphore_mem>>
        tpu.enqueue_indirect_dma source(%dma_start3A_637 : memref<500000x128xf32, #tpu.memory_space<hbm>>) target(%dma_start3A_634 : memref<16x128xf32, #tpu.memory_space<vmem>>) offsets(%get3A_630 : vector<16xi32>) semaphore(%dma_start3A_639 : memref<!tpu.dma_semaphore, #tpu.memory_space<semaphore_mem>>)
        %get3A_640 = arith.index_cast %add3A_600 : i32 to index
        %get3A_641 = arith.constant 48 : index
        %get3A_642 = tpu.vector_load %arg7[%get3A_640, %get3A_641] {strides = array<i32>} : memref<50x128xi32, #tpu.memory_space<vmem>>, vector<1x16xi32>,
        %get3A_643 = vector.shape_cast %get3A_642 : vector<1x16xi32> to vector<16xi32>
        %dma_start3A_644 = arith.constant 48 : i32
        %dma_start3A_645 = arith.constant 0 : i32
        %dma_start3A_646 = tpu.memref_slice %arg9[%select_n3A_458, %dma_start3A_644, %dma_start3A_645] : memref<3x128x128xf32, #tpu.memory_space<vmem>> -> memref<1x16x128xf32, #tpu.memory_space<vmem>>
        %dma_start3A_647 = tpu.memref_squeeze %dma_start3A_646 : memref<1x16x128xf32, #tpu.memory_space<vmem>> -> memref<16x128xf32, #tpu.memory_space<vmem>>
        %dma_start3A_648 = arith.constant 0 : i32
        %dma_start3A_649 = arith.constant 0 : i32
        %dma_start3A_650 = tpu.memref_slice %arg3[%dma_start3A_648, %dma_start3A_649] : memref<500000x128xf32, #tpu.memory_space<hbm>> -> memref<500000x128xf32, #tpu.memory_space<hbm>>
        %dma_start3A_651 = tpu.memref_slice %arg11[%select_n3A_458] : memref<3x!tpu.dma_semaphore, #tpu.memory_space<semaphore_mem>> -> memref<1x!tpu.dma_semaphore, #tpu.memory_space<semaphore_mem>>
        %dma_start3A_652 = tpu.memref_squeeze %dma_start3A_651 : memref<1x!tpu.dma_semaphore, #tpu.memory_space<semaphore_mem>> -> memref<!tpu.dma_semaphore, #tpu.memory_space<semaphore_mem>>
        tpu.enqueue_indirect_dma source(%dma_start3A_650 : memref<500000x128xf32, #tpu.memory_space<hbm>>) target(%dma_start3A_647 : memref<16x128xf32, #tpu.memory_space<vmem>>) offsets(%get3A_643 : vector<16xi32>) semaphore(%dma_start3A_652 : memref<!tpu.dma_semaphore, #tpu.memory_space<semaphore_mem>>)
        %get3A_653 = arith.index_cast %add3A_600 : i32 to index
        %get3A_654 = arith.constant 64 : index
        %get3A_655 = tpu.vector_load %arg7[%get3A_653, %get3A_654] {strides = array<i32>} : memref<50x128xi32, #tpu.memory_space<vmem>>, vector<1x16xi32>,
        %get3A_656 = vector.shape_cast %get3A_655 : vector<1x16xi32> to vector<16xi32>
        %dma_start3A_657 = arith.constant 64 : i32
        %dma_start3A_658 = arith.constant 0 : i32
        %dma_start3A_659 = tpu.memref_slice %arg9[%select_n3A_458, %dma_start3A_657, %dma_start3A_658] : memref<3x128x128xf32, #tpu.memory_space<vmem>> -> memref<1x16x128xf32, #tpu.memory_space<vmem>>
        %dma_start3A_660 = tpu.memref_squeeze %dma_start3A_659 : memref<1x16x128xf32, #tpu.memory_space<vmem>> -> memref<16x128xf32, #tpu.memory_space<vmem>>
        %dma_start3A_661 = arith.constant 0 : i32
        %dma_start3A_662 = arith.constant 0 : i32
        %dma_start3A_663 = tpu.memref_slice %arg3[%dma_start3A_661, %dma_start3A_662] : memref<500000x128xf32, #tpu.memory_space<hbm>> -> memref<500000x128xf32, #tpu.memory_space<hbm>>
        %dma_start3A_664 = tpu.memref_slice %arg11[%select_n3A_458] : memref<3x!tpu.dma_semaphore, #tpu.memory_space<semaphore_mem>> -> memref<1x!tpu.dma_semaphore, #tpu.memory_space<semaphore_mem>>
        %dma_start3A_665 = tpu.memref_squeeze %dma_start3A_664 : memref<1x!tpu.dma_semaphore, #tpu.memory_space<semaphore_mem>> -> memref<!tpu.dma_semaphore, #tpu.memory_space<semaphore_mem>>
        tpu.enqueue_indirect_dma source(%dma_start3A_663 : memref<500000x128xf32, #tpu.memory_space<hbm>>) target(%dma_start3A_660 : memref<16x128xf32, #tpu.memory_space<vmem>>) offsets(%get3A_656 : vector<16xi32>) semaphore(%dma_start3A_665 : memref<!tpu.dma_semaphore, #tpu.memory_space<semaphore_mem>>)
        %get3A_666 = arith.index_cast %add3A_600 : i32 to index
        %get3A_667 = arith.constant 80 : index
        %get3A_668 = tpu.vector_load %arg7[%get3A_666, %get3A_667] {strides = array<i32>} : memref<50x128xi32, #tpu.memory_space<vmem>>, vector<1x16xi32>,
        %get3A_669 = vector.shape_cast %get3A_668 : vector<1x16xi32> to vector<16xi32>
        %dma_start3A_670 = arith.constant 80 : i32
        %dma_start3A_671 = arith.constant 0 : i32
        %dma_start3A_672 = tpu.memref_slice %arg9[%select_n3A_458, %dma_start3A_670, %dma_start3A_671] : memref<3x128x128xf32, #tpu.memory_space<vmem>> -> memref<1x16x128xf32, #tpu.memory_space<vmem>>
        %dma_start3A_673 = tpu.memref_squeeze %dma_start3A_672 : memref<1x16x128xf32, #tpu.memory_space<vmem>> -> memref<16x128xf32, #tpu.memory_space<vmem>>
        %dma_start3A_674 = arith.constant 0 : i32
        %dma_start3A_675 = arith.constant 0 : i32
        %dma_start3A_676 = tpu.memref_slice %arg3[%dma_start3A_674, %dma_start3A_675] : memref<500000x128xf32, #tpu.memory_space<hbm>> -> memref<500000x128xf32, #tpu.memory_space<hbm>>
        %dma_start3A_677 = tpu.memref_slice %arg11[%select_n3A_458] : memref<3x!tpu.dma_semaphore, #tpu.memory_space<semaphore_mem>> -> memref<1x!tpu.dma_semaphore, #tpu.memory_space<semaphore_mem>>
        %dma_start3A_678 = tpu.memref_squeeze %dma_start3A_677 : memref<1x!tpu.dma_semaphore, #tpu.memory_space<semaphore_mem>> -> memref<!tpu.dma_semaphore, #tpu.memory_space<semaphore_mem>>
        tpu.enqueue_indirect_dma source(%dma_start3A_676 : memref<500000x128xf32, #tpu.memory_space<hbm>>) target(%dma_start3A_673 : memref<16x128xf32, #tpu.memory_space<vmem>>) offsets(%get3A_669 : vector<16xi32>) semaphore(%dma_start3A_678 : memref<!tpu.dma_semaphore, #tpu.memory_space<semaphore_mem>>)
        %get3A_679 = arith.index_cast %add3A_600 : i32 to index
        %get3A_680 = arith.constant 96 : index
        %get3A_681 = tpu.vector_load %arg7[%get3A_679, %get3A_680] {strides = array<i32>} : memref<50x128xi32, #tpu.memory_space<vmem>>, vector<1x16xi32>,
        %get3A_682 = vector.shape_cast %get3A_681 : vector<1x16xi32> to vector<16xi32>
        %dma_start3A_683 = arith.constant 96 : i32
        %dma_start3A_684 = arith.constant 0 : i32
        %dma_start3A_685 = tpu.memref_slice %arg9[%select_n3A_458, %dma_start3A_683, %dma_start3A_684] : memref<3x128x128xf32, #tpu.memory_space<vmem>> -> memref<1x16x128xf32, #tpu.memory_space<vmem>>
        %dma_start3A_686 = tpu.memref_squeeze %dma_start3A_685 : memref<1x16x128xf32, #tpu.memory_space<vmem>> -> memref<16x128xf32, #tpu.memory_space<vmem>>
        %dma_start3A_687 = arith.constant 0 : i32
        %dma_start3A_688 = arith.constant 0 : i32
        %dma_start3A_689 = tpu.memref_slice %arg3[%dma_start3A_687, %dma_start3A_688] : memref<500000x128xf32, #tpu.memory_space<hbm>> -> memref<500000x128xf32, #tpu.memory_space<hbm>>
        %dma_start3A_690 = tpu.memref_slice %arg11[%select_n3A_458] : memref<3x!tpu.dma_semaphore, #tpu.memory_space<semaphore_mem>> -> memref<1x!tpu.dma_semaphore, #tpu.memory_space<semaphore_mem>>
        %dma_start3A_691 = tpu.memref_squeeze %dma_start3A_690 : memref<1x!tpu.dma_semaphore, #tpu.memory_space<semaphore_mem>> -> memref<!tpu.dma_semaphore, #tpu.memory_space<semaphore_mem>>
        tpu.enqueue_indirect_dma source(%dma_start3A_689 : memref<500000x128xf32, #tpu.memory_space<hbm>>) target(%dma_start3A_686 : memref<16x128xf32, #tpu.memory_space<vmem>>) offsets(%get3A_682 : vector<16xi32>) semaphore(%dma_start3A_691 : memref<!tpu.dma_semaphore, #tpu.memory_space<semaphore_mem>>)
        %get3A_692 = arith.index_cast %add3A_600 : i32 to index
        %get3A_693 = arith.constant 112 : index
        %get3A_694 = tpu.vector_load %arg7[%get3A_692, %get3A_693] {strides = array<i32>} : memref<50x128xi32, #tpu.memory_space<vmem>>, vector<1x16xi32>,
        %get3A_695 = vector.shape_cast %get3A_694 : vector<1x16xi32> to vector<16xi32>
        %dma_start3A_696 = arith.constant 112 : i32
        %dma_start3A_697 = arith.constant 0 : i32
        %dma_start3A_698 = tpu.memref_slice %arg9[%select_n3A_458, %dma_start3A_696, %dma_start3A_697] : memref<3x128x128xf32, #tpu.memory_space<vmem>> -> memref<1x16x128xf32, #tpu.memory_space<vmem>>
        %dma_start3A_699 = tpu.memref_squeeze %dma_start3A_698 : memref<1x16x128xf32, #tpu.memory_space<vmem>> -> memref<16x128xf32, #tpu.memory_space<vmem>>
        %dma_start3A_700 = arith.constant 0 : i32
        %dma_start3A_701 = arith.constant 0 : i32
        %dma_start3A_702 = tpu.memref_slice %arg3[%dma_start3A_700, %dma_start3A_701] : memref<500000x128xf32, #tpu.memory_space<hbm>> -> memref<500000x128xf32, #tpu.memory_space<hbm>>
        %dma_start3A_703 = tpu.memref_slice %arg11[%select_n3A_458] : memref<3x!tpu.dma_semaphore, #tpu.memory_space<semaphore_mem>> -> memref<1x!tpu.dma_semaphore, #tpu.memory_space<semaphore_mem>>
        %dma_start3A_704 = tpu.memref_squeeze %dma_start3A_703 : memref<1x!tpu.dma_semaphore, #tpu.memory_space<semaphore_mem>> -> memref<!tpu.dma_semaphore, #tpu.memory_space<semaphore_mem>>
        tpu.enqueue_indirect_dma source(%dma_start3A_702 : memref<500000x128xf32, #tpu.memory_space<hbm>>) target(%dma_start3A_699 : memref<16x128xf32, #tpu.memory_space<vmem>>) offsets(%get3A_695 : vector<16xi32>) semaphore(%dma_start3A_704 : memref<!tpu.dma_semaphore, #tpu.memory_space<semaphore_mem>>)
      } else {
      }
    }
    %scan3A_395 = arith.constant 50 : i32
    %add3A_396 = arith.constant 3008 : i32
    %add3A_397 = arith.addi %mul3A_2, %add3A_396 : i32
    %dma_wait3A = arith.constant 2 : i32
    %dma_wait3A_398 = arith.constant 2 : i32
    %dma_wait3A_399 = arith.constant 0 : i32
    %dma_wait3A_400 = arith.constant 0 : i32
    %dma_wait3A_401 = tpu.memref_slice %arg10[%dma_wait3A, %dma_wait3A_399, %dma_wait3A_400] : memref<3x64x128xf32, #tpu.memory_space<vmem>> -> memref<1x64x128xf32, #tpu.memory_space<vmem>>
    %dma_wait3A_402 = tpu.memref_squeeze %dma_wait3A_401 : memref<1x64x128xf32, #tpu.memory_space<vmem>> -> memref<64x128xf32, #tpu.memory_space<vmem>>
    %dma_wait3A_403 = arith.constant 0 : i32
    %dma_wait3A_404 = tpu.memref_slice %arg5[%add3A_397, %dma_wait3A_403] : memref<102400x128xf32, #tpu.memory_space<hbm>> -> memref<64x128xf32, #tpu.memory_space<hbm>>
    %dma_wait3A_405 = tpu.memref_slice %arg12[%dma_wait3A_398] : memref<3x!tpu.dma_semaphore, #tpu.memory_space<semaphore_mem>> -> memref<1x!tpu.dma_semaphore, #tpu.memory_space<semaphore_mem>>
    %dma_wait3A_406 = tpu.memref_squeeze %dma_wait3A_405 : memref<1x!tpu.dma_semaphore, #tpu.memory_space<semaphore_mem>> -> memref<!tpu.dma_semaphore, #tpu.memory_space<semaphore_mem>>
    %dma_wait3A_407 = arith.constant 0 : i32
    %dma_wait3A_408 = tpu.memref_slice %arg5[%add3A_397, %dma_wait3A_407] : memref<102400x128xf32, #tpu.memory_space<hbm>> -> memref<64x128xf32, #tpu.memory_space<hbm>>
    %dma_wait3A_409 = arith.constant 0 : i32
    %dma_wait3A_410 = arith.constant 0 : i32
    %dma_wait3A_411 = tpu.memref_slice %arg10[%dma_wait3A, %dma_wait3A_409, %dma_wait3A_410] : memref<3x64x128xf32, #tpu.memory_space<vmem>> -> memref<1x64x128xf32, #tpu.memory_space<vmem>>
    %dma_wait3A_412 = tpu.memref_squeeze %dma_wait3A_411 : memref<1x64x128xf32, #tpu.memory_space<vmem>> -> memref<64x128xf32, #tpu.memory_space<vmem>>
    tpu.wait_dma2 semaphore(%dma_wait3A_406 : memref<!tpu.dma_semaphore, #tpu.memory_space<semaphore_mem>>) src(%dma_wait3A_412 : memref<64x128xf32, #tpu.memory_space<vmem>>) dst(%dma_wait3A_408 : memref<64x128xf32, #tpu.memory_space<hbm>>)
    %add3A_413 = arith.constant 3072 : i32
    %add3A_414 = arith.addi %mul3A_2, %add3A_413 : i32
    %dma_wait3A_415 = arith.constant 0 : i32
    %dma_wait3A_416 = arith.constant 0 : i32
    %dma_wait3A_417 = arith.constant 0 : i32
    %dma_wait3A_418 = arith.constant 0 : i32
    %dma_wait3A_419 = tpu.memref_slice %arg10[%dma_wait3A_415, %dma_wait3A_417, %dma_wait3A_418] : memref<3x64x128xf32, #tpu.memory_space<vmem>> -> memref<1x64x128xf32, #tpu.memory_space<vmem>>
    %dma_wait3A_420 = tpu.memref_squeeze %dma_wait3A_419 : memref<1x64x128xf32, #tpu.memory_space<vmem>> -> memref<64x128xf32, #tpu.memory_space<vmem>>
    %dma_wait3A_421 = arith.constant 0 : i32
    %dma_wait3A_422 = tpu.memref_slice %arg5[%add3A_414, %dma_wait3A_421] : memref<102400x128xf32, #tpu.memory_space<hbm>> -> memref<64x128xf32, #tpu.memory_space<hbm>>
    %dma_wait3A_423 = tpu.memref_slice %arg12[%dma_wait3A_416] : memref<3x!tpu.dma_semaphore, #tpu.memory_space<semaphore_mem>> -> memref<1x!tpu.dma_semaphore, #tpu.memory_space<semaphore_mem>>
    %dma_wait3A_424 = tpu.memref_squeeze %dma_wait3A_423 : memref<1x!tpu.dma_semaphore, #tpu.memory_space<semaphore_mem>> -> memref<!tpu.dma_semaphore, #tpu.memory_space<semaphore_mem>>
    %dma_wait3A_425 = arith.constant 0 : i32
    %dma_wait3A_426 = tpu.memref_slice %arg5[%add3A_414, %dma_wait3A_425] : memref<102400x128xf32, #tpu.memory_space<hbm>> -> memref<64x128xf32, #tpu.memory_space<hbm>>
    %dma_wait3A_427 = arith.constant 0 : i32
    %dma_wait3A_428 = arith.constant 0 : i32
    %dma_wait3A_429 = tpu.memref_slice %arg10[%dma_wait3A_415, %dma_wait3A_427, %dma_wait3A_428] : memref<3x64x128xf32, #tpu.memory_space<vmem>> -> memref<1x64x128xf32, #tpu.memory_space<vmem>>
    %dma_wait3A_430 = tpu.memref_squeeze %dma_wait3A_429 : memref<1x64x128xf32, #tpu.memory_space<vmem>> -> memref<64x128xf32, #tpu.memory_space<vmem>>
    tpu.wait_dma2 semaphore(%dma_wait3A_424 : memref<!tpu.dma_semaphore, #tpu.memory_space<semaphore_mem>>) src(%dma_wait3A_430 : memref<64x128xf32, #tpu.memory_space<vmem>>) dst(%dma_wait3A_426 : memref<64x128xf32, #tpu.memory_space<hbm>>)
    %add3A_431 = arith.constant 3136 : i32
    %add3A_432 = arith.addi %mul3A_2, %add3A_431 : i32
    %dma_wait3A_433 = arith.constant 1 : i32
    %dma_wait3A_434 = arith.constant 1 : i32
    %dma_wait3A_435 = arith.constant 0 : i32
    %dma_wait3A_436 = arith.constant 0 : i32
    %dma_wait3A_437 = tpu.memref_slice %arg10[%dma_wait3A_433, %dma_wait3A_435, %dma_wait3A_436] : memref<3x64x128xf32, #tpu.memory_space<vmem>> -> memref<1x64x128xf32, #tpu.memory_space<vmem>>
    %dma_wait3A_438 = tpu.memref_squeeze %dma_wait3A_437 : memref<1x64x128xf32, #tpu.memory_space<vmem>> -> memref<64x128xf32, #tpu.memory_space<vmem>>
    %dma_wait3A_439 = arith.constant 0 : i32
    %dma_wait3A_440 = tpu.memref_slice %arg5[%add3A_432, %dma_wait3A_439] : memref<102400x128xf32, #tpu.memory_space<hbm>> -> memref<64x128xf32, #tpu.memory_space<hbm>>
    %dma_wait3A_441 = tpu.memref_slice %arg12[%dma_wait3A_434] : memref<3x!tpu.dma_semaphore, #tpu.memory_space<semaphore_mem>> -> memref<1x!tpu.dma_semaphore, #tpu.memory_space<semaphore_mem>>
    %dma_wait3A_442 = tpu.memref_squeeze %dma_wait3A_441 : memref<1x!tpu.dma_semaphore, #tpu.memory_space<semaphore_mem>> -> memref<!tpu.dma_semaphore, #tpu.memory_space<semaphore_mem>>
    %dma_wait3A_443 = arith.constant 0 : i32
    %dma_wait3A_444 = tpu.memref_slice %arg5[%add3A_432, %dma_wait3A_443] : memref<102400x128xf32, #tpu.memory_space<hbm>> -> memref<64x128xf32, #tpu.memory_space<hbm>>
    %dma_wait3A_445 = arith.constant 0 : i32
    %dma_wait3A_446 = arith.constant 0 : i32
    %dma_wait3A_447 = tpu.memref_slice %arg10[%dma_wait3A_433, %dma_wait3A_445, %dma_wait3A_446] : memref<3x64x128xf32, #tpu.memory_space<vmem>> -> memref<1x64x128xf32, #tpu.memory_space<vmem>>
    %dma_wait3A_448 = tpu.memref_squeeze %dma_wait3A_447 : memref<1x64x128xf32, #tpu.memory_space<vmem>> -> memref<64x128xf32, #tpu.memory_space<vmem>>
    tpu.wait_dma2 semaphore(%dma_wait3A_442 : memref<!tpu.dma_semaphore, #tpu.memory_space<semaphore_mem>>) src(%dma_wait3A_448 : memref<64x128xf32, #tpu.memory_space<vmem>>) dst(%dma_wait3A_444 : memref<64x128xf32, #tpu.memory_space<hbm>>)
    return
  }
}

</mosaic_0001>

<sc_bundles>
// kernel: _lookup.3.cloned.1.call-start
scs
__scs_entry_jumppad:
0x0: {  	(pc) =	sbr.rel $0x88, $3  }
0x1: {  	(tag) =	ssettag $0x0;
	lr =	simm.s32 $0x1  }
0x2: {  	[smem:$0x3F9E] =	sst lr;
	_ =	strace $0xD0000000  }
0x3: {  	_ = 	snop  }
0x4: {  	_ = 	snop  }
0x5: {  	_ = 	snop  }
0x6: {  	_ = 	snop  }
0x7: {  	_ = 	snop  }
__scs_overlays_trampoline_lowered:
0x8: {  	[smem:$0x3FAD] =	sst s0  }
0x9: {  	[smem:$0x3FAE] =	sst s1  }
0xa: {  	[smem:$0x3FAF] =	sst s2  }
0xb: {  	[smem:$0x3FB0] =	sst s3  }
0xc: {  	[smem:$0x3FB1] =	sst s4  }
0xd: {  	[smem:$0x3FB2] =	sst s5  }
0xe: {  	[smem:$0x3FB3] =	sst s6  }
0xf: {  	[smem:$0x3FB4] =	sst s7  }
0x10: {  	[smem:$0x3FB5] =	sst s8  }
0x11: {  	[smem:$0x3FB6] =	sst s9;
	s0 =	simm.s32 @!p0 $0x0  }
0x12: {  	s1 =	sld [smem:$0x3F9C];
	s0 =	simm.s32 @p0 $0x1  }
0x13: {  	[smem:$0x3FB7] =	sst s0;
	s0 =	simm.s32 @!p1 $0x0  }
0x14: {  	s2 =	sld [smem:$0x3F9B];
	s0 =	simm.s32 @p1 $0x1  }
0x15: {  	[smem:$0x3FB8] =	sst s0;
	s0 =	simm.s32 @!p2 $0x0  }
0x16: {  	s3 =	sld [smem:$0x3FDB];
	s0 =	simm.s32 @p2 $0x1  }
0x17: {  	s4 =	simm.s32 $0x1BF5;
	[smem:$0x3FBA] =	sst s0  }
0x18: {  	s0 =	sld [smem:$0x3F9D];
	_ =	swait.ge [sflag:s4], $0x0  }
0x19: {  	s7 =	sld [smem:$0x3F9E]  }
0x1a: {  	s8 =	sadd.s32 $0xFFFFE003, lr  }
0x1b: {  	s9 =	sadd.s32 $0xFFFFFEF7, lr;
	s5 =	simm.s32 $0xFFFFFFFF;
	p2 =	slt.u32 s8, $0xFFFFF086  }
0x1c: {  	p1 =	slt.u32 s9, $0xF7A;
	s5 =	simm.s32 @!p2 $0x0  }
0x1d: {  	s5 =	simm.s32 @p1 $0x1;
	p0 =	seq.s32 s7, s2  }
0x1e: {  	s7 =	smul.u32 @!p0 $0xF7A, s2;
	p2 =	seq.s32 @!p0 s5, $0x0  }
0x1f: {  	s9 =	smul.u32 $0xF7A, s1;
	s8 =	simm.s32 @!p0 $0x1BF5;
	p2 =	por !p2, p0  }
0x20: {  	[sflag:s8] =	ssyncset.s32 @!p0 $0xFFFFF086;
	s6 =	sadd.s32 @!p0 s3, s7;
	s7 =	simm.s32 @!p0 $0x108  }
0x21: {  	s3 =	sadd.s32 s3, s9;
	s6 =	sadd.s32 @!p0 $0x88, s6;
	s7 =	simm.s32 @p2 $0x1082  }
0x22: {  	[simem:s7], [sflag:s8] =	dma.local @!p0 [hbm:s6], $0xF7A  }
0x23: {  	s9 =	sor.u32 $0xD0000000, s2;
	s6 =	simm.s32 $0x108;
	_ =	swait.ge @!p0 [sflag:s8], $0x0  }
0x24: {  	s3 =	sadd.s32 $0x88, s3;
	s6 =	simm.s32 @!p1 $0x1082;
	[sflag:s4] =	ssyncset.s32 $0xFFFFF086  }
0x25: {  	[simem:s6], [sflag:s4] =	dma.local [hbm:s3], $0xF7A  }
0x26: {  	[smem:$0x3F9E] =	sst s1;
	(tag) =	ssettag s2;
	_ =	strace s9  }
0x27: {  	s1 =	sld [smem:$0x3FAE]  }
0x28: {  	s2 =	sld [smem:$0x3FAF]  }
0x29: {  	s4 =	sld [smem:$0x3FB1]  }
0x2a: {  	p0 =	seq.s32 s5, $0x0;
	s5 =	sld [smem:$0x3FB2]  }
0x2b: {  	s6 =	sld [smem:$0x3FB3]  }
0x2c: {  	s7 =	sld [smem:$0x3FB4]  }
0x2d: {  	s3 =	simm.s32 $0x108;
	s8 =	sld [smem:$0x3FB5]  }
0x2e: {  	s3 =	simm.s32 @!p0 $0x1082;
	s9 =	sld [smem:$0x3FB6]  }
0x2f: {  	lr =	sadd.s32 s0, s3;
	s0 =	sld [smem:$0x3FAD]  }
0x30: {  	s3 =	sld [smem:$0x3FB0]  }
0x31: {  	[smem:$0x3FB9] =	sst s10  }
0x32: {  	s10 =	sld [smem:$0x3FB7];
	_ =	sdelay $0x3  }
0x33: {  	p0 =	seq.s32 s10, $0x1;
	s10 =	sld [smem:$0x3FB9];
	_ =	sdelay $0x3  }
0x34: {  	[smem:$0x3FB9] =	sst s10  }
0x35: {  	s10 =	sld [smem:$0x3FB8];
	_ =	sdelay $0x3  }
0x36: {  	p1 =	seq.s32 s10, $0x1;
	s10 =	sld [smem:$0x3FB9];
	_ =	sdelay $0x3  }
0x37: {  	[smem:$0x3FB9] =	sst s10  }
0x38: {  	s10 =	sld [smem:$0x3FBA]  }
0x39: {  	_ = 	snop;
	(pc) =	sbr.ind lr, $3  }
0x3a: {  	_ = 	snop  }
0x3b: {  	_ = 	snop  }
0x3c: {  	p2 =	seq.s32 s10, $0x1;
	s10 =	sld [smem:$0x3FB9]  }
0x3d: {  	_ =	shalt  }
0x3e: {  	_ =	shalt  }
0x3f: {  	_ =	shalt  }
0x40: {  	_ =	shalt  }
0x41: {  	_ =	shalt  }
0x42: {  	_ =	shalt  }
0x43: {  	_ =	shalt  }
0x44: {  	_ =	shalt  }
0x45: {  	_ =	shalt  }
0x46: {  	_ =	shalt  }
0x47: {  	_ =	shalt  }
0x48: {  	_ =	shalt  }
0x49: {  	_ =	shalt  }
0x4a: {  	_ =	shalt  }
0x4b: {  	_ =	shalt  }
0x4c: {  	_ =	shalt  }
0x4d: {  	_ =	shalt  }
0x4e: {  	_ =	shalt  }
0x4f: {  	_ =	shalt  }
0x50: {  	_ =	shalt  }
0x51: {  	_ =	shalt  }
0x52: {  	_ =	shalt  }
0x53: {  	_ =	shalt  }
0x54: {  	_ =	shalt  }
0x55: {  	_ =	shalt  }
0x56: {  	_ =	shalt  }
0x57: {  	_ =	shalt  }
0x58: {  	_ =	shalt  }
0x59: {  	_ =	shalt  }
0x5a: {  	_ =	shalt  }
0x5b: {  	_ =	shalt  }
0x5c: {  	_ =	shalt  }
0x5d: {  	_ =	shalt  }
0x5e: {  	_ =	shalt  }
0x5f: {  	_ =	shalt  }
0x60: {  	_ =	shalt  }
0x61: {  	_ =	shalt  }
0x62: {  	_ =	shalt  }
0x63: {  	_ =	shalt  }
0x64: {  	_ =	shalt  }
0x65: {  	_ =	shalt  }
0x66: {  	_ =	shalt  }
0x67: {  	_ =	shalt  }
0x68: {  	_ =	shalt  }
0x69: {  	_ =	shalt  }
0x6a: {  	_ =	shalt  }
0x6b: {  	_ =	shalt  }
0x6c: {  	_ =	shalt  }
0x6d: {  	_ =	shalt  }
0x6e: {  	_ =	shalt  }
0x6f: {  	_ =	shalt  }
0x70: {  	_ =	shalt  }
0x71: {  	_ =	shalt  }
0x72: {  	_ =	shalt  }
0x73: {  	_ =	shalt  }
0x74: {  	_ =	shalt  }
0x75: {  	_ =	shalt  }
0x76: {  	_ =	shalt  }
0x77: {  	_ =	shalt  }
0x78: {  	_ =	shalt  }
0x79: {  	_ =	shalt  }
0x7a: {  	_ =	shalt  }
0x7b: {  	_ =	shalt  }
0x7c: {  	_ =	shalt  }
0x7d: {  	_ =	shalt  }
0x7e: {  	_ =	shalt  }
0x7f: {  	_ =	shalt  }
0x80: {  	_ =	shalt  }
0x81: {  	_ =	shalt  }
0x82: {  	_ =	shalt  }
0x83: {  	_ =	shalt  }
0x84: {  	_ =	shalt  }
0x85: {  	_ =	shalt  }
0x86: {  	_ =	shalt  }
0x87: {  	_ =	shalt  }
.Lfunc_end0:
.L_simem_size_0:
called_computation_lowered:
.L_overlay_start_0:
0x88: {  	s2 =	sld [smem:$0x3FD9]  }
0x89: {  	s3 =	sld [smem:$0x3FFE];
	_ =	sdelay $0x1  }
0x8a: {  	s1 =	srdreg.scid  }
0x8b: {  	s0 =	sand.u32 $0x1, s1  }
0x8c: {  	s17 =	sshll.u32 s0, $0xA;
	s2 =	sadd.s32 s3, s2  }
0x8d: {  	s2 =	sadd.s32 s2, s17  }
0x8e: {  	[smem:$0x3FC5] =	sst s2  }
0x8f: {  	_ = 	snop  }
0x90: {  	s2 =	sld [smem:$0x3FC8]  }
0x91: {  	s18 =	sld [smem:$0x3FD0];
	(tm) =	ssettm $0x1  }
0x92: {  	s4 =	sld [smem:$0x3FFB];
	_ =	sdelay $0x3  }
0x93: {  	_ =	strace s4  }
0x94: {  	s4 =	sld [smem:$0x3FFC];
	_ =	sdelay $0x3  }
0x95: {  	_ =	strace s4  }
0x96: {  	s4 =	sld [smem:$0x3FFD];
	_ =	sdelay $0x3  }
0x97: {  	_ =	strace s4  }
0x98: {  	_ =	strace $0x8FFFFFFF  }
0x99: {  	s19 =	sld [smem:$0x3FDB];
	_ =	sdelay $0x1  }
0x9a: {  	s5 =	simm.s32 $_scs_section_size  }
0x9b: {  	s6 =	simm.s32 $_size__tile_overlayer_lowered;
	s7 =	simm.s32 $_tile_overlayer_lowered  }
0x9c: {  	s22 =	simm.s32 $0x1BFF;
	s21 =	sshll.u32 s7, $0x1;
	s4 =	sadd.s32 s5, s19  }
0x9d: {  	s8 =	simm.s32 $0x0;
	s20 =	sshll.u32 s6, $0x1;
	s6 =	sadd.s32 s21, s4  }
0x9e: {  	[timem:s8], [sflag:s22] =	dma.local [hbm:s6], s20  }
0x9f: {  	_ =	swait.ge [sflag:s22], s20  }
0xa0: {  	s5 =	ssub.s32 $0x0, s20;
	[sflag:s22] =	ssyncset.done $0x0  }
0xa1: {  	[sflag:s22] =	ssyncadd.s32 s5;
	_ =	sdelay $0x1  }
0xa2: {  	s23 =	simm.s32 $0x1B8B  }
0xa3: {  	_ =	swait.ge [sflag:s23], $0x1  }
0xa4: {  	[sflag:s23] =	ssyncset.done $0x0  }
0xa5: {  	s25 =	simm.s32 $0x1B8E;
	s24 =	sld [smem:$0x3FFE];
	[sflag:s23] =	ssyncadd.s32 $0xFFFFFFFF  }
0xa6: {  	s26 =	simm.s32 $execute0_lowered;
	[smem:$0x3FD2] =	sst s25  }
0xa7: {  	s6 =	sshll.u32 s26, $0x1;
	_ =	strace $0x80000046;
	[dreg:$0x1] =	wrdreg $0xFFFFFFFF  }
0xa8: {  	s28 =	simm.s32 $_size_execute0_lowered;
	s4 =	sadd.s32 s4, s6;
	[dreg:$0x0] =	wrdreg $0x0  }
0xa9: {  	s6 =	sshll.u32 s28, $0x1;
	[dreg:$0x2] =	wrdreg s4  }
0xaa: {  	[dreg:$0x3] =	wrdreg s6  }
0xab: {  	[dreg:$0x4] =	wrdreg $0xC0  }
0xac: {  	_ =	task [dreg:s8], $0x5FFFF  }
0xad: {  	[dreg:$0x1] =	wrdreg $0xFFFFFFFF  }
0xae: {  	[dreg:$0x0] =	wrdreg $0x60  }
0xaf: {  	[dreg:$0x2] =	wrdreg s24  }
0xb0: {  	[dreg:$0x3] =	wrdreg s2  }
0xb1: {  	[dreg:$0x4] =	wrdreg s18  }
0xb2: {  	[dreg:$0x5] =	wrdreg $0x9  }
0xb3: {  	_ =	task.clear_ibuf [dreg:s8], $0x6FFFF;
	_ =	strace $0x90000046  }
0xb4: {  	s29 =	simm.s32 $0x9;
	_ =	strace $0x80000048  }
0xb5: {  	_ =	swait.ge [sflag:s29], $0x1  }
0xb6: {  	[sflag:s29] =	ssyncadd.s32 $0xFFFFFFFF  }
0xb7: {  	_ =	strace $0x90000048  }
0xb8: {  	_ =	sfence  }
0xb9: {  	s30 =	sld [smem:$0x0];
	_ =	sdelay $0x2  }
0xba: {  	s31 =	sshll.u32 s1, $0xD;
	s1 =	sshrl.u32 s1, $0x2  }
0xbb: {  	s3 =	sand.u32 $0x4000, s31;
	s1 =	sadd.s32 s1, s30  }
0xbc: {  	s0 =	sor.u32 s3, s0;
	s1 =	sshll.u32 s1, $0x11  }
0xbd: {  	s0 =	sor.u32 s1, s0  }
0xbe: {  	s0 =	sadd.s32 $0x8F2B, s0  }
0xbf: {  	[sflag:s0] =	ssyncadd.remote.s32 $0x1  }
0xc0: {  	_ =	sfence.sel $0xFFFF  }
0xc1: {  	[dreg:$0x0] =	wrdreg $0xFFFFFFFF;
	(pc) =	sbr.abs _section_cstart, $3  }
0xc2: {  	[dreg:$0x1] =	wrdreg $0xFFFFFFFF  }
0xc3: {  	_ =	task.clear_ibuf [dreg:s8], $0x2FFFF;
	_ =	strace $0x9FFFFFFF  }
0xc4: {  	(tm) =	ssettm $0x7FFFFFFF  }
0xc5: {  	_ =	shalt  }
tec
execute0_lowered:
.L_overlay_start_1:
0x0: {  	(tag) =	ssettag $0x1  }
0x1: {  	s0 =	rddreg [dreg:$0x0]  }
0x2: {  	s2 =	rddreg [dreg:$0x1];
	s4 =	stileid.u32  }
0x3: {  	s3 =	rddreg [dreg:$0x2];
	s5 =	sshll.u32 s4, $0x1;
	s4 =	simm.s32 $0x0  }
0x4: {  	s16 =	simm.s32 $0xFFFF9C80;
	[smem:$0x7FF] =	sst s4  }
0x5: {  	s17 =	simm.s32 $0xFFFF9D00;
	_ =	strace $0x80000047;
	[dreg:$0x4] =	wrdreg s16  }
0x6: {  	s18 =	simm.s32 $0xFFFF9D80;
	[dreg:$0x5] =	wrdreg s17  }
0x7: {  	s19 =	simm.s32 $0xFFFF9E00;
	[dreg:$0x6] =	wrdreg s18  }
0x8: {  	s20 =	simm.s32 $0xFFFF9E80;
	[dreg:$0x7] =	wrdreg s19  }
0x9: {  	s21 =	simm.s32 $0xFFFF9F00;
	[dreg:$0x8] =	wrdreg s20  }
0xa: {  	s22 =	simm.s32 $0xFFFF9F80;
	[dreg:$0x9] =	wrdreg s21  }
0xb: {  	s23 =	simm.s32 $0xFFFFA000;
	[dreg:$0xa] =	wrdreg s22  }
0xc: {  	s24 =	simm.s32 $0xFFFFA080;
	[dreg:$0xb] =	wrdreg s23  }
0xd: {  	s1 =	srdreg.scid;
	s25 =	simm.s32 $0xFFFFA100;
	[dreg:$0xc] =	wrdreg s24  }
0xe: {  	s26 =	simm.s32 $0xFFFFA180;
	s28 =	simm.s32 $0xFFFFA200;
	[dreg:$0xd] =	wrdreg s25  }
0xf: {  	s29 =	simm.s32 $0xFFFFA280;
	s1 =	sand.u32 $0x1, s1;
	[dreg:$0xe] =	wrdreg s26  }
0x10: {  	s30 =	simm.s32 $0xFFFFA300;
	s5 =	sor.u32 s1, s5;
	[dreg:$0xf] =	wrdreg s28  }
0x11: {  	s1 =	ssub.s32 $0x2, s1;
	s6 =	smul.u32 $0x380, s5;
	[dreg:$0x10] =	wrdreg s29  }
0x12: {  	s31 =	simm.s32 $0xFFFFA380;
	s14 =	sshrl.u32 s1, $0x1;
	[dreg:$0x11] =	wrdreg s30  }
0x13: {  	[dreg:$0x12] =	wrdreg s31;
	s6 =	sadd.s32 s6, s0;
	s0 =	sadd.s32 $0x400, s0  }
0x14: {  	[dreg:$0x13] =	wrdreg s0;
	s0 =	ssub.s32 s1, s14;
	s15 =	sadd.s32 $0x1200, s6  }
0x15: {  	[dreg:$0x14] =	wrdreg s15;
	s0 =	smax.u32 s0, $0x1  }
0x16: {  	vm0 =	vmmov $0xffff;
	s7 =	smul.u32 $0x64000, s5;
	s5 =	simm.s32 $0x0;
	[dreg:$0x15] =	wrdreg s0  }
.LBB2_1:
0x17: {  	[dreg:$0x16] =	wrdreg s5  }
0x18: {  	s0 =	rddreg [dreg:$0x14];
	s1 =	simm.s32 $0x7  }
0x19: {  	[tilespmem:s4], [sflag:$0x7] =	stream.linear.gather [hbm4b:s0+s4], $0x1900, $0x38;
	[tilespmem:$0x1BC00] =	vst v63  }
0x1a: {  	_ =	swait.ge [sflag:s1], $0x1900  }
0x1b: {  	[sflag:s1] =	ssyncset.done $0x0  }
0x1c: {  	s31 =	simm.s32 $0x3800;
	s30 =	rddreg [dreg:$0x13];
	[sflag:s1] =	ssyncadd.s32 $0xFFFFE700  }
0x1d: {  	[tilespmem:s31], [sflag:$0x7] =	stream.linear.gather [hbm4b:s30+s4], $0x6400, $0x38;
	[tilespmem:$0x1BC00] =	vst v63  }
0x1e: {  	_ =	swait.ge [sflag:s1], $0x6400  }
0x1f: {  	[sflag:s1] =	ssyncset.done $0x0  }
0x20: {  	[sflag:s1] =	ssyncadd.s32 $0xFFFF9C00;
	s1 =	simm.s32 $0x0  }
0x21: {  	v1 =	vld [tilespmem:s1+$0x70]  }
0x22: {  	v4 =	vld [tilespmem:s1+$0x0]  }
0x23: {  	v5 =	vld [tilespmem:s1+$0x10]  }
0x24: {  	v3 =	vld [tilespmem:s1+$0x20]  }
0x25: {  	v2 =	vld [tilespmem:s1+$0x30]  }
0x26: {  	v0 =	vld [tilespmem:s1+$0x40];
	v6 =	vshra.s32 v1, $0x1  }
0x27: {  	v1 =	vld [tilespmem:s1+$0x50];
	v4 =	vshra.s32 v4, $0x1;
	[tilespmem:s1+$0x1C70] =	vst v6  }
0x28: {  	s5 =	simm.s32 $0x400;
	s0 =	simm.s32 $0x80;
	v5 =	vshra.s32 v5, $0x1;
	[tilespmem:s1+$0x1C00] =	vst v4;
	v4 =	vld [tilespmem:s1+$0x60]  }
.LBB2_2:
0x29: {  	p0 =	sne.s32 s5, $0x6200;
	v6 =	vld [tilespmem:s0+$0x70];
	[tilespmem:s1+$0x1C10] =	vst v5;
	v3 =	vshra.s32 v3, $0x1  }
0x2a: {  	v5 =	vld [tilespmem:s0+$0x0];
	[tilespmem:s1+$0x1C20] =	vst v3;
	v2 =	vshra.s32 v2, $0x1  }
0x2b: {  	v7 =	vld [tilespmem:s0+$0x10];
	[tilespmem:s1+$0x1C30] =	vst v2;
	v0 =	vshra.s32 v0, $0x1  }
.Ltmp0:
0x2c: {  	v3 =	vld [tilespmem:s0+$0x20];
	[tilespmem:s1+$0x1C40] =	vst v0;
	v0 =	vshra.s32 v1, $0x1;
	(pc) =	sbr.rel @p0 .LBB2_2-.Ltmp0, $4  }
0x2d: {  	v2 =	vld [tilespmem:s0+$0x30];
	[tilespmem:s1+$0x1C50] =	vst v0;
	v1 =	vshra.s32 v4, $0x1  }
0x2e: {  	v0 =	vld [tilespmem:s0+$0x40];
	v4 =	vshra.s32 v6, $0x1;
	[tilespmem:s1+$0x1C60] =	vst v1;
	s1 =	smov.u32 s0  }
0x2f: {  	v5 =	vshra.s32 v5, $0x1;
	v1 =	vld [tilespmem:s1+$0x50];
	[tilespmem:s1+$0x1C70] =	vst v4  }
0x30: {  	s0 =	sshra.s32 s5, $0x2;
	s5 =	sadd.s32 $0x200, s5;
	[tilespmem:s1+$0x1C00] =	vst v5;
	v5 =	vshra.s32 v7, $0x1;
	v4 =	vld [tilespmem:s1+$0x60]  }
0x31: {  	v6 =	vld [tilespmem:s0+$0x70];
	[tilespmem:s1+$0x1C10] =	vst v5;
	v3 =	vshra.s32 v3, $0x1  }
0x32: {  	v5 =	vld [tilespmem:s0+$0x0];
	[tilespmem:s1+$0x1C20] =	vst v3;
	v2 =	vshra.s32 v2, $0x1  }
0x33: {  	v3 =	vld [tilespmem:s0+$0x10];
	[tilespmem:s1+$0x1C30] =	vst v2;
	v0 =	vshra.s32 v0, $0x1  }
0x34: {  	v2 =	vld [tilespmem:s0+$0x20];
	[tilespmem:s1+$0x1C40] =	vst v0;
	v51 =	vshra.s32 v1, $0x1  }
0x35: {  	v52 =	vld [tilespmem:s0+$0x30];
	[tilespmem:s1+$0x1C50] =	vst v51;
	v53 =	vshra.s32 v4, $0x1  }
0x36: {  	v54 =	vld [tilespmem:s0+$0x40];
	[tilespmem:s1+$0x1C60] =	vst v53  }
0x37: {  	v56 =	vld [tilespmem:s0+$0x50];
	v5 =	vshra.s32 v5, $0x1  }
0x38: {  	v58 =	vld [tilespmem:s0+$0x60];
	[tilespmem:s0+$0x1C00] =	vst v5;
	v57 =	vshra.s32 v3, $0x1  }
0x39: {  	[tilespmem:s0+$0x1C10] =	vst v57;
	v59 =	vshra.s32 v2, $0x1  }
0x3a: {  	[tilespmem:s0+$0x1C20] =	vst v59;
	v60 =	vshra.s32 v52, $0x1  }
0x3b: {  	[tilespmem:s0+$0x1C30] =	vst v60;
	v61 =	vshra.s32 v54, $0x1  }
0x3c: {  	[tilespmem:s0+$0x1C40] =	vst v61;
	v62 =	vshra.s32 v56, $0x1  }
0x3d: {  	v63 =	vshra.s32 v58, $0x1;
	[tilespmem:s0+$0x1C50] =	vst v62  }
0x3e: {  	[tilespmem:s0+$0x1C60] =	vst v63  }
0x3f: {  	v0 =	vld [tilespmem:$0x1C00];
	_ =	sdelay $0x5  }
0x40: {  	v55 =	vshra.s32 v6, $0x1  }
0x41: {  	s8 =	simm.s32 $0x0;
	s16 =	simm.s32 $0x9C00;
	[tilespmem:s0+$0x1C70] =	vst v55  }
0x42: {  	[tilespmem:s16], [sflag:$0x1] =	stream.indirect_vreg.gather [hbm4b:s2+s8], $0x80, v0, vm0, $0xb8;
	[tilespmem:$0x1BC00] =	vst v63  }
0x43: {  	v0 =	vld [tilespmem:$0x1C10];
	_ =	sdelay $0x6  }
0x44: {  	s5 =	simm.s32 $0xA400  }
0x45: {  	[tilespmem:s5], [sflag:$0x1] =	stream.indirect_vreg.gather [hbm4b:s2+s8], $0x80, v0, vm0, $0xb8;
	[tilespmem:$0x1BC00] =	vst v63  }
0x46: {  	v0 =	vld [tilespmem:$0x1C20];
	_ =	sdelay $0x6  }
0x47: {  	s6 =	simm.s32 $0xAC00  }
0x48: {  	[tilespmem:s6], [sflag:$0x1] =	stream.indirect_vreg.gather [hbm4b:s2+s8], $0x80, v0, vm0, $0xb8;
	[tilespmem:$0x1BC00] =	vst v63  }
0x49: {  	v0 =	vld [tilespmem:$0x1C30];
	_ =	sdelay $0x6  }
0x4a: {  	s9 =	simm.s32 $0xB400  }
0x4b: {  	[tilespmem:s9], [sflag:$0x1] =	stream.indirect_vreg.gather [hbm4b:s2+s8], $0x80, v0, vm0, $0xb8;
	[tilespmem:$0x1BC00] =	vst v63  }
0x4c: {  	v0 =	vld [tilespmem:$0x1C40];
	_ =	sdelay $0x6  }
0x4d: {  	s10 =	simm.s32 $0xBC00  }
0x4e: {  	[tilespmem:s10], [sflag:$0x1] =	stream.indirect_vreg.gather [hbm4b:s2+s8], $0x80, v0, vm0, $0xb8;
	[tilespmem:$0x1BC00] =	vst v63  }
0x4f: {  	v0 =	vld [tilespmem:$0x1C50];
	_ =	sdelay $0x6  }
0x50: {  	s11 =	simm.s32 $0xC400  }
0x51: {  	[tilespmem:s11], [sflag:$0x1] =	stream.indirect_vreg.gather [hbm4b:s2+s8], $0x80, v0, vm0, $0xb8;
	[tilespmem:$0x1BC00] =	vst v63  }
0x52: {  	v0 =	vld [tilespmem:$0x1C60];
	_ =	sdelay $0x6  }
0x53: {  	s12 =	simm.s32 $0xCC00  }
0x54: {  	[tilespmem:s12], [sflag:$0x1] =	stream.indirect_vreg.gather [hbm4b:s2+s8], $0x80, v0, vm0, $0xb8;
	[tilespmem:$0x1BC00] =	vst v63  }
0x55: {  	v0 =	vld [tilespmem:$0x1C70];
	_ =	sdelay $0x6  }
0x56: {  	s13 =	simm.s32 $0xD400  }
0x57: {  	[tilespmem:s13], [sflag:$0x1] =	stream.indirect_vreg.gather [hbm4b:s2+s8], $0x80, v0, vm0, $0xb8;
	[tilespmem:$0x1BC00] =	vst v63  }
0x58: {  	v0 =	vld [tilespmem:$0x1C80];
	_ =	sdelay $0x6  }
0x59: {  	s14 =	simm.s32 $0xDC00  }
0x5a: {  	[tilespmem:s14], [sflag:$0x2] =	stream.indirect_vreg.gather [hbm4b:s2+s8], $0x80, v0, vm0, $0xb8;
	[tilespmem:$0x1BC00] =	vst v63  }
0x5b: {  	v0 =	vld [tilespmem:$0x1C90];
	_ =	sdelay $0x6  }
0x5c: {  	s15 =	simm.s32 $0xE400  }
0x5d: {  	[tilespmem:s15], [sflag:$0x2] =	stream.indirect_vreg.gather [hbm4b:s2+s8], $0x80, v0, vm0, $0xb8;
	[tilespmem:$0x1BC00] =	vst v63  }
0x5e: {  	v0 =	vld [tilespmem:$0x1CA0];
	_ =	sdelay $0x6  }
0x5f: {  	s17 =	simm.s32 $0xEC00  }
0x60: {  	[tilespmem:s17], [sflag:$0x2] =	stream.indirect_vreg.gather [hbm4b:s2+s8], $0x80, v0, vm0, $0xb8;
	[tilespmem:$0x1BC00] =	vst v63  }
0x61: {  	v0 =	vld [tilespmem:$0x1CB0];
	_ =	sdelay $0x6  }
0x62: {  	s18 =	simm.s32 $0xF400  }
0x63: {  	[tilespmem:s18], [sflag:$0x2] =	stream.indirect_vreg.gather [hbm4b:s2+s8], $0x80, v0, vm0, $0xb8;
	[tilespmem:$0x1BC00] =	vst v63  }
0x64: {  	v0 =	vld [tilespmem:$0x1CC0];
	_ =	sdelay $0x6  }
0x65: {  	s19 =	simm.s32 $0xFC00  }
0x66: {  	[tilespmem:s19], [sflag:$0x2] =	stream.indirect_vreg.gather [hbm4b:s2+s8], $0x80, v0, vm0, $0xb8;
	[tilespmem:$0x1BC00] =	vst v63  }
0x67: {  	v0 =	vld [tilespmem:$0x1CD0];
	_ =	sdelay $0x6  }
0x68: {  	s20 =	simm.s32 $0x10400  }
0x69: {  	[tilespmem:s20], [sflag:$0x2] =	stream.indirect_vreg.gather [hbm4b:s2+s8], $0x80, v0, vm0, $0xb8;
	[tilespmem:$0x1BC00] =	vst v63  }
0x6a: {  	v0 =	vld [tilespmem:$0x1CE0];
	_ =	sdelay $0x6  }
0x6b: {  	s21 =	simm.s32 $0x10C00  }
0x6c: {  	[tilespmem:s21], [sflag:$0x2] =	stream.indirect_vreg.gather [hbm4b:s2+s8], $0x80, v0, vm0, $0xb8;
	[tilespmem:$0x1BC00] =	vst v63  }
0x6d: {  	v0 =	vld [tilespmem:$0x1CF0];
	_ =	sdelay $0x6  }
0x6e: {  	s22 =	simm.s32 $0x11400  }
0x6f: {  	[tilespmem:s22], [sflag:$0x2] =	stream.indirect_vreg.gather [hbm4b:s2+s8], $0x80, v0, vm0, $0xb8;
	[tilespmem:$0x1BC00] =	vst v63  }
0x70: {  	v0 =	vld [tilespmem:$0x1D00];
	_ =	sdelay $0x6  }
0x71: {  	s23 =	simm.s32 $0x11C00  }
0x72: {  	[tilespmem:s23], [sflag:$0x3] =	stream.indirect_vreg.gather [hbm4b:s2+s8], $0x80, v0, vm0, $0xb8;
	[tilespmem:$0x1BC00] =	vst v63  }
0x73: {  	v0 =	vld [tilespmem:$0x1D10];
	_ =	sdelay $0x6  }
0x74: {  	s24 =	simm.s32 $0x12400  }
0x75: {  	[tilespmem:s24], [sflag:$0x3] =	stream.indirect_vreg.gather [hbm4b:s2+s8], $0x80, v0, vm0, $0xb8;
	[tilespmem:$0x1BC00] =	vst v63  }
0x76: {  	v0 =	vld [tilespmem:$0x1D20];
	_ =	sdelay $0x6  }
0x77: {  	s25 =	simm.s32 $0x12C00  }
0x78: {  	[tilespmem:s25], [sflag:$0x3] =	stream.indirect_vreg.gather [hbm4b:s2+s8], $0x80, v0, vm0, $0xb8;
	[tilespmem:$0x1BC00] =	vst v63  }
0x79: {  	v0 =	vld [tilespmem:$0x1D30];
	_ =	sdelay $0x6  }
0x7a: {  	s26 =	simm.s32 $0x13400  }
0x7b: {  	[tilespmem:s26], [sflag:$0x3] =	stream.indirect_vreg.gather [hbm4b:s2+s8], $0x80, v0, vm0, $0xb8;
	[tilespmem:$0x1BC00] =	vst v63  }
0x7c: {  	v0 =	vld [tilespmem:$0x1D40];
	_ =	sdelay $0x6  }
0x7d: {  	s28 =	simm.s32 $0x13C00  }
0x7e: {  	[tilespmem:s28], [sflag:$0x3] =	stream.indirect_vreg.gather [hbm4b:s2+s8], $0x80, v0, vm0, $0xb8;
	[tilespmem:$0x1BC00] =	vst v63  }
0x7f: {  	v0 =	vld [tilespmem:$0x1D50];
	_ =	sdelay $0x6  }
0x80: {  	s29 =	simm.s32 $0x14400  }
0x81: {  	[tilespmem:s29], [sflag:$0x3] =	stream.indirect_vreg.gather [hbm4b:s2+s8], $0x80, v0, vm0, $0xb8;
	[tilespmem:$0x1BC00] =	vst v63  }
0x82: {  	v0 =	vld [tilespmem:$0x1D60];
	_ =	sdelay $0x6  }
0x83: {  	s30 =	simm.s32 $0x14C00  }
0x84: {  	[tilespmem:s30], [sflag:$0x3] =	stream.indirect_vreg.gather [hbm4b:s2+s8], $0x80, v0, vm0, $0xb8;
	[tilespmem:$0x1BC00] =	vst v63  }
0x85: {  	v0 =	vld [tilespmem:$0x1D70];
	_ =	sdelay $0x5  }
0x86: {  	s31 =	simm.s32 $0x15400;
	s11 =	simm.s32 $0x15C00  }
0x87: {  	s18 =	simm.s32 $0x0;
	s19 =	simm.s32 $0x0;
	s20 =	simm.s32 $0x0  }
0x88: {  	[tilespmem:s31], [sflag:$0x3] =	stream.indirect_vreg.gather [hbm4b:s2+s8], $0x80, v0, vm0, $0xb8;
	[tilespmem:$0x1BC00] =	vst v63  }
.LBB2_4:
0x89: {  	s0 =	smul.u32 $0xAB, s20;
	_ =	sdelay $0x1  }
0x8a: {  	s0 =	sshrl.u32 s0, $0x9  }
0x8b: {  	s0 =	sand.u32 $0x7F, s0  }
0x8c: {  	s0 =	smul.u32 $0x3, s0;
	_ =	sdelay $0x1  }
0x8d: {  	s0 =	ssub.s32 s20, s0  }
0x8e: {  	s22 =	sand.u32 $0xFF, s0  }
0x8f: {  	s21 =	sadd.s32 $0x1, s22  }
0x90: {  	_ =	swait.ge [sflag:s21], $0x800  }
0x91: {  	[sflag:s21] =	ssyncset.done $0x0  }
0x92: {  	[sflag:s21] =	ssyncadd.s32 $0xFFFFF800  }
0x93: {  	_ =	swait.ge [sflag:s21], $0x800  }
0x94: {  	[sflag:s21] =	ssyncset.done $0x0  }
0x95: {  	[sflag:s21] =	ssyncadd.s32 $0xFFFFF800  }
0x96: {  	_ =	swait.ge [sflag:s21], $0x800  }
0x97: {  	[sflag:s21] =	ssyncset.done $0x0  }
0x98: {  	[sflag:s21] =	ssyncadd.s32 $0xFFFFF800  }
0x99: {  	_ =	swait.ge [sflag:s21], $0x800  }
0x9a: {  	s1 =	smulhi.u32 $0x51EB851F, s19;
	[sflag:s21] =	ssyncset.done $0x0  }
0x9b: {  	[sflag:s21] =	ssyncadd.s32 $0xFFFFF800  }
0x9c: {  	s12 =	smulhi.u32 $0xAAAAAAAB, s20;
	s1 =	sshrl.u32 s1, $0x6;
	_ =	swait.ge [sflag:s21], $0x800  }
0x9d: {  	s6 =	smul.u32 $0xC8, s1;
	[sflag:s21] =	ssyncset.done $0x0  }
0x9e: {  	s0 =	sshrl.u32 s12, $0x1;
	s12 =	smul.u32 $0x6400, s1;
	[sflag:s21] =	ssyncadd.s32 $0xFFFFF800  }
0x9f: {  	p0 =	slt.u32 s20, $0x3;
	s5 =	smul.u32 $0xFFFD0000, s0;
	_ =	swait.ge [sflag:s21], $0x800  }
0xa0: {  	s10 =	ssub.s32 s19, s6;
	s0 =	smul.u32 $0xFFFE8000, s0;
	[sflag:s21] =	ssyncset.done $0x0  }
0xa1: {  	s13 =	sshll.u32 s22, $0xE;
	s15 =	sshll.u32 s22, $0xD;
	[sflag:s21] =	ssyncadd.s32 $0xFFFFF800  }
0xa2: {  	s14 =	ssub.s32 s18, s12;
	s26 =	sadd.s32 $0x9C00, s13;
	_ =	swait.ge [sflag:s21], $0x800  }
0xa3: {  	s23 =	sadd.s32 $0xA400, s13;
	s24 =	sadd.s32 $0xAC00, s13;
	[sflag:s21] =	ssyncset.done $0x0  }
0xa4: {  	s28 =	sadd.s32 $0xB400, s13;
	s12 =	sadd.s32 @!p0 $0x4, s22;
	[sflag:s21] =	ssyncadd.s32 $0xFFFFF800  }
0xa5: {  	s31 =	sadd.s32 $0xBC00, s13;
	s29 =	sadd.s32 $0xC400, s13;
	_ =	swait.ge [sflag:s21], $0x800  }
0xa6: {  	s30 =	sadd.s32 $0xCC00, s13;
	s25 =	sadd.s32 $0xD400, s13;
	[sflag:s21] =	ssyncset.done $0x0  }
0xa7: {  	s6 =	sadd.s32 $0x15C00, s15;
	s15 =	smov.u32 s8;
	[sflag:s21] =	ssyncadd.s32 $0xFFFFF800  }
0xa8: {  	s5 =	sshra.s32 s5, $0x2;
	s17 =	sshra.s32 s0, $0x2;
	_ =	swait.ge @!p0 [sflag:s12], $0x2000  }
0xa9: {  	s0 =	sshll.u32 s20, $0x7;
	s1 =	sadd.s32 s5, s16;
	[sflag:s12] =	ssyncset.done @!p0 $0x0  }
0xaa: {  	v1 =	vmov s17;
	s17 =	smov.u32 s11;
	v0 =	vmov s1;
	[sflag:s12] =	ssyncadd.s32 @!p0 $0xFFFFE000;
	s12 =	simm.s32 $0x0  }
.LBB2_5:
0xab: {  	v2 =	vld [tilespmem:s15+$0x0];
	_ =	sdelay $0x4  }
0xac: {  	v2 =	vshll.u32 v2, $0x6  }
0xad: {  	v2 =	vand.u32 $0x40, v2  }
0xae: {  	(v2sf) =	vpush v2, $0x0;
	_ =	sdelay $0xe  }
0xaf: {  	p0 =	sgt.u32 s10, $0xC7;
	s13 =	spop (v2sf)  }
0xb0: {  	s9 =	sadd.s32 $0xFFFF9C00, s14;
	s5 =	smov.u32 s14;
	s13 =	sshll.u32 s13, $0x2  }
0xb1: {  	s5 =	smov.u32 @p0 s9;
	s13 =	sadd.s32 s13, s12  }
0xb2: {  	v4 =	vld [tilespmem:s5+$0x3800];
	s13 =	sshra.s32 s13, $0x2  }
0xb3: {  	v3 =	vld.idx.msk [tilespmem:v0+s13+$0x0 ss:$0x1], $0xffff;
	_ =	sdelay $0x4  }
0xb4: {  	v3 =	vadd.f32 v4, v3;
	_ =	sdelay $0x1  }
0xb5: {  	[tilespmem:v1+s17+$0x0 ss:$0x1] =	vst.idx.msk $0xffff, v3  }
0xb6: {  	v3 =	vld.idx.msk [tilespmem:v0+s13+$0x10 ss:$0x1], $0xffff  }
0xb7: {  	v10 =	vld [tilespmem:s5+$0x3810];
	_ =	sdelay $0x4  }
0xb8: {  	v3 =	vadd.f32 v10, v3;
	_ =	sdelay $0x1  }
0xb9: {  	(v2sf) =	vpush v2, $0x1;
	[tilespmem:v1+s17+$0x10 ss:$0x1] =	vst.idx.msk $0xffff, v3  }
0xba: {  	v3 =	vld.idx.msk [tilespmem:v0+s13+$0x20 ss:$0x1], $0xffff  }
0xbb: {  	v11 =	vld [tilespmem:s5+$0x3820];
	_ =	sdelay $0x4  }
0xbc: {  	v3 =	vadd.f32 v11, v3;
	_ =	sdelay $0x1  }
0xbd: {  	[tilespmem:v1+s17+$0x20 ss:$0x1] =	vst.idx.msk $0xffff, v3  }
0xbe: {  	v3 =	vld.idx.msk [tilespmem:v0+s13+$0x30 ss:$0x1], $0xffff  }
0xbf: {  	v12 =	vld [tilespmem:s5+$0x3830];
	_ =	sdelay $0x3  }
0xc0: {  	s9 =	spop (v2sf)  }
0xc1: {  	s9 =	sadd.s32 s9, s1;
	s13 =	sadd.s32 $0x1, s10;
	v3 =	vadd.f32 v12, v3  }
0xc2: {  	s5 =	rddreg [dreg:$0x4];
	p0 =	sgt.u32 s13, $0xC7;
	s13 =	sshra.s32 s12, $0x2  }
0xc3: {  	s9 =	sadd.s32 s13, s9;
	s5 =	simm.s32 @!p0 $0x80;
	[tilespmem:v1+s17+$0x30 ss:$0x1] =	vst.idx.msk $0xffff, v3  }
0xc4: {  	s5 =	sadd.s32 s5, s14;
	v3 =	vld [tilespmem:s9+$0x80]  }
0xc5: {  	v13 =	vld [tilespmem:s5+$0x3800];
	_ =	sdelay $0x4  }
0xc6: {  	v3 =	vadd.f32 v13, v3;
	_ =	sdelay $0x1  }
0xc7: {  	[tilespmem:v1+s17+$0x40 ss:$0x1] =	vst.idx.msk $0xffff, v3  }
0xc8: {  	v3 =	vld [tilespmem:s9+$0x90]  }
0xc9: {  	v14 =	vld [tilespmem:s5+$0x3810];
	_ =	sdelay $0x4  }
0xca: {  	v3 =	vadd.f32 v14, v3;
	_ =	sdelay $0x1  }
0xcb: {  	v2 =	vadd.s32 s1, v2;
	[tilespmem:v1+s17+$0x50 ss:$0x1] =	vst.idx.msk $0xffff, v3  }
0xcc: {  	v2 =	vadd.s32 s13, v2;
	v3 =	vld [tilespmem:s9+$0xA0]  }
0xcd: {  	(v2sf) =	vpush v2, $0x3;
	v15 =	vld [tilespmem:s5+$0x3820]  }
0xce: {  	(v2sf) =	vpush v2, $0x2;
	_ =	sdelay $0x3  }
0xcf: {  	v3 =	vadd.f32 v15, v3;
	_ =	sdelay $0x1  }
0xd0: {  	[tilespmem:v1+s17+$0x60 ss:$0x1] =	vst.idx.msk $0xffff, v3  }
0xd1: {  	v3 =	vld [tilespmem:s9+$0xB0]  }
0xd2: {  	v16 =	vld [tilespmem:s5+$0x3830];
	_ =	sdelay $0x4  }
0xd3: {  	s13 =	sadd.s32 $0x2, s10;
	v3 =	vadd.f32 v16, v3  }
0xd4: {  	p0 =	sgt.u32 s13, $0xC7;
	s5 =	rddreg [dreg:$0x5];
	s9 =	spop (v2sf)  }
0xd5: {  	s13 =	spop (v2sf);
	s5 =	simm.s32 @!p0 $0x100;
	[tilespmem:v1+s17+$0x70 ss:$0x1] =	vst.idx.msk $0xffff, v3  }
0xd6: {  	s5 =	sadd.s32 s5, s14;
	v3 =	vld [tilespmem:s13+$0x100]  }
0xd7: {  	v17 =	vld [tilespmem:s5+$0x3800];
	_ =	sdelay $0x4  }
0xd8: {  	v3 =	vadd.f32 v17, v3;
	_ =	sdelay $0x1  }
0xd9: {  	[tilespmem:v1+s17+$0x80 ss:$0x1] =	vst.idx.msk $0xffff, v3  }
0xda: {  	v3 =	vld [tilespmem:s13+$0x110]  }
0xdb: {  	v18 =	vld [tilespmem:s5+$0x3810];
	_ =	sdelay $0x4  }
0xdc: {  	v3 =	vadd.f32 v18, v3;
	_ =	sdelay $0x1  }
0xdd: {  	[tilespmem:v1+s17+$0x90 ss:$0x1] =	vst.idx.msk $0xffff, v3  }
0xde: {  	v3 =	vld [tilespmem:s13+$0x120]  }
0xdf: {  	v19 =	vld [tilespmem:s5+$0x3820];
	_ =	sdelay $0x4  }
0xe0: {  	v3 =	vadd.f32 v19, v3;
	_ =	sdelay $0x1  }
0xe1: {  	[tilespmem:v1+s17+$0xA0 ss:$0x1] =	vst.idx.msk $0xffff, v3  }
0xe2: {  	v3 =	vld [tilespmem:s13+$0x130]  }
0xe3: {  	v20 =	vld [tilespmem:s5+$0x3830];
	_ =	sdelay $0x4  }
0xe4: {  	s13 =	sadd.s32 $0x3, s10;
	v3 =	vadd.f32 v20, v3  }
0xe5: {  	s5 =	rddreg [dreg:$0x6];
	p0 =	sgt.u32 s13, $0xC7  }
0xe6: {  	s5 =	simm.s32 @!p0 $0x180;
	[tilespmem:v1+s17+$0xB0 ss:$0x1] =	vst.idx.msk $0xffff, v3  }
0xe7: {  	s5 =	sadd.s32 s5, s14;
	v3 =	vld [tilespmem:s9+$0x180]  }
0xe8: {  	v21 =	vld [tilespmem:s5+$0x3800];
	_ =	sdelay $0x4  }
0xe9: {  	v3 =	vadd.f32 v21, v3;
	_ =	sdelay $0x1  }
0xea: {  	[tilespmem:v1+s17+$0xC0 ss:$0x1] =	vst.idx.msk $0xffff, v3  }
0xeb: {  	v3 =	vld [tilespmem:s9+$0x190]  }
0xec: {  	v22 =	vld [tilespmem:s5+$0x3810];
	_ =	sdelay $0x4  }
0xed: {  	v3 =	vadd.f32 v22, v3;
	_ =	sdelay $0x1  }
0xee: {  	[tilespmem:v1+s17+$0xD0 ss:$0x1] =	vst.idx.msk $0xffff, v3  }
0xef: {  	v3 =	vld [tilespmem:s9+$0x1A0]  }
0xf0: {  	(v2sf) =	vpush v2, $0x5;
	v23 =	vld [tilespmem:s5+$0x3820]  }
0xf1: {  	(v2sf) =	vpush v2, $0x4;
	_ =	sdelay $0x3  }
0xf2: {  	v3 =	vadd.f32 v23, v3;
	_ =	sdelay $0x1  }
0xf3: {  	[tilespmem:v1+s17+$0xE0 ss:$0x1] =	vst.idx.msk $0xffff, v3  }
0xf4: {  	v3 =	vld [tilespmem:s9+$0x1B0]  }
0xf5: {  	v24 =	vld [tilespmem:s5+$0x3830];
	_ =	sdelay $0x4  }
0xf6: {  	s13 =	sadd.s32 $0x4, s10;
	v3 =	vadd.f32 v24, v3  }
0xf7: {  	p0 =	sgt.u32 s13, $0xC7;
	s5 =	rddreg [dreg:$0x7];
	s9 =	spop (v2sf)  }
0xf8: {  	s13 =	spop (v2sf);
	s5 =	simm.s32 @!p0 $0x200;
	[tilespmem:v1+s17+$0xF0 ss:$0x1] =	vst.idx.msk $0xffff, v3  }
0xf9: {  	s5 =	sadd.s32 s5, s14;
	v3 =	vld [tilespmem:s13+$0x200]  }
0xfa: {  	v25 =	vld [tilespmem:s5+$0x3800];
	_ =	sdelay $0x4  }
0xfb: {  	v3 =	vadd.f32 v25, v3;
	_ =	sdelay $0x1  }
0xfc: {  	[tilespmem:v1+s17+$0x100 ss:$0x1] =	vst.idx.msk $0xffff, v3  }
0xfd: {  	v3 =	vld [tilespmem:s13+$0x210]  }
0xfe: {  	v26 =	vld [tilespmem:s5+$0x3810];
	_ =	sdelay $0x4  }
0xff: {  	v3 =	vadd.f32 v26, v3;
	_ =	sdelay $0x1  }
0x100: {  	[tilespmem:v1+s17+$0x110 ss:$0x1] =	vst.idx.msk $0xffff, v3  }
0x101: {  	v3 =	vld [tilespmem:s13+$0x220]  }
0x102: {  	v27 =	vld [tilespmem:s5+$0x3820];
	_ =	sdelay $0x4  }
0x103: {  	v3 =	vadd.f32 v27, v3;
	_ =	sdelay $0x1  }
0x104: {  	[tilespmem:v1+s17+$0x120 ss:$0x1] =	vst.idx.msk $0xffff, v3  }
0x105: {  	v3 =	vld [tilespmem:s13+$0x230]  }
0x106: {  	v28 =	vld [tilespmem:s5+$0x3830];
	_ =	sdelay $0x4  }
0x107: {  	s13 =	sadd.s32 $0x5, s10;
	v3 =	vadd.f32 v28, v3  }
0x108: {  	s5 =	rddreg [dreg:$0x8];
	p0 =	sgt.u32 s13, $0xC7  }
0x109: {  	s5 =	simm.s32 @!p0 $0x280;
	[tilespmem:v1+s17+$0x130 ss:$0x1] =	vst.idx.msk $0xffff, v3  }
0x10a: {  	s5 =	sadd.s32 s5, s14;
	v3 =	vld [tilespmem:s9+$0x280]  }
0x10b: {  	v29 =	vld [tilespmem:s5+$0x3800];
	_ =	sdelay $0x4  }
0x10c: {  	v3 =	vadd.f32 v29, v3;
	_ =	sdelay $0x1  }
0x10d: {  	[tilespmem:v1+s17+$0x140 ss:$0x1] =	vst.idx.msk $0xffff, v3  }
0x10e: {  	v3 =	vld [tilespmem:s9+$0x290]  }
0x10f: {  	v30 =	vld [tilespmem:s5+$0x3810];
	_ =	sdelay $0x4  }
0x110: {  	v3 =	vadd.f32 v30, v3;
	_ =	sdelay $0x1  }
0x111: {  	[tilespmem:v1+s17+$0x150 ss:$0x1] =	vst.idx.msk $0xffff, v3  }
0x112: {  	v3 =	vld [tilespmem:s9+$0x2A0]  }
0x113: {  	(v2sf) =	vpush v2, $0x7;
	v31 =	vld [tilespmem:s5+$0x3820]  }
0x114: {  	(v2sf) =	vpush v2, $0x6;
	_ =	sdelay $0x3  }
0x115: {  	v3 =	vadd.f32 v31, v3;
	_ =	sdelay $0x1  }
0x116: {  	[tilespmem:v1+s17+$0x160 ss:$0x1] =	vst.idx.msk $0xffff, v3  }
0x117: {  	v3 =	vld [tilespmem:s9+$0x2B0]  }
0x118: {  	v32 =	vld [tilespmem:s5+$0x3830];
	_ =	sdelay $0x4  }
0x119: {  	s13 =	sadd.s32 $0x6, s10;
	v3 =	vadd.f32 v32, v3  }
0x11a: {  	p0 =	sgt.u32 s13, $0xC7;
	s5 =	rddreg [dreg:$0x9];
	s9 =	spop (v2sf)  }
0x11b: {  	s13 =	spop (v2sf);
	s5 =	simm.s32 @!p0 $0x300;
	[tilespmem:v1+s17+$0x170 ss:$0x1] =	vst.idx.msk $0xffff, v3  }
0x11c: {  	s5 =	sadd.s32 s5, s14;
	v3 =	vld [tilespmem:s13+$0x300]  }
0x11d: {  	v33 =	vld [tilespmem:s5+$0x3800];
	_ =	sdelay $0x4  }
0x11e: {  	v3 =	vadd.f32 v33, v3;
	_ =	sdelay $0x1  }
0x11f: {  	[tilespmem:v1+s17+$0x180 ss:$0x1] =	vst.idx.msk $0xffff, v3  }
0x120: {  	v3 =	vld [tilespmem:s13+$0x310]  }
0x121: {  	v34 =	vld [tilespmem:s5+$0x3810];
	_ =	sdelay $0x4  }
0x122: {  	v3 =	vadd.f32 v34, v3;
	_ =	sdelay $0x1  }
0x123: {  	[tilespmem:v1+s17+$0x190 ss:$0x1] =	vst.idx.msk $0xffff, v3  }
0x124: {  	v3 =	vld [tilespmem:s13+$0x320]  }
0x125: {  	v35 =	vld [tilespmem:s5+$0x3820];
	_ =	sdelay $0x4  }
0x126: {  	v3 =	vadd.f32 v35, v3;
	_ =	sdelay $0x1  }
0x127: {  	[tilespmem:v1+s17+$0x1A0 ss:$0x1] =	vst.idx.msk $0xffff, v3  }
0x128: {  	v3 =	vld [tilespmem:s13+$0x330]  }
0x129: {  	v36 =	vld [tilespmem:s5+$0x3830];
	_ =	sdelay $0x4  }
0x12a: {  	s13 =	sadd.s32 $0x7, s10;
	v3 =	vadd.f32 v36, v3  }
0x12b: {  	s5 =	rddreg [dreg:$0xa];
	p0 =	sgt.u32 s13, $0xC7  }
0x12c: {  	s5 =	simm.s32 @!p0 $0x380;
	[tilespmem:v1+s17+$0x1B0 ss:$0x1] =	vst.idx.msk $0xffff, v3  }
0x12d: {  	s5 =	sadd.s32 s5, s14;
	v3 =	vld [tilespmem:s9+$0x380]  }
0x12e: {  	v37 =	vld [tilespmem:s5+$0x3800];
	_ =	sdelay $0x4  }
0x12f: {  	v3 =	vadd.f32 v37, v3;
	_ =	sdelay $0x1  }
0x130: {  	[tilespmem:v1+s17+$0x1C0 ss:$0x1] =	vst.idx.msk $0xffff, v3  }
0x131: {  	v3 =	vld [tilespmem:s9+$0x390]  }
0x132: {  	v38 =	vld [tilespmem:s5+$0x3810];
	_ =	sdelay $0x4  }
0x133: {  	v3 =	vadd.f32 v38, v3;
	_ =	sdelay $0x1  }
0x134: {  	[tilespmem:v1+s17+$0x1D0 ss:$0x1] =	vst.idx.msk $0xffff, v3  }
0x135: {  	v3 =	vld [tilespmem:s9+$0x3A0]  }
0x136: {  	(v2sf) =	vpush v2, $0x9;
	v39 =	vld [tilespmem:s5+$0x3820]  }
0x137: {  	(v2sf) =	vpush v2, $0x8;
	_ =	sdelay $0x3  }
0x138: {  	v3 =	vadd.f32 v39, v3;
	_ =	sdelay $0x1  }
0x139: {  	[tilespmem:v1+s17+$0x1E0 ss:$0x1] =	vst.idx.msk $0xffff, v3  }
0x13a: {  	v3 =	vld [tilespmem:s9+$0x3B0]  }
0x13b: {  	v40 =	vld [tilespmem:s5+$0x3830];
	_ =	sdelay $0x4  }
0x13c: {  	s13 =	sadd.s32 $0x8, s10;
	v3 =	vadd.f32 v40, v3  }
0x13d: {  	p0 =	sgt.u32 s13, $0xC7;
	s5 =	rddreg [dreg:$0xb];
	s9 =	spop (v2sf)  }
0x13e: {  	s13 =	spop (v2sf);
	s5 =	simm.s32 @!p0 $0x400;
	[tilespmem:v1+s17+$0x1F0 ss:$0x1] =	vst.idx.msk $0xffff, v3  }
0x13f: {  	s5 =	sadd.s32 s5, s14;
	v3 =	vld [tilespmem:s13+$0x400]  }
0x140: {  	v41 =	vld [tilespmem:s5+$0x3800];
	_ =	sdelay $0x4  }
0x141: {  	v3 =	vadd.f32 v41, v3;
	_ =	sdelay $0x1  }
0x142: {  	[tilespmem:v1+s17+$0x200 ss:$0x1] =	vst.idx.msk $0xffff, v3  }
0x143: {  	v3 =	vld [tilespmem:s13+$0x410]  }
0x144: {  	v42 =	vld [tilespmem:s5+$0x3810];
	_ =	sdelay $0x4  }
0x145: {  	v3 =	vadd.f32 v42, v3;
	_ =	sdelay $0x1  }
0x146: {  	[tilespmem:v1+s17+$0x210 ss:$0x1] =	vst.idx.msk $0xffff, v3  }
0x147: {  	v3 =	vld [tilespmem:s13+$0x420]  }
0x148: {  	v43 =	vld [tilespmem:s5+$0x3820];
	_ =	sdelay $0x4  }
0x149: {  	v3 =	vadd.f32 v43, v3;
	_ =	sdelay $0x1  }
0x14a: {  	[tilespmem:v1+s17+$0x220 ss:$0x1] =	vst.idx.msk $0xffff, v3  }
0x14b: {  	v3 =	vld [tilespmem:s13+$0x430]  }
0x14c: {  	v44 =	vld [tilespmem:s5+$0x3830];
	_ =	sdelay $0x4  }
0x14d: {  	s13 =	sadd.s32 $0x9, s10;
	v3 =	vadd.f32 v44, v3  }
0x14e: {  	s5 =	rddreg [dreg:$0xc];
	p0 =	sgt.u32 s13, $0xC7  }
0x14f: {  	s5 =	simm.s32 @!p0 $0x480;
	[tilespmem:v1+s17+$0x230 ss:$0x1] =	vst.idx.msk $0xffff, v3  }
0x150: {  	s5 =	sadd.s32 s5, s14;
	v3 =	vld [tilespmem:s9+$0x480]  }
0x151: {  	v45 =	vld [tilespmem:s5+$0x3800];
	_ =	sdelay $0x4  }
0x152: {  	v3 =	vadd.f32 v45, v3;
	_ =	sdelay $0x1  }
0x153: {  	[tilespmem:v1+s17+$0x240 ss:$0x1] =	vst.idx.msk $0xffff, v3  }
0x154: {  	v3 =	vld [tilespmem:s9+$0x490]  }
0x155: {  	v46 =	vld [tilespmem:s5+$0x3810];
	_ =	sdelay $0x4  }
0x156: {  	v3 =	vadd.f32 v46, v3;
	_ =	sdelay $0x1  }
0x157: {  	[tilespmem:v1+s17+$0x250 ss:$0x1] =	vst.idx.msk $0xffff, v3  }
0x158: {  	v3 =	vld [tilespmem:s9+$0x4A0]  }
0x159: {  	(v2sf) =	vpush v2, $0xB;
	v47 =	vld [tilespmem:s5+$0x3820]  }
0x15a: {  	(v2sf) =	vpush v2, $0xA;
	_ =	sdelay $0x3  }
0x15b: {  	v3 =	vadd.f32 v47, v3;
	_ =	sdelay $0x1  }
0x15c: {  	[tilespmem:v1+s17+$0x260 ss:$0x1] =	vst.idx.msk $0xffff, v3  }
0x15d: {  	v3 =	vld [tilespmem:s9+$0x4B0]  }
0x15e: {  	v48 =	vld [tilespmem:s5+$0x3830];
	_ =	sdelay $0x4  }
0x15f: {  	s13 =	sadd.s32 $0xA, s10;
	v3 =	vadd.f32 v48, v3  }
0x160: {  	p0 =	sgt.u32 s13, $0xC7;
	s5 =	rddreg [dreg:$0xd];
	s9 =	spop (v2sf)  }
0x161: {  	s13 =	spop (v2sf);
	s5 =	simm.s32 @!p0 $0x500;
	[tilespmem:v1+s17+$0x270 ss:$0x1] =	vst.idx.msk $0xffff, v3  }
0x162: {  	s5 =	sadd.s32 s5, s14;
	v3 =	vld [tilespmem:s13+$0x500]  }
0x163: {  	v49 =	vld [tilespmem:s5+$0x3800];
	_ =	sdelay $0x4  }
0x164: {  	v3 =	vadd.f32 v49, v3;
	_ =	sdelay $0x1  }
0x165: {  	[tilespmem:v1+s17+$0x280 ss:$0x1] =	vst.idx.msk $0xffff, v3  }
0x166: {  	v3 =	vld [tilespmem:s13+$0x510]  }
0x167: {  	v50 =	vld [tilespmem:s5+$0x3810];
	_ =	sdelay $0x4  }
0x168: {  	v3 =	vadd.f32 v50, v3;
	_ =	sdelay $0x1  }
0x169: {  	[tilespmem:v1+s17+$0x290 ss:$0x1] =	vst.idx.msk $0xffff, v3  }
0x16a: {  	v3 =	vld [tilespmem:s13+$0x520]  }
0x16b: {  	v51 =	vld [tilespmem:s5+$0x3820];
	_ =	sdelay $0x4  }
0x16c: {  	v3 =	vadd.f32 v51, v3;
	_ =	sdelay $0x1  }
0x16d: {  	[tilespmem:v1+s17+$0x2A0 ss:$0x1] =	vst.idx.msk $0xffff, v3  }
0x16e: {  	v3 =	vld [tilespmem:s13+$0x530]  }
0x16f: {  	v52 =	vld [tilespmem:s5+$0x3830];
	_ =	sdelay $0x4  }
0x170: {  	s13 =	sadd.s32 $0xB, s10;
	v3 =	vadd.f32 v52, v3  }
0x171: {  	s5 =	rddreg [dreg:$0xe];
	p0 =	sgt.u32 s13, $0xC7  }
0x172: {  	s5 =	simm.s32 @!p0 $0x580;
	[tilespmem:v1+s17+$0x2B0 ss:$0x1] =	vst.idx.msk $0xffff, v3  }
0x173: {  	s5 =	sadd.s32 s5, s14;
	v3 =	vld [tilespmem:s9+$0x580]  }
0x174: {  	v53 =	vld [tilespmem:s5+$0x3800];
	_ =	sdelay $0x4  }
0x175: {  	v3 =	vadd.f32 v53, v3;
	_ =	sdelay $0x1  }
0x176: {  	[tilespmem:v1+s17+$0x2C0 ss:$0x1] =	vst.idx.msk $0xffff, v3  }
0x177: {  	v3 =	vld [tilespmem:s9+$0x590]  }
0x178: {  	v54 =	vld [tilespmem:s5+$0x3810];
	_ =	sdelay $0x4  }
0x179: {  	v3 =	vadd.f32 v54, v3;
	_ =	sdelay $0x1  }
0x17a: {  	[tilespmem:v1+s17+$0x2D0 ss:$0x1] =	vst.idx.msk $0xffff, v3  }
0x17b: {  	v3 =	vld [tilespmem:s9+$0x5A0]  }
0x17c: {  	(v2sf) =	vpush v2, $0xD;
	v55 =	vld [tilespmem:s5+$0x3820]  }
0x17d: {  	(v2sf) =	vpush v2, $0xC;
	_ =	sdelay $0x3  }
0x17e: {  	v3 =	vadd.f32 v55, v3;
	_ =	sdelay $0x1  }
0x17f: {  	[tilespmem:v1+s17+$0x2E0 ss:$0x1] =	vst.idx.msk $0xffff, v3  }
0x180: {  	v3 =	vld [tilespmem:s9+$0x5B0]  }
0x181: {  	v56 =	vld [tilespmem:s5+$0x3830];
	_ =	sdelay $0x4  }
0x182: {  	s13 =	sadd.s32 $0xC, s10;
	v3 =	vadd.f32 v56, v3  }
0x183: {  	p0 =	sgt.u32 s13, $0xC7;
	s5 =	rddreg [dreg:$0xf];
	s9 =	spop (v2sf)  }
0x184: {  	s13 =	spop (v2sf);
	s5 =	simm.s32 @!p0 $0x600;
	[tilespmem:v1+s17+$0x2F0 ss:$0x1] =	vst.idx.msk $0xffff, v3  }
0x185: {  	s5 =	sadd.s32 s5, s14;
	v3 =	vld [tilespmem:s13+$0x600]  }
0x186: {  	v57 =	vld [tilespmem:s5+$0x3800];
	_ =	sdelay $0x4  }
0x187: {  	v3 =	vadd.f32 v57, v3;
	_ =	sdelay $0x1  }
0x188: {  	[tilespmem:v1+s17+$0x300 ss:$0x1] =	vst.idx.msk $0xffff, v3  }
0x189: {  	v3 =	vld [tilespmem:s13+$0x610]  }
0x18a: {  	v58 =	vld [tilespmem:s5+$0x3810];
	_ =	sdelay $0x4  }
0x18b: {  	v3 =	vadd.f32 v58, v3;
	_ =	sdelay $0x1  }
0x18c: {  	[tilespmem:v1+s17+$0x310 ss:$0x1] =	vst.idx.msk $0xffff, v3  }
0x18d: {  	v3 =	vld [tilespmem:s13+$0x620]  }
0x18e: {  	v59 =	vld [tilespmem:s5+$0x3820];
	_ =	sdelay $0x4  }
0x18f: {  	v3 =	vadd.f32 v59, v3;
	_ =	sdelay $0x1  }
0x190: {  	[tilespmem:v1+s17+$0x320 ss:$0x1] =	vst.idx.msk $0xffff, v3  }
0x191: {  	v3 =	vld [tilespmem:s13+$0x630]  }
0x192: {  	v60 =	vld [tilespmem:s5+$0x3830];
	_ =	sdelay $0x4  }
0x193: {  	s13 =	sadd.s32 $0xD, s10;
	v3 =	vadd.f32 v60, v3  }
0x194: {  	s5 =	rddreg [dreg:$0x10];
	p0 =	sgt.u32 s13, $0xC7  }
0x195: {  	s5 =	simm.s32 @!p0 $0x680;
	[tilespmem:v1+s17+$0x330 ss:$0x1] =	vst.idx.msk $0xffff, v3  }
0x196: {  	s5 =	sadd.s32 s5, s14;
	v3 =	vld [tilespmem:s9+$0x680]  }
0x197: {  	v61 =	vld [tilespmem:s5+$0x3800];
	_ =	sdelay $0x4  }
0x198: {  	v3 =	vadd.f32 v61, v3;
	_ =	sdelay $0x1  }
0x199: {  	[tilespmem:v1+s17+$0x340 ss:$0x1] =	vst.idx.msk $0xffff, v3  }
0x19a: {  	v3 =	vld [tilespmem:s9+$0x690]  }
0x19b: {  	v62 =	vld [tilespmem:s5+$0x3810];
	_ =	sdelay $0x4  }
0x19c: {  	v3 =	vadd.f32 v62, v3;
	_ =	sdelay $0x1  }
0x19d: {  	[tilespmem:v1+s17+$0x350 ss:$0x1] =	vst.idx.msk $0xffff, v3  }
0x19e: {  	v3 =	vld [tilespmem:s9+$0x6A0]  }
0x19f: {  	(v2sf) =	vpush v2, $0xF;
	v63 =	vld [tilespmem:s5+$0x3820]  }
0x1a0: {  	(v2sf) =	vpush v2, $0xE;
	_ =	sdelay $0x3  }
0x1a1: {  	v2 =	vadd.f32 v63, v3;
	_ =	sdelay $0x1  }
0x1a2: {  	[tilespmem:v1+s17+$0x360 ss:$0x1] =	vst.idx.msk $0xffff, v2  }
0x1a3: {  	v2 =	vld [tilespmem:s9+$0x6B0]  }
0x1a4: {  	v3 =	vld [tilespmem:s5+$0x3830];
	_ =	sdelay $0x4  }
0x1a5: {  	s9 =	sadd.s32 $0xE, s10;
	v2 =	vadd.f32 v3, v2  }
0x1a6: {  	s13 =	spop (v2sf);
	s5 =	rddreg [dreg:$0x11];
	p0 =	sgt.u32 s9, $0xC7  }
0x1a7: {  	s9 =	spop (v2sf);
	s5 =	simm.s32 @!p0 $0x700;
	[tilespmem:v1+s17+$0x370 ss:$0x1] =	vst.idx.msk $0xffff, v2  }
0x1a8: {  	s5 =	sadd.s32 s5, s14;
	v2 =	vld [tilespmem:s9+$0x700]  }
0x1a9: {  	v3 =	vld [tilespmem:s5+$0x3800];
	_ =	sdelay $0x4  }
0x1aa: {  	v2 =	vadd.f32 v3, v2;
	_ =	sdelay $0x1  }
0x1ab: {  	[tilespmem:v1+s17+$0x380 ss:$0x1] =	vst.idx.msk $0xffff, v2  }
0x1ac: {  	v2 =	vld [tilespmem:s9+$0x710]  }
0x1ad: {  	v3 =	vld [tilespmem:s5+$0x3810];
	_ =	sdelay $0x4  }
0x1ae: {  	v2 =	vadd.f32 v3, v2;
	_ =	sdelay $0x1  }
0x1af: {  	[tilespmem:v1+s17+$0x390 ss:$0x1] =	vst.idx.msk $0xffff, v2  }
0x1b0: {  	v2 =	vld [tilespmem:s9+$0x720]  }
0x1b1: {  	v3 =	vld [tilespmem:s5+$0x3820];
	_ =	sdelay $0x4  }
0x1b2: {  	v2 =	vadd.f32 v3, v2;
	_ =	sdelay $0x1  }
0x1b3: {  	[tilespmem:v1+s17+$0x3A0 ss:$0x1] =	vst.idx.msk $0xffff, v2  }
0x1b4: {  	v2 =	vld [tilespmem:s9+$0x730]  }
0x1b5: {  	v3 =	vld [tilespmem:s5+$0x3830];
	_ =	sdelay $0x4  }
0x1b6: {  	s9 =	sadd.s32 $0xF, s10;
	v2 =	vadd.f32 v3, v2  }
0x1b7: {  	s5 =	rddreg [dreg:$0x12];
	p0 =	sgt.u32 s9, $0xC7  }
0x1b8: {  	s5 =	simm.s32 @!p0 $0x780;
	[tilespmem:v1+s17+$0x3B0 ss:$0x1] =	vst.idx.msk $0xffff, v2  }
0x1b9: {  	s5 =	sadd.s32 s5, s14;
	v2 =	vld [tilespmem:s13+$0x780]  }
0x1ba: {  	v3 =	vld [tilespmem:s5+$0x3800];
	_ =	sdelay $0x4  }
0x1bb: {  	v2 =	vadd.f32 v3, v2;
	_ =	sdelay $0x1  }
0x1bc: {  	[tilespmem:v1+s17+$0x3C0 ss:$0x1] =	vst.idx.msk $0xffff, v2  }
0x1bd: {  	v2 =	vld [tilespmem:s13+$0x790]  }
0x1be: {  	v3 =	vld [tilespmem:s5+$0x3810];
	_ =	sdelay $0x4  }
0x1bf: {  	v2 =	vadd.f32 v3, v2;
	_ =	sdelay $0x1  }
0x1c0: {  	[tilespmem:v1+s17+$0x3D0 ss:$0x1] =	vst.idx.msk $0xffff, v2  }
0x1c1: {  	v2 =	vld [tilespmem:s13+$0x7A0]  }
0x1c2: {  	v3 =	vld [tilespmem:s5+$0x3820];
	_ =	sdelay $0x4  }
0x1c3: {  	v2 =	vadd.f32 v3, v2;
	_ =	sdelay $0x1  }
0x1c4: {  	[tilespmem:v1+s17+$0x3E0 ss:$0x1] =	vst.idx.msk $0xffff, v2  }
0x1c5: {  	v2 =	vld [tilespmem:s13+$0x7B0]  }
0x1c6: {  	v3 =	vld [tilespmem:s5+$0x3830];
	_ =	sdelay $0x1  }
0x1c7: {  	p0 =	sne.s32 s12, $0xE000  }
.Ltmp1:
0x1c8: {  	_ = 	snop;
	(pc) =	sbr.rel @p0 .LBB2_5-.Ltmp1, $4  }
0x1c9: {  	_ = 	snop  }
0x1ca: {  	v2 =	vadd.f32 v3, v2  }
0x1cb: {  	s15 =	sadd.s32 $0x10, s15;
	s10 =	sadd.s32 $0x10, s10  }
0x1cc: {  	s12 =	sadd.s32 $0x2000, s12;
	s14 =	sadd.s32 $0x800, s14;
	[tilespmem:v1+s17+$0x3F0 ss:$0x1] =	vst.idx.msk $0xffff, v2;
	s17 =	sadd.s32 $0x400, s17  }
0x1cd: {  	s1 =	sshll.u32 s20, $0xD  }
0x1ce: {  	s1 =	sadd.s32 s7, s1  }
0x1cf: {  	s1 =	sshrl.u32 s1, $0x3  }
0x1d0: {  	s5 =	sadd.s32 $0x4, s22;
	p0 =	sgt.u32 s20, $0x2E;
	s1 =	sadd.s32 s3, s1  }
0x1d1: {  	[hbm4b:s1+s4] =	stream.linear.scatter [tilespmem:s6], [sflag:s5], $0x2000, $0x38;
	[tilespmem:$0x1BC00] =	vst v63  }
0x1d2: {  	v0 =	vld @!p0 [tilespmem:s0+$0x1D80];
	_ =	sdelay $0x6  }
0x1d3: {  	vm1 =	vmmov @!p0 $0xffff;
	s1 =	simm.s32 @!p0 $0x0  }
0x1d4: {  	[tilespmem:s26], [sflag:s21] =	stream.indirect_vreg.gather @!p0 [hbm4b:s2+s1], $0x80, v0, vm1, $0xb8;
	[tilespmem:$0x1BC00] =	vst v63  }
0x1d5: {  	v0 =	vld @!p0 [tilespmem:s0+$0x1D90];
	_ =	sdelay $0x7  }
0x1d6: {  	[tilespmem:s23], [sflag:s21] =	stream.indirect_vreg.gather @!p0 [hbm4b:s2+s1], $0x80, v0, vm1, $0xb8;
	[tilespmem:$0x1BC00] =	vst v63  }
0x1d7: {  	v0 =	vld @!p0 [tilespmem:s0+$0x1DA0];
	_ =	sdelay $0x7  }
0x1d8: {  	[tilespmem:s24], [sflag:s21] =	stream.indirect_vreg.gather @!p0 [hbm4b:s2+s1], $0x80, v0, vm1, $0xb8;
	[tilespmem:$0x1BC00] =	vst v63  }
0x1d9: {  	v0 =	vld @!p0 [tilespmem:s0+$0x1DB0];
	_ =	sdelay $0x7  }
0x1da: {  	[tilespmem:s28], [sflag:s21] =	stream.indirect_vreg.gather @!p0 [hbm4b:s2+s1], $0x80, v0, vm1, $0xb8;
	[tilespmem:$0x1BC00] =	vst v63  }
0x1db: {  	v0 =	vld @!p0 [tilespmem:s0+$0x1DC0];
	_ =	sdelay $0x7  }
0x1dc: {  	[tilespmem:s31], [sflag:s21] =	stream.indirect_vreg.gather @!p0 [hbm4b:s2+s1], $0x80, v0, vm1, $0xb8;
	[tilespmem:$0x1BC00] =	vst v63  }
0x1dd: {  	v0 =	vld @!p0 [tilespmem:s0+$0x1DD0];
	_ =	sdelay $0x7  }
0x1de: {  	[tilespmem:s29], [sflag:s21] =	stream.indirect_vreg.gather @!p0 [hbm4b:s2+s1], $0x80, v0, vm1, $0xb8;
	[tilespmem:$0x1BC00] =	vst v63  }
0x1df: {  	v0 =	vld @!p0 [tilespmem:s0+$0x1DE0];
	_ =	sdelay $0x7  }
0x1e0: {  	[tilespmem:s30], [sflag:s21] =	stream.indirect_vreg.gather @!p0 [hbm4b:s2+s1], $0x80, v0, vm1, $0xb8;
	[tilespmem:$0x1BC00] =	vst v63  }
0x1e1: {  	v0 =	vld @!p0 [tilespmem:s0+$0x1DF0];
	_ =	sdelay $0x6  }
0x1e2: {  	s20 =	sadd.s32 $0x1, s20  }
0x1e3: {  	[tilespmem:s25], [sflag:s21] =	stream.indirect_vreg.gather @!p0 [hbm4b:s2+s1], $0x80, v0, vm1, $0xb8;
	[tilespmem:$0x1BC00] =	vst v63  }
0x1e4: {  	p0 =	sne.s32 s20, $0x32  }
.Ltmp2:
0x1e5: {  	_ = 	snop;
	(pc) =	sbr.rel @p0 .LBB2_4-.Ltmp2, $3  }
0x1e6: {  	_ =	sdelay $0x1  }
0x1e7: {  	s16 =	sadd.s32 $0x4000, s16;
	s19 =	sadd.s32 $0x80, s19  }
0x1e8: {  	s18 =	sadd.s32 $0x4000, s18;
	s11 =	sadd.s32 $0x2000, s11;
	s8 =	sadd.s32 $0x80, s8  }
0x1e9: {  	s0 =	simm.s32 $0x6  }
0x1ea: {  	_ =	swait.ge [sflag:s0], $0x2000  }
0x1eb: {  	[sflag:s0] =	ssyncset.done $0x0  }
0x1ec: {  	s30 =	simm.s32 $0x4;
	[sflag:s0] =	ssyncadd.s32 $0xFFFFE000  }
0x1ed: {  	_ =	swait.ge [sflag:s30], $0x2000  }
0x1ee: {  	[sflag:s30] =	ssyncset.done $0x0  }
0x1ef: {  	s1 =	simm.s32 $0x5;
	[sflag:s30] =	ssyncadd.s32 $0xFFFFE000  }
0x1f0: {  	_ =	swait.ge [sflag:s1], $0x2000  }
0x1f1: {  	s5 =	rddreg [dreg:$0x16]  }
0x1f2: {  	s31 =	rddreg [dreg:$0x15];
	s5 =	sadd.s32 $0x1, s5  }
0x1f3: {  	p0 =	sne.s32 s5, s31  }
.Ltmp3:
0x1f4: {  	_ = 	snop;
	(pc) =	sbr.rel @p0 .LBB2_1-.Ltmp3, $3  }
0x1f5: {  	_ =	sdelay $0x1  }
0x1f6: {  	[sflag:s1] =	ssyncset.done $0x0  }
0x1f7: {  	[sflag:s1] =	ssyncadd.s32 $0xFFFFE000  }
0x1f8: {  	_ =	sfence.sel $0x180000  }
0x1f9: {  	[bflag:$0x0] =	sbarrier.arrive $0xFFFF  }
0x1fa: {  	_ =	strace $0x90000047  }
0x1fb: {  	s0 =	stileid.u32;
	[bflag:$0x2] =	sbarrier.arrive $0xFFFF  }
0x1fc: {  	p0 =	sne.s32 s0, $0x0;
	s0 =	rddreg [dreg:$0x3]  }
0x1fd: {  	s0 =	sadd.s32 @!p0 $0x100000, s0  }
0x1fe: {  	[sflag:s0] =	ssyncadd.tile.s32 @!p0 $0x1;
	_ =	shalt  }
.Lfunc_end2:
_tile_overlayer_lowered:
.L_overlay_start_2:
0x1ff: {  	(tag) =	ssettag $0x2  }
0x200: {  	s0 =	rddreg [dreg:$0x0];
	s2 =	stileid.u32  }
0x201: {  	s1 =	rddreg [dreg:$0x1];
	p0 =	sne.s32 s2, $0x0  }
0x202: {  	s3 =	rddreg [dreg:$0x2];
	[bflag:$0x3] =	sbarrier.arrive $0xFFFF;
	s2 =	simm.s32 @!p0 $0x1C07  }
0x203: {  	[timem:s3], [sflag:s2] =	dma.local @!p0 [hbm:s0], s1  }
0x204: {  	s0 =	simm.s32 @!p0 $0x7  }
0x205: {  	_ =	swait.ge @!p0 [sflag:s0], s1  }
0x206: {  	s1 =	ssub.s32 @!p0 $0x0, s1;
	[sflag:s0] =	ssyncset.done @!p0 $0x0  }
0x207: {  	[sflag:s0] =	ssyncadd.s32 @!p0 s1  }
0x208: {  	[bflag:$0x3] =	sbarrier.arrive $0xFFFF  }
0x209: {  	_ =	shalt  }

</sc_bundles>
